<compile_context>
chip_gen: v7x
topology: tpu7x:2x2x1
jax: 0.10.2.dev20260603
libtpu: 0.0.44.dev20260713+nightly
codegen_flags: <defaults>
</compile_context>

<pallas_src>
import functools

import jax
import jax.numpy as jnp
from jax import lax
from jax.experimental import pallas as pl
from jax.experimental.pallas import tpu as pltpu
from jax.experimental.pallas import tpu_sc as plsc

_NC = 2
_NS = 16
_NW = _NC * _NS
_L = 16
_BLK = 128


def _mesh():
    return plsc.VectorSubcoreMesh(
        core_axis_name="c", subcore_axis_name="s",
        num_cores=_NC, num_subcores=_NS)


def _wid():
    return lax.axis_index("s") * _NC + lax.axis_index("c")


def _transpose_block(src, dst, nrows, d):
    lanes = lax.iota(jnp.int32, _L)
    perms = [(lanes + k) & (_L - 1) for k in range(_L)]

    @pl.loop(0, nrows // _L)
    def _i(it):
        rowv = it * _L + lanes

        @pl.loop(0, d // _L, unroll=2)
        def _j(jt):
            d0 = jt * _L
            for k in range(_L):
                colv = d0 + perms[k]
                vals = plsc.load_gather(src, [colv, rowv])
                plsc.store_scatter(dst, [rowv, colv], vals)


def _relayout_table(wt, tail128, v, d):
    nfull = v // _BLK
    tail = v - nfull * _BLK
    per_w = nfull // _NW
    extra = nfull - per_w * _NW

    @functools.partial(
        pl.kernel,
        out_type=jax.ShapeDtypeStruct((v, _BLK), jnp.float32),
        mesh=_mesh(),
        scratch_types=[
            pltpu.VMEM((d, _BLK), jnp.float32),
            pltpu.VMEM((d, _BLK), jnp.float32),
            pltpu.VMEM((_BLK, _BLK), jnp.float32),
            pltpu.VMEM((_BLK, _BLK), jnp.float32),
            pltpu.SemaphoreType.DMA,
            pltpu.SemaphoreType.DMA,
            pltpu.SemaphoreType.DMA,
            pltpu.SemaphoreType.DMA,
        ],
        compiler_params=pltpu.CompilerParams(needs_layout_passes=False),
    )
    def body(wt_hbm, tail_hbm, tab_hbm, stage0, stage1, tblk0, tblk1,
             rsem0, rsem1, wsem0, wsem1):
        stage = (stage0, stage1)
        tblk = (tblk0, tblk1)
        rsem = (rsem0, rsem1)
        wsem = (wsem0, wsem1)
        wid = _wid()
        off = wid * per_w + jnp.minimum(wid, extra)
        nb = per_w + 2

        def c0_of(j):
            return jnp.minimum((off + j) * _BLK, (nfull - 1) * _BLK)

        def read(j, b):
            pltpu.async_copy(
                wt_hbm.at[:, pl.ds(c0_of(j), _BLK)], stage[b], rsem[b])

        def wait_read(b):
            pltpu.make_async_copy(
                wt_hbm.at[:, pl.ds(0, _BLK)], stage[b], rsem[b]).wait()

        def write(j, b):
            pltpu.async_copy(
                tblk[b], tab_hbm.at[pl.ds(c0_of(j), _BLK)], wsem[b])

        def wait_write(b):
            pltpu.make_async_copy(
                tblk[b], tab_hbm.at[pl.ds(0, _BLK)], wsem[b]).wait()

        def step(j, b):
            wait_read(b)

            @pl.when(j > 1)
            def _():
                wait_write(b)
            _transpose_block(stage[b], tblk[b], _BLK, d)
            write(j, b)

            @pl.when(j + 2 < nb)
            def _():
                read(j + 2, b)

        read(0, 0)
        read(1, 1)

        @pl.loop(0, nb, step=2)
        def _per_blk(j):
            step(j, 0)
            step(j + 1, 1)

        wait_write(0)
        wait_write(1)

        if tail:
            @pl.when(wid == _NW - 1)
            def _tail():
                pltpu.sync_copy(tail_hbm.at[pl.ds(0, tail)],
                                tblk0.at[pl.ds(0, tail)])
                pltpu.sync_copy(tblk0.at[pl.ds(0, tail)],
                                tab_hbm.at[pl.ds(nfull * _BLK, tail)])

    return body(wt, tail128)


def _embed_gather(xt, tab, bsz, h, d):
    bw = bsz // _NW

    @functools.partial(
        pl.kernel,
        out_type=jax.ShapeDtypeStruct((h, d, bsz), jnp.float32),
        mesh=_mesh(),
        scratch_types=[
            pltpu.VMEM((h, bw), jnp.int32),
            pltpu.VMEM((bw, _BLK), jnp.float32),
            pltpu.VMEM((bw, _BLK), jnp.float32),
            pltpu.VMEM((d, bw), jnp.float32),
            pltpu.VMEM((d, bw), jnp.float32),
            pltpu.SemaphoreType.DMA,
            pltpu.SemaphoreType.DMA,
            pltpu.SemaphoreType.DMA,
            pltpu.SemaphoreType.DMA,
        ],
        compiler_params=pltpu.CompilerParams(needs_layout_passes=False),
    )
    def body(xt_hbm, tab_hbm, out_hbm, idxv, pair0, pair1,
             outb0, outb1, gsem0, gsem1, osem0, osem1):
        pair = (pair0, pair1)
        outbuf = (outb0, outb1)
        gsem = (gsem0, gsem1)
        osem = (osem0, osem1)
        wid = _wid()
        b0 = wid * bw

        pltpu.sync_copy(xt_hbm.at[:, pl.ds(b0, bw)], idxv)

        lanes = lax.iota(jnp.int32, _L)
        rowvecs = [lanes + k * _L for k in range(bw // _L)]

        def fire(l, b):
            pltpu.async_copy(tab_hbm.at[idxv.at[l]], pair[b], gsem[b])

        def drain(b):
            pltpu.make_async_copy(
                tab_hbm.at[pl.ds(0, bw)], pair[b], gsem[b]).wait()

        def emit(l, b):
            drain(b)

            @pl.when(l > 1)
            def _():
                pltpu.make_async_copy(
                    outbuf[b], out_hbm.at[0, :, pl.ds(0, bw)],
                    osem[b]).wait()
            _transpose_block(pair[b], outbuf[b], d, bw)
            pltpu.async_copy(
                outbuf[b], out_hbm.at[l, :, pl.ds(b0, bw)], osem[b])

        fire(0, 0)

        @pl.loop(0, h, step=2)
        def _pair_l(l):
            fire(l + 1, 1)
            emit(l, 0)

            @pl.when(l + 2 < h)
            def _():
                fire(l + 2, 0)
            emit(l + 1, 1)

        for b in (0, 1):
            pltpu.make_async_copy(
                outbuf[b], out_hbm.at[0, :, pl.ds(0, bw)], osem[b]).wait()

    return body(xt, tab)


def kernel(x, embed_weights):
    bsz, h = x.shape
    v, d = embed_weights.shape
    xt = x.T.astype(jnp.int32)
    wt = embed_weights.T
    nfull = v // _BLK
    tail128 = jnp.pad(embed_weights[nfull * _BLK:],
                      ((0, _BLK - (v - nfull * _BLK)), (0, _BLK - d)))
    tab = _relayout_table(wt, tail128, v, d)
    o = _embed_gather(xt, tab, bsz, h, d)
    return jnp.transpose(o, (2, 0, 1))

# --- scband reference (transcript-rebuilt; emitter-appended) ---
"""Pipeline reference for scband-embedder-54494545051963 (READ-ONLY COPY).

The authoritative reference and input builder live on the scoring server;
editing this copy changes nothing except your own understanding.
"""

import jax, jax.numpy as jnp
import numpy as np

VOCAB = 1000000
D_MODEL = 64
BATCH = 4096
HIST = 200


def setup_inputs(seed: int = 0) -> dict:
    key = jax.random.key(seed)
    k_idx, k_w = jax.random.split(key)
    x = jax.random.randint(k_idx, (BATCH, HIST), 0, VOCAB, dtype=jnp.int64 if jax.config.jax_enable_x64 else jnp.int32)
    embed_weights = jax.random.normal(k_w, (VOCAB, D_MODEL), dtype=jnp.float32)
    return {"x": x, "embed_weights": embed_weights}


def reference(x, embed_weights):
    # Faithful translation of nn.Embedding(vocab_size, d_model) lookup:
    # out[b, l, :] = embed_weights[x[b, l], :]
    return jnp.take(embed_weights, x, axis=0)

if __name__ == "__main__":
    import jax
    _d = setup_inputs()
    print(jax.jit(kernel)(*tuple(_d.values())))

</pallas_src>

<mosaic_0001>
#map = affine_map<(d0, d1) -> (0, 0)>
#map1 = affine_map<(d0, d1) -> (0, 0, 0)>
module attributes {stable_mosaic.version = 14 : i64} {
  func.func @body(%arg0: i32, %arg1: i32, %arg2: memref<200x4096xi32, #tpu.memory_space<hbm>>, %arg3: memref<1000000x128xf32, #tpu.memory_space<hbm>>, %arg4: memref<200x64x4096xf32, #tpu.memory_space<hbm>>, %arg5: memref<200x128xi32, #tpu.memory_space<vmem>>, %arg6: memref<128x128xf32, #tpu.memory_space<vmem>>, %arg7: memref<128x128xf32, #tpu.memory_space<vmem>>, %arg8: memref<64x128xf32, #tpu.memory_space<vmem>>, %arg9: memref<64x128xf32, #tpu.memory_space<vmem>>, %arg10: memref<!tpu.dma_semaphore, #tpu.memory_space<semaphore_mem>>, %arg11: memref<!tpu.dma_semaphore, #tpu.memory_space<semaphore_mem>>, %arg12: memref<!tpu.dma_semaphore, #tpu.memory_space<semaphore_mem>>, %arg13: memref<!tpu.dma_semaphore, #tpu.memory_space<semaphore_mem>>) attributes {dimension_semantics = [#tpu.dimension_semantics<core_parallel>, #tpu.dimension_semantics<subcore_parallel>], iteration_bounds = array<i64: 2, 16>, scalar_prefetch = 0 : i64, scratch_operands = 9 : i64, tpu.core_type = #tpu.core_type<sc_vector_subcore>, window_params = [{transform_indices = #map}, {transform_indices = #map}, {transform_indices = #map1}]} {
    %mul3A = arith.constant 2 : i32
    %mul3A_0 = arith.muli %arg1, %mul3A : i32
    %add3A = arith.addi %mul3A_0, %arg0 : i32
    %mul3A_1 = arith.constant 128 : i32
    %mul3A_2 = arith.muli %add3A, %mul3A_1 : i32
    "tpu.region"() ({
      %run_scoped3A = tpu.sem_alloc : memref<!tpu.dma_semaphore, #tpu.memory_space<semaphore_mem>>
      %dma_start3A_54 = arith.constant 0 : i32
      %dma_start3A_55 = tpu.memref_slice %arg2[%dma_start3A_54, %mul3A_2] : memref<200x4096xi32, #tpu.memory_space<hbm>> -> memref<200x128xi32, #tpu.memory_space<hbm>>
      %dma_start3A_56 = arith.constant 0 : i32
      %dma_start3A_57 = tpu.memref_slice %arg2[%dma_start3A_56, %mul3A_2] : memref<200x4096xi32, #tpu.memory_space<hbm>> -> memref<200x128xi32, #tpu.memory_space<hbm>>
      tpu.enqueue_dma source(%dma_start3A_57 : memref<200x128xi32, #tpu.memory_space<hbm>>) target(%arg5 : memref<200x128xi32, #tpu.memory_space<vmem>>) target_semaphore(%run_scoped3A : memref<!tpu.dma_semaphore, #tpu.memory_space<semaphore_mem>>)
      %dma_wait3A_58 = arith.constant 0 : i32
      %dma_wait3A_59 = tpu.memref_slice %arg2[%dma_wait3A_58, %mul3A_2] : memref<200x4096xi32, #tpu.memory_space<hbm>> -> memref<200x128xi32, #tpu.memory_space<hbm>>
      %dma_wait3A_60 = arith.constant 0 : i32
      %dma_wait3A_61 = tpu.memref_slice %arg2[%dma_wait3A_60, %mul3A_2] : memref<200x4096xi32, #tpu.memory_space<hbm>> -> memref<200x128xi32, #tpu.memory_space<hbm>>
      tpu.wait_dma2 semaphore(%run_scoped3A : memref<!tpu.dma_semaphore, #tpu.memory_space<semaphore_mem>>) src(%dma_wait3A_61 : memref<200x128xi32, #tpu.memory_space<hbm>>) dst(%arg5 : memref<200x128xi32, #tpu.memory_space<vmem>>)
      tpu.yield
    }) : () -> ()
    %iota3A = tpu.iota {dimensions = array<i32: 0>} : vector<16xi32>
    %add3A_3 = arith.constant 0 : i32
    %add3A_4 = vector.broadcast %add3A_3 : i32 to vector<16xi32>
    %add3A_5 = arith.addi %iota3A, %add3A_4 : vector<16xi32>
    %add3A_6 = arith.constant 16 : i32
    %add3A_7 = vector.broadcast %add3A_6 : i32 to vector<16xi32>
    %add3A_8 = arith.addi %iota3A, %add3A_7 : vector<16xi32>
    %add3A_9 = arith.constant 32 : i32
    %add3A_10 = vector.broadcast %add3A_9 : i32 to vector<16xi32>
    %add3A_11 = arith.addi %iota3A, %add3A_10 : vector<16xi32>
    %add3A_12 = arith.constant 48 : i32
    %add3A_13 = vector.broadcast %add3A_12 : i32 to vector<16xi32>
    %add3A_14 = arith.addi %iota3A, %add3A_13 : vector<16xi32>
    %add3A_15 = arith.constant 64 : i32
    %add3A_16 = vector.broadcast %add3A_15 : i32 to vector<16xi32>
    %add3A_17 = arith.addi %iota3A, %add3A_16 : vector<16xi32>
    %add3A_18 = arith.constant 80 : i32
    %add3A_19 = vector.broadcast %add3A_18 : i32 to vector<16xi32>
    %add3A_20 = arith.addi %iota3A, %add3A_19 : vector<16xi32>
    %add3A_21 = arith.constant 96 : i32
    %add3A_22 = vector.broadcast %add3A_21 : i32 to vector<16xi32>
    %add3A_23 = arith.addi %iota3A, %add3A_22 : vector<16xi32>
    %add3A_24 = arith.constant 112 : i32
    %add3A_25 = vector.broadcast %add3A_24 : i32 to vector<16xi32>
    %add3A_26 = arith.addi %iota3A, %add3A_25 : vector<16xi32>
    %dma_start3A = arith.constant 0 : i32
    %dma_start3A_27 = arith.constant 0 : i32
    %dma_start3A_28 = tpu.memref_slice %arg5[%dma_start3A, %dma_start3A_27] : memref<200x128xi32, #tpu.memory_space<vmem>> -> memref<1x128xi32, #tpu.memory_space<vmem>>
    %dma_start3A_29 = tpu.memref_squeeze %dma_start3A_28 : memref<1x128xi32, #tpu.memory_space<vmem>> -> memref<128xi32, #tpu.memory_space<vmem>>
    %dma_start3A_30 = arith.constant 0 : i32
    %dma_start3A_31 = arith.constant 0 : i32
    %dma_start3A_32 = tpu.memref_slice %arg3[%dma_start3A_30, %dma_start3A_31] : memref<1000000x128xf32, #tpu.memory_space<hbm>> -> memref<1000000x128xf32, #tpu.memory_space<hbm>>
    tpu.enqueue_indirect_dma source(%dma_start3A_32 : memref<1000000x128xf32, #tpu.memory_space<hbm>>) target(%arg6 : memref<128x128xf32, #tpu.memory_space<vmem>>) offsets(%dma_start3A_29 : memref<128xi32, #tpu.memory_space<vmem>>) semaphore(%arg10 : memref<!tpu.dma_semaphore, #tpu.memory_space<semaphore_mem>>)
    %scan3A = arith.constant 0 : i32
    %scan3A_33 = arith.constant 100 : i32
    %scan3A_34 = arith.addi %scan3A, %scan3A_33 : i32
    %scan3A_35 = arith.constant 1 : i32
    scf.for %scan3A_54 = %scan3A to %scan3A_34 step %scan3A_35  : i32 {
      %mul3A_55 = arith.constant 2 : i32
      %mul3A_56 = arith.muli %scan3A_54, %mul3A_55 : i32
      %add3A_57 = arith.constant 0 : i32
      %add3A_58 = arith.addi %add3A_57, %mul3A_56 : i32
      %add3A_59 = arith.constant 1 : i32
      %add3A_60 = arith.addi %add3A_58, %add3A_59 : i32
      %dma_start3A_61 = arith.constant 0 : i32
      %dma_start3A_62 = tpu.memref_slice %arg5[%add3A_60, %dma_start3A_61] : memref<200x128xi32, #tpu.memory_space<vmem>> -> memref<1x128xi32, #tpu.memory_space<vmem>>
      %dma_start3A_63 = tpu.memref_squeeze %dma_start3A_62 : memref<1x128xi32, #tpu.memory_space<vmem>> -> memref<128xi32, #tpu.memory_space<vmem>>
      %dma_start3A_64 = arith.constant 0 : i32
      %dma_start3A_65 = arith.constant 0 : i32
      %dma_start3A_66 = tpu.memref_slice %arg3[%dma_start3A_64, %dma_start3A_65] : memref<1000000x128xf32, #tpu.memory_space<hbm>> -> memref<1000000x128xf32, #tpu.memory_space<hbm>>
      tpu.enqueue_indirect_dma source(%dma_start3A_66 : memref<1000000x128xf32, #tpu.memory_space<hbm>>) target(%arg7 : memref<128x128xf32, #tpu.memory_space<vmem>>) offsets(%dma_start3A_63 : memref<128xi32, #tpu.memory_space<vmem>>) semaphore(%arg11 : memref<!tpu.dma_semaphore, #tpu.memory_space<semaphore_mem>>)
      %dma_wait3A_67 = arith.constant 0 : i32
      %dma_wait3A_68 = arith.constant 0 : i32
      %dma_wait3A_69 = tpu.memref_slice %arg3[%dma_wait3A_67, %dma_wait3A_68] : memref<1000000x128xf32, #tpu.memory_space<hbm>> -> memref<128x128xf32, #tpu.memory_space<hbm>>
      %dma_wait3A_70 = arith.constant 0 : i32
      %dma_wait3A_71 = arith.constant 0 : i32
      %dma_wait3A_72 = tpu.memref_slice %arg3[%dma_wait3A_70, %dma_wait3A_71] : memref<1000000x128xf32, #tpu.memory_space<hbm>> -> memref<128x128xf32, #tpu.memory_space<hbm>>
      tpu.wait_dma2 semaphore(%arg10 : memref<!tpu.dma_semaphore, #tpu.memory_space<semaphore_mem>>) src(%dma_wait3A_72 : memref<128x128xf32, #tpu.memory_space<hbm>>) dst(%arg6 : memref<128x128xf32, #tpu.memory_space<vmem>>)
      %gt3A = arith.constant 1 : i32
      %gt3A_73 = arith.cmpi sgt, %add3A_58, %gt3A : i32
      %convert_element_type3A = arith.extui %gt3A_73 : i1 to i32
      %cond3A = arith.constant 0 : i32
      %cond3A_74 = arith.cmpi ne, %convert_element_type3A, %cond3A : i32
      scf.if %cond3A_74 {
        %dma_wait3A_309 = arith.constant 0 : i32
        %dma_wait3A_310 = arith.constant 0 : i32
        %dma_wait3A_311 = arith.constant 0 : i32
        %dma_wait3A_312 = tpu.memref_slice %arg4[%dma_wait3A_309, %dma_wait3A_310, %dma_wait3A_311] : memref<200x64x4096xf32, #tpu.memory_space<hbm>> -> memref<1x64x128xf32, #tpu.memory_space<hbm>>
        %dma_wait3A_313 = tpu.memref_squeeze %dma_wait3A_312 : memref<1x64x128xf32, #tpu.memory_space<hbm>> -> memref<64x128xf32, #tpu.memory_space<hbm>>
        %dma_wait3A_314 = arith.constant 0 : i32
        %dma_wait3A_315 = arith.constant 0 : i32
        %dma_wait3A_316 = tpu.memref_slice %arg4[%dma_wait3A_309, %dma_wait3A_314, %dma_wait3A_315] : memref<200x64x4096xf32, #tpu.memory_space<hbm>> -> memref<1x64x128xf32, #tpu.memory_space<hbm>>
        %dma_wait3A_317 = tpu.memref_squeeze %dma_wait3A_316 : memref<1x64x128xf32, #tpu.memory_space<hbm>> -> memref<64x128xf32, #tpu.memory_space<hbm>>
        tpu.wait_dma2 semaphore(%arg12 : memref<!tpu.dma_semaphore, #tpu.memory_space<semaphore_mem>>) src(%arg8 : memref<64x128xf32, #tpu.memory_space<vmem>>) dst(%dma_wait3A_317 : memref<64x128xf32, #tpu.memory_space<hbm>>)
      } else {
      }
      %iota3A_75 = tpu.iota {dimensions = array<i32: 0>} : vector<16xi32>
      %add3A_76 = arith.constant 0 : i32
      %add3A_77 = vector.broadcast %add3A_76 : i32 to vector<16xi32>
      %add3A_78 = arith.addi %iota3A_75, %add3A_77 : vector<16xi32>
      %and3A = arith.constant 15 : i32
      %and3A_79 = vector.broadcast %and3A : i32 to vector<16xi32>
      %and3A_80 = arith.andi %add3A_78, %and3A_79 : vector<16xi32>
      %add3A_81 = arith.constant 1 : i32
      %add3A_82 = vector.broadcast %add3A_81 : i32 to vector<16xi32>
      %add3A_83 = arith.addi %iota3A_75, %add3A_82 : vector<16xi32>
      %and3A_84 = arith.constant 15 : i32
      %and3A_85 = vector.broadcast %and3A_84 : i32 to vector<16xi32>
      %and3A_86 = arith.andi %add3A_83, %and3A_85 : vector<16xi32>
      %add3A_87 = arith.constant 2 : i32
      %add3A_88 = vector.broadcast %add3A_87 : i32 to vector<16xi32>
      %add3A_89 = arith.addi %iota3A_75, %add3A_88 : vector<16xi32>
      %and3A_90 = arith.constant 15 : i32
      %and3A_91 = vector.broadcast %and3A_90 : i32 to vector<16xi32>
      %and3A_92 = arith.andi %add3A_89, %and3A_91 : vector<16xi32>
      %add3A_93 = arith.constant 3 : i32
      %add3A_94 = vector.broadcast %add3A_93 : i32 to vector<16xi32>
      %add3A_95 = arith.addi %iota3A_75, %add3A_94 : vector<16xi32>
      %and3A_96 = arith.constant 15 : i32
      %and3A_97 = vector.broadcast %and3A_96 : i32 to vector<16xi32>
      %and3A_98 = arith.andi %add3A_95, %and3A_97 : vector<16xi32>
      %add3A_99 = arith.constant 4 : i32
      %add3A_100 = vector.broadcast %add3A_99 : i32 to vector<16xi32>
      %add3A_101 = arith.addi %iota3A_75, %add3A_100 : vector<16xi32>
      %and3A_102 = arith.constant 15 : i32
      %and3A_103 = vector.broadcast %and3A_102 : i32 to vector<16xi32>
      %and3A_104 = arith.andi %add3A_101, %and3A_103 : vector<16xi32>
      %add3A_105 = arith.constant 5 : i32
      %add3A_106 = vector.broadcast %add3A_105 : i32 to vector<16xi32>
      %add3A_107 = arith.addi %iota3A_75, %add3A_106 : vector<16xi32>
      %and3A_108 = arith.constant 15 : i32
      %and3A_109 = vector.broadcast %and3A_108 : i32 to vector<16xi32>
      %and3A_110 = arith.andi %add3A_107, %and3A_109 : vector<16xi32>
      %add3A_111 = arith.constant 6 : i32
      %add3A_112 = vector.broadcast %add3A_111 : i32 to vector<16xi32>
      %add3A_113 = arith.addi %iota3A_75, %add3A_112 : vector<16xi32>
      %and3A_114 = arith.constant 15 : i32
      %and3A_115 = vector.broadcast %and3A_114 : i32 to vector<16xi32>
      %and3A_116 = arith.andi %add3A_113, %and3A_115 : vector<16xi32>
      %add3A_117 = arith.constant 7 : i32
      %add3A_118 = vector.broadcast %add3A_117 : i32 to vector<16xi32>
      %add3A_119 = arith.addi %iota3A_75, %add3A_118 : vector<16xi32>
      %and3A_120 = arith.constant 15 : i32
      %and3A_121 = vector.broadcast %and3A_120 : i32 to vector<16xi32>
      %and3A_122 = arith.andi %add3A_119, %and3A_121 : vector<16xi32>
      %add3A_123 = arith.constant 8 : i32
      %add3A_124 = vector.broadcast %add3A_123 : i32 to vector<16xi32>
      %add3A_125 = arith.addi %iota3A_75, %add3A_124 : vector<16xi32>
      %and3A_126 = arith.constant 15 : i32
      %and3A_127 = vector.broadcast %and3A_126 : i32 to vector<16xi32>
      %and3A_128 = arith.andi %add3A_125, %and3A_127 : vector<16xi32>
      %add3A_129 = arith.constant 9 : i32
      %add3A_130 = vector.broadcast %add3A_129 : i32 to vector<16xi32>
      %add3A_131 = arith.addi %iota3A_75, %add3A_130 : vector<16xi32>
      %and3A_132 = arith.constant 15 : i32
      %and3A_133 = vector.broadcast %and3A_132 : i32 to vector<16xi32>
      %and3A_134 = arith.andi %add3A_131, %and3A_133 : vector<16xi32>
      %add3A_135 = arith.constant 10 : i32
      %add3A_136 = vector.broadcast %add3A_135 : i32 to vector<16xi32>
      %add3A_137 = arith.addi %iota3A_75, %add3A_136 : vector<16xi32>
      %and3A_138 = arith.constant 15 : i32
      %and3A_139 = vector.broadcast %and3A_138 : i32 to vector<16xi32>
      %and3A_140 = arith.andi %add3A_137, %and3A_139 : vector<16xi32>
      %add3A_141 = arith.constant 11 : i32
      %add3A_142 = vector.broadcast %add3A_141 : i32 to vector<16xi32>
      %add3A_143 = arith.addi %iota3A_75, %add3A_142 : vector<16xi32>
      %and3A_144 = arith.constant 15 : i32
      %and3A_145 = vector.broadcast %and3A_144 : i32 to vector<16xi32>
      %and3A_146 = arith.andi %add3A_143, %and3A_145 : vector<16xi32>
      %add3A_147 = arith.constant 12 : i32
      %add3A_148 = vector.broadcast %add3A_147 : i32 to vector<16xi32>
      %add3A_149 = arith.addi %iota3A_75, %add3A_148 : vector<16xi32>
      %and3A_150 = arith.constant 15 : i32
      %and3A_151 = vector.broadcast %and3A_150 : i32 to vector<16xi32>
      %and3A_152 = arith.andi %add3A_149, %and3A_151 : vector<16xi32>
      %add3A_153 = arith.constant 13 : i32
      %add3A_154 = vector.broadcast %add3A_153 : i32 to vector<16xi32>
      %add3A_155 = arith.addi %iota3A_75, %add3A_154 : vector<16xi32>
      %and3A_156 = arith.constant 15 : i32
      %and3A_157 = vector.broadcast %and3A_156 : i32 to vector<16xi32>
      %and3A_158 = arith.andi %add3A_155, %and3A_157 : vector<16xi32>
      %add3A_159 = arith.constant 14 : i32
      %add3A_160 = vector.broadcast %add3A_159 : i32 to vector<16xi32>
      %add3A_161 = arith.addi %iota3A_75, %add3A_160 : vector<16xi32>
      %and3A_162 = arith.constant 15 : i32
      %and3A_163 = vector.broadcast %and3A_162 : i32 to vector<16xi32>
      %and3A_164 = arith.andi %add3A_161, %and3A_163 : vector<16xi32>
      %add3A_165 = arith.constant 15 : i32
      %add3A_166 = vector.broadcast %add3A_165 : i32 to vector<16xi32>
      %add3A_167 = arith.addi %iota3A_75, %add3A_166 : vector<16xi32>
      %and3A_168 = arith.constant 15 : i32
      %and3A_169 = vector.broadcast %and3A_168 : i32 to vector<16xi32>
      %and3A_170 = arith.andi %add3A_167, %and3A_169 : vector<16xi32>
      %scan3A_171 = arith.constant 0 : i32
      %scan3A_172 = arith.constant 4 : i32
      %scan3A_173 = arith.addi %scan3A_171, %scan3A_172 : i32
      %scan3A_174 = arith.constant 1 : i32
      scf.for %scan3A_309 = %scan3A_171 to %scan3A_173 step %scan3A_174  : i32 {
        %mul3A_310 = arith.constant 1 : i32
        %mul3A_311 = arith.muli %scan3A_309, %mul3A_310 : i32
        %add3A_312 = arith.constant 0 : i32
        %add3A_313 = arith.addi %add3A_312, %mul3A_311 : i32
        %mul3A_314 = arith.constant 16 : i32
        %mul3A_315 = arith.muli %add3A_313, %mul3A_314 : i32
        %add3A_316 = vector.broadcast %mul3A_315 : i32 to vector<16xi32>
        %add3A_317 = arith.addi %add3A_316, %iota3A_75 : vector<16xi32>
        %scan3A_318 = arith.constant 0 : i32
        %scan3A_319 = arith.constant 8 : i32
        %scan3A_320 = arith.addi %scan3A_318, %scan3A_319 : i32
        %scan3A_321 = arith.constant 2 : i32
        scf.for %scan3A_323 = %scan3A_318 to %scan3A_320 step %scan3A_321  : i32 {
          %mul3A_324 = arith.constant 1 : i32
          %mul3A_325 = arith.muli %scan3A_323, %mul3A_324 : i32
          %add3A_326 = arith.constant 0 : i32
          %add3A_327 = arith.addi %add3A_326, %mul3A_325 : i32
          %mul3A_328 = arith.constant 16 : i32
          %mul3A_329 = arith.muli %add3A_327, %mul3A_328 : i32
          %add3A_330 = vector.broadcast %mul3A_329 : i32 to vector<16xi32>
          %add3A_331 = arith.addi %add3A_330, %and3A_80 : vector<16xi32>
          %gather3A = tpu.vector_load_idx %arg6[%add3A_331, %add3A_317] : memref<128x128xf32, #tpu.memory_space<vmem>>[vector<16xi32>, vector<16xi32>], vector<16xf32>,
          tpu.vector_store_idx %arg8[%add3A_317, %add3A_331], %gather3A : memref<64x128xf32, #tpu.memory_space<vmem>>[vector<16xi32>, vector<16xi32>], vector<16xf32>,
          %add3A_332 = vector.broadcast %mul3A_329 : i32 to vector<16xi32>
          %add3A_333 = arith.addi %add3A_332, %and3A_86 : vector<16xi32>
          %gather3A_334 = tpu.vector_load_idx %arg6[%add3A_333, %add3A_317] : memref<128x128xf32, #tpu.memory_space<vmem>>[vector<16xi32>, vector<16xi32>], vector<16xf32>,
          tpu.vector_store_idx %arg8[%add3A_317, %add3A_333], %gather3A_334 : memref<64x128xf32, #tpu.memory_space<vmem>>[vector<16xi32>, vector<16xi32>], vector<16xf32>,
          %add3A_335 = vector.broadcast %mul3A_329 : i32 to vector<16xi32>
          %add3A_336 = arith.addi %add3A_335, %and3A_92 : vector<16xi32>
          %gather3A_337 = tpu.vector_load_idx %arg6[%add3A_336, %add3A_317] : memref<128x128xf32, #tpu.memory_space<vmem>>[vector<16xi32>, vector<16xi32>], vector<16xf32>,
          tpu.vector_store_idx %arg8[%add3A_317, %add3A_336], %gather3A_337 : memref<64x128xf32, #tpu.memory_space<vmem>>[vector<16xi32>, vector<16xi32>], vector<16xf32>,
          %add3A_338 = vector.broadcast %mul3A_329 : i32 to vector<16xi32>
          %add3A_339 = arith.addi %add3A_338, %and3A_98 : vector<16xi32>
          %gather3A_340 = tpu.vector_load_idx %arg6[%add3A_339, %add3A_317] : memref<128x128xf32, #tpu.memory_space<vmem>>[vector<16xi32>, vector<16xi32>], vector<16xf32>,
          tpu.vector_store_idx %arg8[%add3A_317, %add3A_339], %gather3A_340 : memref<64x128xf32, #tpu.memory_space<vmem>>[vector<16xi32>, vector<16xi32>], vector<16xf32>,
          %add3A_341 = vector.broadcast %mul3A_329 : i32 to vector<16xi32>
          %add3A_342 = arith.addi %add3A_341, %and3A_104 : vector<16xi32>
          %gather3A_343 = tpu.vector_load_idx %arg6[%add3A_342, %add3A_317] : memref<128x128xf32, #tpu.memory_space<vmem>>[vector<16xi32>, vector<16xi32>], vector<16xf32>,
          tpu.vector_store_idx %arg8[%add3A_317, %add3A_342], %gather3A_343 : memref<64x128xf32, #tpu.memory_space<vmem>>[vector<16xi32>, vector<16xi32>], vector<16xf32>,
          %add3A_344 = vector.broadcast %mul3A_329 : i32 to vector<16xi32>
          %add3A_345 = arith.addi %add3A_344, %and3A_110 : vector<16xi32>
          %gather3A_346 = tpu.vector_load_idx %arg6[%add3A_345, %add3A_317] : memref<128x128xf32, #tpu.memory_space<vmem>>[vector<16xi32>, vector<16xi32>], vector<16xf32>,
          tpu.vector_store_idx %arg8[%add3A_317, %add3A_345], %gather3A_346 : memref<64x128xf32, #tpu.memory_space<vmem>>[vector<16xi32>, vector<16xi32>], vector<16xf32>,
          %add3A_347 = vector.broadcast %mul3A_329 : i32 to vector<16xi32>
          %add3A_348 = arith.addi %add3A_347, %and3A_116 : vector<16xi32>
          %gather3A_349 = tpu.vector_load_idx %arg6[%add3A_348, %add3A_317] : memref<128x128xf32, #tpu.memory_space<vmem>>[vector<16xi32>, vector<16xi32>], vector<16xf32>,
          tpu.vector_store_idx %arg8[%add3A_317, %add3A_348], %gather3A_349 : memref<64x128xf32, #tpu.memory_space<vmem>>[vector<16xi32>, vector<16xi32>], vector<16xf32>,
          %add3A_350 = vector.broadcast %mul3A_329 : i32 to vector<16xi32>
          %add3A_351 = arith.addi %add3A_350, %and3A_122 : vector<16xi32>
          %gather3A_352 = tpu.vector_load_idx %arg6[%add3A_351, %add3A_317] : memref<128x128xf32, #tpu.memory_space<vmem>>[vector<16xi32>, vector<16xi32>], vector<16xf32>,
          tpu.vector_store_idx %arg8[%add3A_317, %add3A_351], %gather3A_352 : memref<64x128xf32, #tpu.memory_space<vmem>>[vector<16xi32>, vector<16xi32>], vector<16xf32>,
          %add3A_353 = vector.broadcast %mul3A_329 : i32 to vector<16xi32>
          %add3A_354 = arith.addi %add3A_353, %and3A_128 : vector<16xi32>
          %gather3A_355 = tpu.vector_load_idx %arg6[%add3A_354, %add3A_317] : memref<128x128xf32, #tpu.memory_space<vmem>>[vector<16xi32>, vector<16xi32>], vector<16xf32>,
          tpu.vector_store_idx %arg8[%add3A_317, %add3A_354], %gather3A_355 : memref<64x128xf32, #tpu.memory_space<vmem>>[vector<16xi32>, vector<16xi32>], vector<16xf32>,
          %add3A_356 = vector.broadcast %mul3A_329 : i32 to vector<16xi32>
          %add3A_357 = arith.addi %add3A_356, %and3A_134 : vector<16xi32>
          %gather3A_358 = tpu.vector_load_idx %arg6[%add3A_357, %add3A_317] : memref<128x128xf32, #tpu.memory_space<vmem>>[vector<16xi32>, vector<16xi32>], vector<16xf32>,
          tpu.vector_store_idx %arg8[%add3A_317, %add3A_357], %gather3A_358 : memref<64x128xf32, #tpu.memory_space<vmem>>[vector<16xi32>, vector<16xi32>], vector<16xf32>,
          %add3A_359 = vector.broadcast %mul3A_329 : i32 to vector<16xi32>
          %add3A_360 = arith.addi %add3A_359, %and3A_140 : vector<16xi32>
          %gather3A_361 = tpu.vector_load_idx %arg6[%add3A_360, %add3A_317] : memref<128x128xf32, #tpu.memory_space<vmem>>[vector<16xi32>, vector<16xi32>], vector<16xf32>,
          tpu.vector_store_idx %arg8[%add3A_317, %add3A_360], %gather3A_361 : memref<64x128xf32, #tpu.memory_space<vmem>>[vector<16xi32>, vector<16xi32>], vector<16xf32>,
          %add3A_362 = vector.broadcast %mul3A_329 : i32 to vector<16xi32>
          %add3A_363 = arith.addi %add3A_362, %and3A_146 : vector<16xi32>
          %gather3A_364 = tpu.vector_load_idx %arg6[%add3A_363, %add3A_317] : memref<128x128xf32, #tpu.memory_space<vmem>>[vector<16xi32>, vector<16xi32>], vector<16xf32>,
          tpu.vector_store_idx %arg8[%add3A_317, %add3A_363], %gather3A_364 : memref<64x128xf32, #tpu.memory_space<vmem>>[vector<16xi32>, vector<16xi32>], vector<16xf32>,
          %add3A_365 = vector.broadcast %mul3A_329 : i32 to vector<16xi32>
          %add3A_366 = arith.addi %add3A_365, %and3A_152 : vector<16xi32>
          %gather3A_367 = tpu.vector_load_idx %arg6[%add3A_366, %add3A_317] : memref<128x128xf32, #tpu.memory_space<vmem>>[vector<16xi32>, vector<16xi32>], vector<16xf32>,
          tpu.vector_store_idx %arg8[%add3A_317, %add3A_366], %gather3A_367 : memref<64x128xf32, #tpu.memory_space<vmem>>[vector<16xi32>, vector<16xi32>], vector<16xf32>,
          %add3A_368 = vector.broadcast %mul3A_329 : i32 to vector<16xi32>
          %add3A_369 = arith.addi %add3A_368, %and3A_158 : vector<16xi32>
          %gather3A_370 = tpu.vector_load_idx %arg6[%add3A_369, %add3A_317] : memref<128x128xf32, #tpu.memory_space<vmem>>[vector<16xi32>, vector<16xi32>], vector<16xf32>,
          tpu.vector_store_idx %arg8[%add3A_317, %add3A_369], %gather3A_370 : memref<64x128xf32, #tpu.memory_space<vmem>>[vector<16xi32>, vector<16xi32>], vector<16xf32>,
          %add3A_371 = vector.broadcast %mul3A_329 : i32 to vector<16xi32>
          %add3A_372 = arith.addi %add3A_371, %and3A_164 : vector<16xi32>
          %gather3A_373 = tpu.vector_load_idx %arg6[%add3A_372, %add3A_317] : memref<128x128xf32, #tpu.memory_space<vmem>>[vector<16xi32>, vector<16xi32>], vector<16xf32>,
          tpu.vector_store_idx %arg8[%add3A_317, %add3A_372], %gather3A_373 : memref<64x128xf32, #tpu.memory_space<vmem>>[vector<16xi32>, vector<16xi32>], vector<16xf32>,
          %add3A_374 = vector.broadcast %mul3A_329 : i32 to vector<16xi32>
          %add3A_375 = arith.addi %add3A_374, %and3A_170 : vector<16xi32>
          %gather3A_376 = tpu.vector_load_idx %arg6[%add3A_375, %add3A_317] : memref<128x128xf32, #tpu.memory_space<vmem>>[vector<16xi32>, vector<16xi32>], vector<16xf32>,
          tpu.vector_store_idx %arg8[%add3A_317, %add3A_375], %gather3A_376 : memref<64x128xf32, #tpu.memory_space<vmem>>[vector<16xi32>, vector<16xi32>], vector<16xf32>,
          %scan3A_377 = arith.constant 1 : i32
          %scan3A_378 = arith.addi %scan3A_323, %scan3A_377 : i32
          %mul3A_379 = arith.constant 1 : i32
          %mul3A_380 = arith.muli %scan3A_378, %mul3A_379 : i32
          %add3A_381 = arith.constant 0 : i32
          %add3A_382 = arith.addi %add3A_381, %mul3A_380 : i32
          %mul3A_383 = arith.constant 16 : i32
          %mul3A_384 = arith.muli %add3A_382, %mul3A_383 : i32
          %add3A_385 = vector.broadcast %mul3A_384 : i32 to vector<16xi32>
          %add3A_386 = arith.addi %add3A_385, %and3A_80 : vector<16xi32>
          %gather3A_387 = tpu.vector_load_idx %arg6[%add3A_386, %add3A_317] : memref<128x128xf32, #tpu.memory_space<vmem>>[vector<16xi32>, vector<16xi32>], vector<16xf32>,
          tpu.vector_store_idx %arg8[%add3A_317, %add3A_386], %gather3A_387 : memref<64x128xf32, #tpu.memory_space<vmem>>[vector<16xi32>, vector<16xi32>], vector<16xf32>,
          %add3A_388 = vector.broadcast %mul3A_384 : i32 to vector<16xi32>
          %add3A_389 = arith.addi %add3A_388, %and3A_86 : vector<16xi32>
          %gather3A_390 = tpu.vector_load_idx %arg6[%add3A_389, %add3A_317] : memref<128x128xf32, #tpu.memory_space<vmem>>[vector<16xi32>, vector<16xi32>], vector<16xf32>,
          tpu.vector_store_idx %arg8[%add3A_317, %add3A_389], %gather3A_390 : memref<64x128xf32, #tpu.memory_space<vmem>>[vector<16xi32>, vector<16xi32>], vector<16xf32>,
          %add3A_391 = vector.broadcast %mul3A_384 : i32 to vector<16xi32>
          %add3A_392 = arith.addi %add3A_391, %and3A_92 : vector<16xi32>
          %gather3A_393 = tpu.vector_load_idx %arg6[%add3A_392, %add3A_317] : memref<128x128xf32, #tpu.memory_space<vmem>>[vector<16xi32>, vector<16xi32>], vector<16xf32>,
          tpu.vector_store_idx %arg8[%add3A_317, %add3A_392], %gather3A_393 : memref<64x128xf32, #tpu.memory_space<vmem>>[vector<16xi32>, vector<16xi32>], vector<16xf32>,
          %add3A_394 = vector.broadcast %mul3A_384 : i32 to vector<16xi32>
          %add3A_395 = arith.addi %add3A_394, %and3A_98 : vector<16xi32>
          %gather3A_396 = tpu.vector_load_idx %arg6[%add3A_395, %add3A_317] : memref<128x128xf32, #tpu.memory_space<vmem>>[vector<16xi32>, vector<16xi32>], vector<16xf32>,
          tpu.vector_store_idx %arg8[%add3A_317, %add3A_395], %gather3A_396 : memref<64x128xf32, #tpu.memory_space<vmem>>[vector<16xi32>, vector<16xi32>], vector<16xf32>,
          %add3A_397 = vector.broadcast %mul3A_384 : i32 to vector<16xi32>
          %add3A_398 = arith.addi %add3A_397, %and3A_104 : vector<16xi32>
          %gather3A_399 = tpu.vector_load_idx %arg6[%add3A_398, %add3A_317] : memref<128x128xf32, #tpu.memory_space<vmem>>[vector<16xi32>, vector<16xi32>], vector<16xf32>,
          tpu.vector_store_idx %arg8[%add3A_317, %add3A_398], %gather3A_399 : memref<64x128xf32, #tpu.memory_space<vmem>>[vector<16xi32>, vector<16xi32>], vector<16xf32>,
          %add3A_400 = vector.broadcast %mul3A_384 : i32 to vector<16xi32>
          %add3A_401 = arith.addi %add3A_400, %and3A_110 : vector<16xi32>
          %gather3A_402 = tpu.vector_load_idx %arg6[%add3A_401, %add3A_317] : memref<128x128xf32, #tpu.memory_space<vmem>>[vector<16xi32>, vector<16xi32>], vector<16xf32>,
          tpu.vector_store_idx %arg8[%add3A_317, %add3A_401], %gather3A_402 : memref<64x128xf32, #tpu.memory_space<vmem>>[vector<16xi32>, vector<16xi32>], vector<16xf32>,
          %add3A_403 = vector.broadcast %mul3A_384 : i32 to vector<16xi32>
          %add3A_404 = arith.addi %add3A_403, %and3A_116 : vector<16xi32>
          %gather3A_405 = tpu.vector_load_idx %arg6[%add3A_404, %add3A_317] : memref<128x128xf32, #tpu.memory_space<vmem>>[vector<16xi32>, vector<16xi32>], vector<16xf32>,
          tpu.vector_store_idx %arg8[%add3A_317, %add3A_404], %gather3A_405 : memref<64x128xf32, #tpu.memory_space<vmem>>[vector<16xi32>, vector<16xi32>], vector<16xf32>,
          %add3A_406 = vector.broadcast %mul3A_384 : i32 to vector<16xi32>
          %add3A_407 = arith.addi %add3A_406, %and3A_122 : vector<16xi32>
          %gather3A_408 = tpu.vector_load_idx %arg6[%add3A_407, %add3A_317] : memref<128x128xf32, #tpu.memory_space<vmem>>[vector<16xi32>, vector<16xi32>], vector<16xf32>,
          tpu.vector_store_idx %arg8[%add3A_317, %add3A_407], %gather3A_408 : memref<64x128xf32, #tpu.memory_space<vmem>>[vector<16xi32>, vector<16xi32>], vector<16xf32>,
          %add3A_409 = vector.broadcast %mul3A_384 : i32 to vector<16xi32>
          %add3A_410 = arith.addi %add3A_409, %and3A_128 : vector<16xi32>
          %gather3A_411 = tpu.vector_load_idx %arg6[%add3A_410, %add3A_317] : memref<128x128xf32, #tpu.memory_space<vmem>>[vector<16xi32>, vector<16xi32>], vector<16xf32>,
          tpu.vector_store_idx %arg8[%add3A_317, %add3A_410], %gather3A_411 : memref<64x128xf32, #tpu.memory_space<vmem>>[vector<16xi32>, vector<16xi32>], vector<16xf32>,
          %add3A_412 = vector.broadcast %mul3A_384 : i32 to vector<16xi32>
          %add3A_413 = arith.addi %add3A_412, %and3A_134 : vector<16xi32>
          %gather3A_414 = tpu.vector_load_idx %arg6[%add3A_413, %add3A_317] : memref<128x128xf32, #tpu.memory_space<vmem>>[vector<16xi32>, vector<16xi32>], vector<16xf32>,
          tpu.vector_store_idx %arg8[%add3A_317, %add3A_413], %gather3A_414 : memref<64x128xf32, #tpu.memory_space<vmem>>[vector<16xi32>, vector<16xi32>], vector<16xf32>,
          %add3A_415 = vector.broadcast %mul3A_384 : i32 to vector<16xi32>
          %add3A_416 = arith.addi %add3A_415, %and3A_140 : vector<16xi32>
          %gather3A_417 = tpu.vector_load_idx %arg6[%add3A_416, %add3A_317] : memref<128x128xf32, #tpu.memory_space<vmem>>[vector<16xi32>, vector<16xi32>], vector<16xf32>,
          tpu.vector_store_idx %arg8[%add3A_317, %add3A_416], %gather3A_417 : memref<64x128xf32, #tpu.memory_space<vmem>>[vector<16xi32>, vector<16xi32>], vector<16xf32>,
          %add3A_418 = vector.broadcast %mul3A_384 : i32 to vector<16xi32>
          %add3A_419 = arith.addi %add3A_418, %and3A_146 : vector<16xi32>
          %gather3A_420 = tpu.vector_load_idx %arg6[%add3A_419, %add3A_317] : memref<128x128xf32, #tpu.memory_space<vmem>>[vector<16xi32>, vector<16xi32>], vector<16xf32>,
          tpu.vector_store_idx %arg8[%add3A_317, %add3A_419], %gather3A_420 : memref<64x128xf32, #tpu.memory_space<vmem>>[vector<16xi32>, vector<16xi32>], vector<16xf32>,
          %add3A_421 = vector.broadcast %mul3A_384 : i32 to vector<16xi32>
          %add3A_422 = arith.addi %add3A_421, %and3A_152 : vector<16xi32>
          %gather3A_423 = tpu.vector_load_idx %arg6[%add3A_422, %add3A_317] : memref<128x128xf32, #tpu.memory_space<vmem>>[vector<16xi32>, vector<16xi32>], vector<16xf32>,
          tpu.vector_store_idx %arg8[%add3A_317, %add3A_422], %gather3A_423 : memref<64x128xf32, #tpu.memory_space<vmem>>[vector<16xi32>, vector<16xi32>], vector<16xf32>,
          %add3A_424 = vector.broadcast %mul3A_384 : i32 to vector<16xi32>
          %add3A_425 = arith.addi %add3A_424, %and3A_158 : vector<16xi32>
          %gather3A_426 = tpu.vector_load_idx %arg6[%add3A_425, %add3A_317] : memref<128x128xf32, #tpu.memory_space<vmem>>[vector<16xi32>, vector<16xi32>], vector<16xf32>,
          tpu.vector_store_idx %arg8[%add3A_317, %add3A_425], %gather3A_426 : memref<64x128xf32, #tpu.memory_space<vmem>>[vector<16xi32>, vector<16xi32>], vector<16xf32>,
          %add3A_427 = vector.broadcast %mul3A_384 : i32 to vector<16xi32>
          %add3A_428 = arith.addi %add3A_427, %and3A_164 : vector<16xi32>
          %gather3A_429 = tpu.vector_load_idx %arg6[%add3A_428, %add3A_317] : memref<128x128xf32, #tpu.memory_space<vmem>>[vector<16xi32>, vector<16xi32>], vector<16xf32>,
          tpu.vector_store_idx %arg8[%add3A_317, %add3A_428], %gather3A_429 : memref<64x128xf32, #tpu.memory_space<vmem>>[vector<16xi32>, vector<16xi32>], vector<16xf32>,
          %add3A_430 = vector.broadcast %mul3A_384 : i32 to vector<16xi32>
          %add3A_431 = arith.addi %add3A_430, %and3A_170 : vector<16xi32>
          %gather3A_432 = tpu.vector_load_idx %arg6[%add3A_431, %add3A_317] : memref<128x128xf32, #tpu.memory_space<vmem>>[vector<16xi32>, vector<16xi32>], vector<16xf32>,
          tpu.vector_store_idx %arg8[%add3A_317, %add3A_431], %gather3A_432 : memref<64x128xf32, #tpu.memory_space<vmem>>[vector<16xi32>, vector<16xi32>], vector<16xf32>,
        }
        %scan3A_322 = arith.constant 8 : i32
      }
      %scan3A_175 = arith.constant 4 : i32
      %dma_start3A_176 = arith.constant 0 : i32
      %dma_start3A_177 = tpu.memref_slice %arg4[%add3A_58, %dma_start3A_176, %mul3A_2] : memref<200x64x4096xf32, #tpu.memory_space<hbm>> -> memref<1x64x128xf32, #tpu.memory_space<hbm>>
      %dma_start3A_178 = tpu.memref_squeeze %dma_start3A_177 : memref<1x64x128xf32, #tpu.memory_space<hbm>> -> memref<64x128xf32, #tpu.memory_space<hbm>>
      %dma_start3A_179 = arith.constant 0 : i32
      %dma_start3A_180 = tpu.memref_slice %arg4[%add3A_58, %dma_start3A_179, %mul3A_2] : memref<200x64x4096xf32, #tpu.memory_space<hbm>> -> memref<1x64x128xf32, #tpu.memory_space<hbm>>
      %dma_start3A_181 = tpu.memref_squeeze %dma_start3A_180 : memref<1x64x128xf32, #tpu.memory_space<hbm>> -> memref<64x128xf32, #tpu.memory_space<hbm>>
      tpu.enqueue_dma source(%arg8 : memref<64x128xf32, #tpu.memory_space<vmem>>) target(%dma_start3A_181 : memref<64x128xf32, #tpu.memory_space<hbm>>) target_semaphore(%arg12 : memref<!tpu.dma_semaphore, #tpu.memory_space<semaphore_mem>>)
      %add3A_182 = arith.constant 2 : i32
      %add3A_183 = arith.addi %add3A_58, %add3A_182 : i32
      %lt3A = arith.constant 200 : i32
      %lt3A_184 = arith.cmpi slt, %add3A_183, %lt3A : i32
      %convert_element_type3A_185 = arith.extui %lt3A_184 : i1 to i32
      %cond3A_186 = arith.constant 0 : i32
      %cond3A_187 = arith.cmpi ne, %convert_element_type3A_185, %cond3A_186 : i32
      scf.if %cond3A_187 {
        %add3A_309 = arith.constant 2 : i32
        %add3A_310 = arith.addi %add3A_58, %add3A_309 : i32
        %dma_start3A_311 = arith.constant 0 : i32
        %dma_start3A_312 = tpu.memref_slice %arg5[%add3A_310, %dma_start3A_311] : memref<200x128xi32, #tpu.memory_space<vmem>> -> memref<1x128xi32, #tpu.memory_space<vmem>>
        %dma_start3A_313 = tpu.memref_squeeze %dma_start3A_312 : memref<1x128xi32, #tpu.memory_space<vmem>> -> memref<128xi32, #tpu.memory_space<vmem>>
        %dma_start3A_314 = arith.constant 0 : i32
        %dma_start3A_315 = arith.constant 0 : i32
        %dma_start3A_316 = tpu.memref_slice %arg3[%dma_start3A_314, %dma_start3A_315] : memref<1000000x128xf32, #tpu.memory_space<hbm>> -> memref<1000000x128xf32, #tpu.memory_space<hbm>>
        tpu.enqueue_indirect_dma source(%dma_start3A_316 : memref<1000000x128xf32, #tpu.memory_space<hbm>>) target(%arg6 : memref<128x128xf32, #tpu.memory_space<vmem>>) offsets(%dma_start3A_313 : memref<128xi32, #tpu.memory_space<vmem>>) semaphore(%arg10 : memref<!tpu.dma_semaphore, #tpu.memory_space<semaphore_mem>>)
      } else {
      }
      %add3A_188 = arith.constant 1 : i32
      %add3A_189 = arith.addi %add3A_58, %add3A_188 : i32
      %dma_wait3A_190 = arith.constant 0 : i32
      %dma_wait3A_191 = arith.constant 0 : i32
      %dma_wait3A_192 = tpu.memref_slice %arg3[%dma_wait3A_190, %dma_wait3A_191] : memref<1000000x128xf32, #tpu.memory_space<hbm>> -> memref<128x128xf32, #tpu.memory_space<hbm>>
      %dma_wait3A_193 = arith.constant 0 : i32
      %dma_wait3A_194 = arith.constant 0 : i32
      %dma_wait3A_195 = tpu.memref_slice %arg3[%dma_wait3A_193, %dma_wait3A_194] : memref<1000000x128xf32, #tpu.memory_space<hbm>> -> memref<128x128xf32, #tpu.memory_space<hbm>>
      tpu.wait_dma2 semaphore(%arg11 : memref<!tpu.dma_semaphore, #tpu.memory_space<semaphore_mem>>) src(%dma_wait3A_195 : memref<128x128xf32, #tpu.memory_space<hbm>>) dst(%arg7 : memref<128x128xf32, #tpu.memory_space<vmem>>)
      %gt3A_196 = arith.constant 1 : i32
      %gt3A_197 = arith.cmpi sgt, %add3A_189, %gt3A_196 : i32
      %convert_element_type3A_198 = arith.extui %gt3A_197 : i1 to i32
      %cond3A_199 = arith.constant 0 : i32
      %cond3A_200 = arith.cmpi ne, %convert_element_type3A_198, %cond3A_199 : i32
      scf.if %cond3A_200 {
        %dma_wait3A_309 = arith.constant 0 : i32
        %dma_wait3A_310 = arith.constant 0 : i32
        %dma_wait3A_311 = arith.constant 0 : i32
        %dma_wait3A_312 = tpu.memref_slice %arg4[%dma_wait3A_309, %dma_wait3A_310, %dma_wait3A_311] : memref<200x64x4096xf32, #tpu.memory_space<hbm>> -> memref<1x64x128xf32, #tpu.memory_space<hbm>>
        %dma_wait3A_313 = tpu.memref_squeeze %dma_wait3A_312 : memref<1x64x128xf32, #tpu.memory_space<hbm>> -> memref<64x128xf32, #tpu.memory_space<hbm>>
        %dma_wait3A_314 = arith.constant 0 : i32
        %dma_wait3A_315 = arith.constant 0 : i32
        %dma_wait3A_316 = tpu.memref_slice %arg4[%dma_wait3A_309, %dma_wait3A_314, %dma_wait3A_315] : memref<200x64x4096xf32, #tpu.memory_space<hbm>> -> memref<1x64x128xf32, #tpu.memory_space<hbm>>
        %dma_wait3A_317 = tpu.memref_squeeze %dma_wait3A_316 : memref<1x64x128xf32, #tpu.memory_space<hbm>> -> memref<64x128xf32, #tpu.memory_space<hbm>>
        tpu.wait_dma2 semaphore(%arg13 : memref<!tpu.dma_semaphore, #tpu.memory_space<semaphore_mem>>) src(%arg9 : memref<64x128xf32, #tpu.memory_space<vmem>>) dst(%dma_wait3A_317 : memref<64x128xf32, #tpu.memory_space<hbm>>)
      } else {
      }
      %iota3A_201 = tpu.iota {dimensions = array<i32: 0>} : vector<16xi32>
      %add3A_202 = arith.constant 0 : i32
      %add3A_203 = vector.broadcast %add3A_202 : i32 to vector<16xi32>
      %add3A_204 = arith.addi %iota3A_201, %add3A_203 : vector<16xi32>
      %and3A_205 = arith.constant 15 : i32
      %and3A_206 = vector.broadcast %and3A_205 : i32 to vector<16xi32>
      %and3A_207 = arith.andi %add3A_204, %and3A_206 : vector<16xi32>
      %add3A_208 = arith.constant 1 : i32
      %add3A_209 = vector.broadcast %add3A_208 : i32 to vector<16xi32>
      %add3A_210 = arith.addi %iota3A_201, %add3A_209 : vector<16xi32>
      %and3A_211 = arith.constant 15 : i32
      %and3A_212 = vector.broadcast %and3A_211 : i32 to vector<16xi32>
      %and3A_213 = arith.andi %add3A_210, %and3A_212 : vector<16xi32>
      %add3A_214 = arith.constant 2 : i32
      %add3A_215 = vector.broadcast %add3A_214 : i32 to vector<16xi32>
      %add3A_216 = arith.addi %iota3A_201, %add3A_215 : vector<16xi32>
      %and3A_217 = arith.constant 15 : i32
      %and3A_218 = vector.broadcast %and3A_217 : i32 to vector<16xi32>
      %and3A_219 = arith.andi %add3A_216, %and3A_218 : vector<16xi32>
      %add3A_220 = arith.constant 3 : i32
      %add3A_221 = vector.broadcast %add3A_220 : i32 to vector<16xi32>
      %add3A_222 = arith.addi %iota3A_201, %add3A_221 : vector<16xi32>
      %and3A_223 = arith.constant 15 : i32
      %and3A_224 = vector.broadcast %and3A_223 : i32 to vector<16xi32>
      %and3A_225 = arith.andi %add3A_222, %and3A_224 : vector<16xi32>
      %add3A_226 = arith.constant 4 : i32
      %add3A_227 = vector.broadcast %add3A_226 : i32 to vector<16xi32>
      %add3A_228 = arith.addi %iota3A_201, %add3A_227 : vector<16xi32>
      %and3A_229 = arith.constant 15 : i32
      %and3A_230 = vector.broadcast %and3A_229 : i32 to vector<16xi32>
      %and3A_231 = arith.andi %add3A_228, %and3A_230 : vector<16xi32>
      %add3A_232 = arith.constant 5 : i32
      %add3A_233 = vector.broadcast %add3A_232 : i32 to vector<16xi32>
      %add3A_234 = arith.addi %iota3A_201, %add3A_233 : vector<16xi32>
      %and3A_235 = arith.constant 15 : i32
      %and3A_236 = vector.broadcast %and3A_235 : i32 to vector<16xi32>
      %and3A_237 = arith.andi %add3A_234, %and3A_236 : vector<16xi32>
      %add3A_238 = arith.constant 6 : i32
      %add3A_239 = vector.broadcast %add3A_238 : i32 to vector<16xi32>
      %add3A_240 = arith.addi %iota3A_201, %add3A_239 : vector<16xi32>
      %and3A_241 = arith.constant 15 : i32
      %and3A_242 = vector.broadcast %and3A_241 : i32 to vector<16xi32>
      %and3A_243 = arith.andi %add3A_240, %and3A_242 : vector<16xi32>
      %add3A_244 = arith.constant 7 : i32
      %add3A_245 = vector.broadcast %add3A_244 : i32 to vector<16xi32>
      %add3A_246 = arith.addi %iota3A_201, %add3A_245 : vector<16xi32>
      %and3A_247 = arith.constant 15 : i32
      %and3A_248 = vector.broadcast %and3A_247 : i32 to vector<16xi32>
      %and3A_249 = arith.andi %add3A_246, %and3A_248 : vector<16xi32>
      %add3A_250 = arith.constant 8 : i32
      %add3A_251 = vector.broadcast %add3A_250 : i32 to vector<16xi32>
      %add3A_252 = arith.addi %iota3A_201, %add3A_251 : vector<16xi32>
      %and3A_253 = arith.constant 15 : i32
      %and3A_254 = vector.broadcast %and3A_253 : i32 to vector<16xi32>
      %and3A_255 = arith.andi %add3A_252, %and3A_254 : vector<16xi32>
      %add3A_256 = arith.constant 9 : i32
      %add3A_257 = vector.broadcast %add3A_256 : i32 to vector<16xi32>
      %add3A_258 = arith.addi %iota3A_201, %add3A_257 : vector<16xi32>
      %and3A_259 = arith.constant 15 : i32
      %and3A_260 = vector.broadcast %and3A_259 : i32 to vector<16xi32>
      %and3A_261 = arith.andi %add3A_258, %and3A_260 : vector<16xi32>
      %add3A_262 = arith.constant 10 : i32
      %add3A_263 = vector.broadcast %add3A_262 : i32 to vector<16xi32>
      %add3A_264 = arith.addi %iota3A_201, %add3A_263 : vector<16xi32>
      %and3A_265 = arith.constant 15 : i32
      %and3A_266 = vector.broadcast %and3A_265 : i32 to vector<16xi32>
      %and3A_267 = arith.andi %add3A_264, %and3A_266 : vector<16xi32>
      %add3A_268 = arith.constant 11 : i32
      %add3A_269 = vector.broadcast %add3A_268 : i32 to vector<16xi32>
      %add3A_270 = arith.addi %iota3A_201, %add3A_269 : vector<16xi32>
      %and3A_271 = arith.constant 15 : i32
      %and3A_272 = vector.broadcast %and3A_271 : i32 to vector<16xi32>
      %and3A_273 = arith.andi %add3A_270, %and3A_272 : vector<16xi32>
      %add3A_274 = arith.constant 12 : i32
      %add3A_275 = vector.broadcast %add3A_274 : i32 to vector<16xi32>
      %add3A_276 = arith.addi %iota3A_201, %add3A_275 : vector<16xi32>
      %and3A_277 = arith.constant 15 : i32
      %and3A_278 = vector.broadcast %and3A_277 : i32 to vector<16xi32>
      %and3A_279 = arith.andi %add3A_276, %and3A_278 : vector<16xi32>
      %add3A_280 = arith.constant 13 : i32
      %add3A_281 = vector.broadcast %add3A_280 : i32 to vector<16xi32>
      %add3A_282 = arith.addi %iota3A_201, %add3A_281 : vector<16xi32>
      %and3A_283 = arith.constant 15 : i32
      %and3A_284 = vector.broadcast %and3A_283 : i32 to vector<16xi32>
      %and3A_285 = arith.andi %add3A_282, %and3A_284 : vector<16xi32>
      %add3A_286 = arith.constant 14 : i32
      %add3A_287 = vector.broadcast %add3A_286 : i32 to vector<16xi32>
      %add3A_288 = arith.addi %iota3A_201, %add3A_287 : vector<16xi32>
      %and3A_289 = arith.constant 15 : i32
      %and3A_290 = vector.broadcast %and3A_289 : i32 to vector<16xi32>
      %and3A_291 = arith.andi %add3A_288, %and3A_290 : vector<16xi32>
      %add3A_292 = arith.constant 15 : i32
      %add3A_293 = vector.broadcast %add3A_292 : i32 to vector<16xi32>
      %add3A_294 = arith.addi %iota3A_201, %add3A_293 : vector<16xi32>
      %and3A_295 = arith.constant 15 : i32
      %and3A_296 = vector.broadcast %and3A_295 : i32 to vector<16xi32>
      %and3A_297 = arith.andi %add3A_294, %and3A_296 : vector<16xi32>
      %scan3A_298 = arith.constant 0 : i32
      %scan3A_299 = arith.constant 4 : i32
      %scan3A_300 = arith.addi %scan3A_298, %scan3A_299 : i32
      %scan3A_301 = arith.constant 1 : i32
      scf.for %scan3A_309 = %scan3A_298 to %scan3A_300 step %scan3A_301  : i32 {
        %mul3A_310 = arith.constant 1 : i32
        %mul3A_311 = arith.muli %scan3A_309, %mul3A_310 : i32
        %add3A_312 = arith.constant 0 : i32
        %add3A_313 = arith.addi %add3A_312, %mul3A_311 : i32
        %mul3A_314 = arith.constant 16 : i32
        %mul3A_315 = arith.muli %add3A_313, %mul3A_314 : i32
        %add3A_316 = vector.broadcast %mul3A_315 : i32 to vector<16xi32>
        %add3A_317 = arith.addi %add3A_316, %iota3A_201 : vector<16xi32>
        %scan3A_318 = arith.constant 0 : i32
        %scan3A_319 = arith.constant 8 : i32
        %scan3A_320 = arith.addi %scan3A_318, %scan3A_319 : i32
        %scan3A_321 = arith.constant 2 : i32
        scf.for %scan3A_323 = %scan3A_318 to %scan3A_320 step %scan3A_321  : i32 {
          %mul3A_324 = arith.constant 1 : i32
          %mul3A_325 = arith.muli %scan3A_323, %mul3A_324 : i32
          %add3A_326 = arith.constant 0 : i32
          %add3A_327 = arith.addi %add3A_326, %mul3A_325 : i32
          %mul3A_328 = arith.constant 16 : i32
          %mul3A_329 = arith.muli %add3A_327, %mul3A_328 : i32
          %add3A_330 = vector.broadcast %mul3A_329 : i32 to vector<16xi32>
          %add3A_331 = arith.addi %add3A_330, %and3A_207 : vector<16xi32>
          %gather3A = tpu.vector_load_idx %arg7[%add3A_331, %add3A_317] : memref<128x128xf32, #tpu.memory_space<vmem>>[vector<16xi32>, vector<16xi32>], vector<16xf32>,
          tpu.vector_store_idx %arg9[%add3A_317, %add3A_331], %gather3A : memref<64x128xf32, #tpu.memory_space<vmem>>[vector<16xi32>, vector<16xi32>], vector<16xf32>,
          %add3A_332 = vector.broadcast %mul3A_329 : i32 to vector<16xi32>
          %add3A_333 = arith.addi %add3A_332, %and3A_213 : vector<16xi32>
          %gather3A_334 = tpu.vector_load_idx %arg7[%add3A_333, %add3A_317] : memref<128x128xf32, #tpu.memory_space<vmem>>[vector<16xi32>, vector<16xi32>], vector<16xf32>,
          tpu.vector_store_idx %arg9[%add3A_317, %add3A_333], %gather3A_334 : memref<64x128xf32, #tpu.memory_space<vmem>>[vector<16xi32>, vector<16xi32>], vector<16xf32>,
          %add3A_335 = vector.broadcast %mul3A_329 : i32 to vector<16xi32>
          %add3A_336 = arith.addi %add3A_335, %and3A_219 : vector<16xi32>
          %gather3A_337 = tpu.vector_load_idx %arg7[%add3A_336, %add3A_317] : memref<128x128xf32, #tpu.memory_space<vmem>>[vector<16xi32>, vector<16xi32>], vector<16xf32>,
          tpu.vector_store_idx %arg9[%add3A_317, %add3A_336], %gather3A_337 : memref<64x128xf32, #tpu.memory_space<vmem>>[vector<16xi32>, vector<16xi32>], vector<16xf32>,
          %add3A_338 = vector.broadcast %mul3A_329 : i32 to vector<16xi32>
          %add3A_339 = arith.addi %add3A_338, %and3A_225 : vector<16xi32>
          %gather3A_340 = tpu.vector_load_idx %arg7[%add3A_339, %add3A_317] : memref<128x128xf32, #tpu.memory_space<vmem>>[vector<16xi32>, vector<16xi32>], vector<16xf32>,
          tpu.vector_store_idx %arg9[%add3A_317, %add3A_339], %gather3A_340 : memref<64x128xf32, #tpu.memory_space<vmem>>[vector<16xi32>, vector<16xi32>], vector<16xf32>,
          %add3A_341 = vector.broadcast %mul3A_329 : i32 to vector<16xi32>
          %add3A_342 = arith.addi %add3A_341, %and3A_231 : vector<16xi32>
          %gather3A_343 = tpu.vector_load_idx %arg7[%add3A_342, %add3A_317] : memref<128x128xf32, #tpu.memory_space<vmem>>[vector<16xi32>, vector<16xi32>], vector<16xf32>,
          tpu.vector_store_idx %arg9[%add3A_317, %add3A_342], %gather3A_343 : memref<64x128xf32, #tpu.memory_space<vmem>>[vector<16xi32>, vector<16xi32>], vector<16xf32>,
          %add3A_344 = vector.broadcast %mul3A_329 : i32 to vector<16xi32>
          %add3A_345 = arith.addi %add3A_344, %and3A_237 : vector<16xi32>
          %gather3A_346 = tpu.vector_load_idx %arg7[%add3A_345, %add3A_317] : memref<128x128xf32, #tpu.memory_space<vmem>>[vector<16xi32>, vector<16xi32>], vector<16xf32>,
          tpu.vector_store_idx %arg9[%add3A_317, %add3A_345], %gather3A_346 : memref<64x128xf32, #tpu.memory_space<vmem>>[vector<16xi32>, vector<16xi32>], vector<16xf32>,
          %add3A_347 = vector.broadcast %mul3A_329 : i32 to vector<16xi32>
          %add3A_348 = arith.addi %add3A_347, %and3A_243 : vector<16xi32>
          %gather3A_349 = tpu.vector_load_idx %arg7[%add3A_348, %add3A_317] : memref<128x128xf32, #tpu.memory_space<vmem>>[vector<16xi32>, vector<16xi32>], vector<16xf32>,
          tpu.vector_store_idx %arg9[%add3A_317, %add3A_348], %gather3A_349 : memref<64x128xf32, #tpu.memory_space<vmem>>[vector<16xi32>, vector<16xi32>], vector<16xf32>,
          %add3A_350 = vector.broadcast %mul3A_329 : i32 to vector<16xi32>
          %add3A_351 = arith.addi %add3A_350, %and3A_249 : vector<16xi32>
          %gather3A_352 = tpu.vector_load_idx %arg7[%add3A_351, %add3A_317] : memref<128x128xf32, #tpu.memory_space<vmem>>[vector<16xi32>, vector<16xi32>], vector<16xf32>,
          tpu.vector_store_idx %arg9[%add3A_317, %add3A_351], %gather3A_352 : memref<64x128xf32, #tpu.memory_space<vmem>>[vector<16xi32>, vector<16xi32>], vector<16xf32>,
          %add3A_353 = vector.broadcast %mul3A_329 : i32 to vector<16xi32>
          %add3A_354 = arith.addi %add3A_353, %and3A_255 : vector<16xi32>
          %gather3A_355 = tpu.vector_load_idx %arg7[%add3A_354, %add3A_317] : memref<128x128xf32, #tpu.memory_space<vmem>>[vector<16xi32>, vector<16xi32>], vector<16xf32>,
          tpu.vector_store_idx %arg9[%add3A_317, %add3A_354], %gather3A_355 : memref<64x128xf32, #tpu.memory_space<vmem>>[vector<16xi32>, vector<16xi32>], vector<16xf32>,
          %add3A_356 = vector.broadcast %mul3A_329 : i32 to vector<16xi32>
          %add3A_357 = arith.addi %add3A_356, %and3A_261 : vector<16xi32>
          %gather3A_358 = tpu.vector_load_idx %arg7[%add3A_357, %add3A_317] : memref<128x128xf32, #tpu.memory_space<vmem>>[vector<16xi32>, vector<16xi32>], vector<16xf32>,
          tpu.vector_store_idx %arg9[%add3A_317, %add3A_357], %gather3A_358 : memref<64x128xf32, #tpu.memory_space<vmem>>[vector<16xi32>, vector<16xi32>], vector<16xf32>,
          %add3A_359 = vector.broadcast %mul3A_329 : i32 to vector<16xi32>
          %add3A_360 = arith.addi %add3A_359, %and3A_267 : vector<16xi32>
          %gather3A_361 = tpu.vector_load_idx %arg7[%add3A_360, %add3A_317] : memref<128x128xf32, #tpu.memory_space<vmem>>[vector<16xi32>, vector<16xi32>], vector<16xf32>,
          tpu.vector_store_idx %arg9[%add3A_317, %add3A_360], %gather3A_361 : memref<64x128xf32, #tpu.memory_space<vmem>>[vector<16xi32>, vector<16xi32>], vector<16xf32>,
          %add3A_362 = vector.broadcast %mul3A_329 : i32 to vector<16xi32>
          %add3A_363 = arith.addi %add3A_362, %and3A_273 : vector<16xi32>
          %gather3A_364 = tpu.vector_load_idx %arg7[%add3A_363, %add3A_317] : memref<128x128xf32, #tpu.memory_space<vmem>>[vector<16xi32>, vector<16xi32>], vector<16xf32>,
          tpu.vector_store_idx %arg9[%add3A_317, %add3A_363], %gather3A_364 : memref<64x128xf32, #tpu.memory_space<vmem>>[vector<16xi32>, vector<16xi32>], vector<16xf32>,
          %add3A_365 = vector.broadcast %mul3A_329 : i32 to vector<16xi32>
          %add3A_366 = arith.addi %add3A_365, %and3A_279 : vector<16xi32>
          %gather3A_367 = tpu.vector_load_idx %arg7[%add3A_366, %add3A_317] : memref<128x128xf32, #tpu.memory_space<vmem>>[vector<16xi32>, vector<16xi32>], vector<16xf32>,
          tpu.vector_store_idx %arg9[%add3A_317, %add3A_366], %gather3A_367 : memref<64x128xf32, #tpu.memory_space<vmem>>[vector<16xi32>, vector<16xi32>], vector<16xf32>,
          %add3A_368 = vector.broadcast %mul3A_329 : i32 to vector<16xi32>
          %add3A_369 = arith.addi %add3A_368, %and3A_285 : vector<16xi32>
          %gather3A_370 = tpu.vector_load_idx %arg7[%add3A_369, %add3A_317] : memref<128x128xf32, #tpu.memory_space<vmem>>[vector<16xi32>, vector<16xi32>], vector<16xf32>,
          tpu.vector_store_idx %arg9[%add3A_317, %add3A_369], %gather3A_370 : memref<64x128xf32, #tpu.memory_space<vmem>>[vector<16xi32>, vector<16xi32>], vector<16xf32>,
          %add3A_371 = vector.broadcast %mul3A_329 : i32 to vector<16xi32>
          %add3A_372 = arith.addi %add3A_371, %and3A_291 : vector<16xi32>
          %gather3A_373 = tpu.vector_load_idx %arg7[%add3A_372, %add3A_317] : memref<128x128xf32, #tpu.memory_space<vmem>>[vector<16xi32>, vector<16xi32>], vector<16xf32>,
          tpu.vector_store_idx %arg9[%add3A_317, %add3A_372], %gather3A_373 : memref<64x128xf32, #tpu.memory_space<vmem>>[vector<16xi32>, vector<16xi32>], vector<16xf32>,
          %add3A_374 = vector.broadcast %mul3A_329 : i32 to vector<16xi32>
          %add3A_375 = arith.addi %add3A_374, %and3A_297 : vector<16xi32>
          %gather3A_376 = tpu.vector_load_idx %arg7[%add3A_375, %add3A_317] : memref<128x128xf32, #tpu.memory_space<vmem>>[vector<16xi32>, vector<16xi32>], vector<16xf32>,
          tpu.vector_store_idx %arg9[%add3A_317, %add3A_375], %gather3A_376 : memref<64x128xf32, #tpu.memory_space<vmem>>[vector<16xi32>, vector<16xi32>], vector<16xf32>,
          %scan3A_377 = arith.constant 1 : i32
          %scan3A_378 = arith.addi %scan3A_323, %scan3A_377 : i32
          %mul3A_379 = arith.constant 1 : i32
          %mul3A_380 = arith.muli %scan3A_378, %mul3A_379 : i32
          %add3A_381 = arith.constant 0 : i32
          %add3A_382 = arith.addi %add3A_381, %mul3A_380 : i32
          %mul3A_383 = arith.constant 16 : i32
          %mul3A_384 = arith.muli %add3A_382, %mul3A_383 : i32
          %add3A_385 = vector.broadcast %mul3A_384 : i32 to vector<16xi32>
          %add3A_386 = arith.addi %add3A_385, %and3A_207 : vector<16xi32>
          %gather3A_387 = tpu.vector_load_idx %arg7[%add3A_386, %add3A_317] : memref<128x128xf32, #tpu.memory_space<vmem>>[vector<16xi32>, vector<16xi32>], vector<16xf32>,
          tpu.vector_store_idx %arg9[%add3A_317, %add3A_386], %gather3A_387 : memref<64x128xf32, #tpu.memory_space<vmem>>[vector<16xi32>, vector<16xi32>], vector<16xf32>,
          %add3A_388 = vector.broadcast %mul3A_384 : i32 to vector<16xi32>
          %add3A_389 = arith.addi %add3A_388, %and3A_213 : vector<16xi32>
          %gather3A_390 = tpu.vector_load_idx %arg7[%add3A_389, %add3A_317] : memref<128x128xf32, #tpu.memory_space<vmem>>[vector<16xi32>, vector<16xi32>], vector<16xf32>,
          tpu.vector_store_idx %arg9[%add3A_317, %add3A_389], %gather3A_390 : memref<64x128xf32, #tpu.memory_space<vmem>>[vector<16xi32>, vector<16xi32>], vector<16xf32>,
          %add3A_391 = vector.broadcast %mul3A_384 : i32 to vector<16xi32>
          %add3A_392 = arith.addi %add3A_391, %and3A_219 : vector<16xi32>
          %gather3A_393 = tpu.vector_load_idx %arg7[%add3A_392, %add3A_317] : memref<128x128xf32, #tpu.memory_space<vmem>>[vector<16xi32>, vector<16xi32>], vector<16xf32>,
          tpu.vector_store_idx %arg9[%add3A_317, %add3A_392], %gather3A_393 : memref<64x128xf32, #tpu.memory_space<vmem>>[vector<16xi32>, vector<16xi32>], vector<16xf32>,
          %add3A_394 = vector.broadcast %mul3A_384 : i32 to vector<16xi32>
          %add3A_395 = arith.addi %add3A_394, %and3A_225 : vector<16xi32>
          %gather3A_396 = tpu.vector_load_idx %arg7[%add3A_395, %add3A_317] : memref<128x128xf32, #tpu.memory_space<vmem>>[vector<16xi32>, vector<16xi32>], vector<16xf32>,
          tpu.vector_store_idx %arg9[%add3A_317, %add3A_395], %gather3A_396 : memref<64x128xf32, #tpu.memory_space<vmem>>[vector<16xi32>, vector<16xi32>], vector<16xf32>,
          %add3A_397 = vector.broadcast %mul3A_384 : i32 to vector<16xi32>
          %add3A_398 = arith.addi %add3A_397, %and3A_231 : vector<16xi32>
          %gather3A_399 = tpu.vector_load_idx %arg7[%add3A_398, %add3A_317] : memref<128x128xf32, #tpu.memory_space<vmem>>[vector<16xi32>, vector<16xi32>], vector<16xf32>,
          tpu.vector_store_idx %arg9[%add3A_317, %add3A_398], %gather3A_399 : memref<64x128xf32, #tpu.memory_space<vmem>>[vector<16xi32>, vector<16xi32>], vector<16xf32>,
          %add3A_400 = vector.broadcast %mul3A_384 : i32 to vector<16xi32>
          %add3A_401 = arith.addi %add3A_400, %and3A_237 : vector<16xi32>
          %gather3A_402 = tpu.vector_load_idx %arg7[%add3A_401, %add3A_317] : memref<128x128xf32, #tpu.memory_space<vmem>>[vector<16xi32>, vector<16xi32>], vector<16xf32>,
          tpu.vector_store_idx %arg9[%add3A_317, %add3A_401], %gather3A_402 : memref<64x128xf32, #tpu.memory_space<vmem>>[vector<16xi32>, vector<16xi32>], vector<16xf32>,
          %add3A_403 = vector.broadcast %mul3A_384 : i32 to vector<16xi32>
          %add3A_404 = arith.addi %add3A_403, %and3A_243 : vector<16xi32>
          %gather3A_405 = tpu.vector_load_idx %arg7[%add3A_404, %add3A_317] : memref<128x128xf32, #tpu.memory_space<vmem>>[vector<16xi32>, vector<16xi32>], vector<16xf32>,
          tpu.vector_store_idx %arg9[%add3A_317, %add3A_404], %gather3A_405 : memref<64x128xf32, #tpu.memory_space<vmem>>[vector<16xi32>, vector<16xi32>], vector<16xf32>,
          %add3A_406 = vector.broadcast %mul3A_384 : i32 to vector<16xi32>
          %add3A_407 = arith.addi %add3A_406, %and3A_249 : vector<16xi32>
          %gather3A_408 = tpu.vector_load_idx %arg7[%add3A_407, %add3A_317] : memref<128x128xf32, #tpu.memory_space<vmem>>[vector<16xi32>, vector<16xi32>], vector<16xf32>,
          tpu.vector_store_idx %arg9[%add3A_317, %add3A_407], %gather3A_408 : memref<64x128xf32, #tpu.memory_space<vmem>>[vector<16xi32>, vector<16xi32>], vector<16xf32>,
          %add3A_409 = vector.broadcast %mul3A_384 : i32 to vector<16xi32>
          %add3A_410 = arith.addi %add3A_409, %and3A_255 : vector<16xi32>
          %gather3A_411 = tpu.vector_load_idx %arg7[%add3A_410, %add3A_317] : memref<128x128xf32, #tpu.memory_space<vmem>>[vector<16xi32>, vector<16xi32>], vector<16xf32>,
          tpu.vector_store_idx %arg9[%add3A_317, %add3A_410], %gather3A_411 : memref<64x128xf32, #tpu.memory_space<vmem>>[vector<16xi32>, vector<16xi32>], vector<16xf32>,
          %add3A_412 = vector.broadcast %mul3A_384 : i32 to vector<16xi32>
          %add3A_413 = arith.addi %add3A_412, %and3A_261 : vector<16xi32>
          %gather3A_414 = tpu.vector_load_idx %arg7[%add3A_413, %add3A_317] : memref<128x128xf32, #tpu.memory_space<vmem>>[vector<16xi32>, vector<16xi32>], vector<16xf32>,
          tpu.vector_store_idx %arg9[%add3A_317, %add3A_413], %gather3A_414 : memref<64x128xf32, #tpu.memory_space<vmem>>[vector<16xi32>, vector<16xi32>], vector<16xf32>,
          %add3A_415 = vector.broadcast %mul3A_384 : i32 to vector<16xi32>
          %add3A_416 = arith.addi %add3A_415, %and3A_267 : vector<16xi32>
          %gather3A_417 = tpu.vector_load_idx %arg7[%add3A_416, %add3A_317] : memref<128x128xf32, #tpu.memory_space<vmem>>[vector<16xi32>, vector<16xi32>], vector<16xf32>,
          tpu.vector_store_idx %arg9[%add3A_317, %add3A_416], %gather3A_417 : memref<64x128xf32, #tpu.memory_space<vmem>>[vector<16xi32>, vector<16xi32>], vector<16xf32>,
          %add3A_418 = vector.broadcast %mul3A_384 : i32 to vector<16xi32>
          %add3A_419 = arith.addi %add3A_418, %and3A_273 : vector<16xi32>
          %gather3A_420 = tpu.vector_load_idx %arg7[%add3A_419, %add3A_317] : memref<128x128xf32, #tpu.memory_space<vmem>>[vector<16xi32>, vector<16xi32>], vector<16xf32>,
          tpu.vector_store_idx %arg9[%add3A_317, %add3A_419], %gather3A_420 : memref<64x128xf32, #tpu.memory_space<vmem>>[vector<16xi32>, vector<16xi32>], vector<16xf32>,
          %add3A_421 = vector.broadcast %mul3A_384 : i32 to vector<16xi32>
          %add3A_422 = arith.addi %add3A_421, %and3A_279 : vector<16xi32>
          %gather3A_423 = tpu.vector_load_idx %arg7[%add3A_422, %add3A_317] : memref<128x128xf32, #tpu.memory_space<vmem>>[vector<16xi32>, vector<16xi32>], vector<16xf32>,
          tpu.vector_store_idx %arg9[%add3A_317, %add3A_422], %gather3A_423 : memref<64x128xf32, #tpu.memory_space<vmem>>[vector<16xi32>, vector<16xi32>], vector<16xf32>,
          %add3A_424 = vector.broadcast %mul3A_384 : i32 to vector<16xi32>
          %add3A_425 = arith.addi %add3A_424, %and3A_285 : vector<16xi32>
          %gather3A_426 = tpu.vector_load_idx %arg7[%add3A_425, %add3A_317] : memref<128x128xf32, #tpu.memory_space<vmem>>[vector<16xi32>, vector<16xi32>], vector<16xf32>,
          tpu.vector_store_idx %arg9[%add3A_317, %add3A_425], %gather3A_426 : memref<64x128xf32, #tpu.memory_space<vmem>>[vector<16xi32>, vector<16xi32>], vector<16xf32>,
          %add3A_427 = vector.broadcast %mul3A_384 : i32 to vector<16xi32>
          %add3A_428 = arith.addi %add3A_427, %and3A_291 : vector<16xi32>
          %gather3A_429 = tpu.vector_load_idx %arg7[%add3A_428, %add3A_317] : memref<128x128xf32, #tpu.memory_space<vmem>>[vector<16xi32>, vector<16xi32>], vector<16xf32>,
          tpu.vector_store_idx %arg9[%add3A_317, %add3A_428], %gather3A_429 : memref<64x128xf32, #tpu.memory_space<vmem>>[vector<16xi32>, vector<16xi32>], vector<16xf32>,
          %add3A_430 = vector.broadcast %mul3A_384 : i32 to vector<16xi32>
          %add3A_431 = arith.addi %add3A_430, %and3A_297 : vector<16xi32>
          %gather3A_432 = tpu.vector_load_idx %arg7[%add3A_431, %add3A_317] : memref<128x128xf32, #tpu.memory_space<vmem>>[vector<16xi32>, vector<16xi32>], vector<16xf32>,
          tpu.vector_store_idx %arg9[%add3A_317, %add3A_431], %gather3A_432 : memref<64x128xf32, #tpu.memory_space<vmem>>[vector<16xi32>, vector<16xi32>], vector<16xf32>,
        }
        %scan3A_322 = arith.constant 8 : i32
      }
      %scan3A_302 = arith.constant 4 : i32
      %dma_start3A_303 = arith.constant 0 : i32
      %dma_start3A_304 = tpu.memref_slice %arg4[%add3A_189, %dma_start3A_303, %mul3A_2] : memref<200x64x4096xf32, #tpu.memory_space<hbm>> -> memref<1x64x128xf32, #tpu.memory_space<hbm>>
      %dma_start3A_305 = tpu.memref_squeeze %dma_start3A_304 : memref<1x64x128xf32, #tpu.memory_space<hbm>> -> memref<64x128xf32, #tpu.memory_space<hbm>>
      %dma_start3A_306 = arith.constant 0 : i32
      %dma_start3A_307 = tpu.memref_slice %arg4[%add3A_189, %dma_start3A_306, %mul3A_2] : memref<200x64x4096xf32, #tpu.memory_space<hbm>> -> memref<1x64x128xf32, #tpu.memory_space<hbm>>
      %dma_start3A_308 = tpu.memref_squeeze %dma_start3A_307 : memref<1x64x128xf32, #tpu.memory_space<hbm>> -> memref<64x128xf32, #tpu.memory_space<hbm>>
      tpu.enqueue_dma source(%arg9 : memref<64x128xf32, #tpu.memory_space<vmem>>) target(%dma_start3A_308 : memref<64x128xf32, #tpu.memory_space<hbm>>) target_semaphore(%arg13 : memref<!tpu.dma_semaphore, #tpu.memory_space<semaphore_mem>>)
    }
    %scan3A_36 = arith.constant 100 : i32
    %dma_wait3A = arith.constant 0 : i32
    %dma_wait3A_37 = arith.constant 0 : i32
    %dma_wait3A_38 = arith.constant 0 : i32
    %dma_wait3A_39 = tpu.memref_slice %arg4[%dma_wait3A, %dma_wait3A_37, %dma_wait3A_38] : memref<200x64x4096xf32, #tpu.memory_space<hbm>> -> memref<1x64x128xf32, #tpu.memory_space<hbm>>
    %dma_wait3A_40 = tpu.memref_squeeze %dma_wait3A_39 : memref<1x64x128xf32, #tpu.memory_space<hbm>> -> memref<64x128xf32, #tpu.memory_space<hbm>>
    %dma_wait3A_41 = arith.constant 0 : i32
    %dma_wait3A_42 = arith.constant 0 : i32
    %dma_wait3A_43 = tpu.memref_slice %arg4[%dma_wait3A, %dma_wait3A_41, %dma_wait3A_42] : memref<200x64x4096xf32, #tpu.memory_space<hbm>> -> memref<1x64x128xf32, #tpu.memory_space<hbm>>
    %dma_wait3A_44 = tpu.memref_squeeze %dma_wait3A_43 : memref<1x64x128xf32, #tpu.memory_space<hbm>> -> memref<64x128xf32, #tpu.memory_space<hbm>>
    tpu.wait_dma2 semaphore(%arg12 : memref<!tpu.dma_semaphore, #tpu.memory_space<semaphore_mem>>) src(%arg8 : memref<64x128xf32, #tpu.memory_space<vmem>>) dst(%dma_wait3A_44 : memref<64x128xf32, #tpu.memory_space<hbm>>)
    %dma_wait3A_45 = arith.constant 0 : i32
    %dma_wait3A_46 = arith.constant 0 : i32
    %dma_wait3A_47 = arith.constant 0 : i32
    %dma_wait3A_48 = tpu.memref_slice %arg4[%dma_wait3A_45, %dma_wait3A_46, %dma_wait3A_47] : memref<200x64x4096xf32, #tpu.memory_space<hbm>> -> memref<1x64x128xf32, #tpu.memory_space<hbm>>
    %dma_wait3A_49 = tpu.memref_squeeze %dma_wait3A_48 : memref<1x64x128xf32, #tpu.memory_space<hbm>> -> memref<64x128xf32, #tpu.memory_space<hbm>>
    %dma_wait3A_50 = arith.constant 0 : i32
    %dma_wait3A_51 = arith.constant 0 : i32
    %dma_wait3A_52 = tpu.memref_slice %arg4[%dma_wait3A_45, %dma_wait3A_50, %dma_wait3A_51] : memref<200x64x4096xf32, #tpu.memory_space<hbm>> -> memref<1x64x128xf32, #tpu.memory_space<hbm>>
    %dma_wait3A_53 = tpu.memref_squeeze %dma_wait3A_52 : memref<1x64x128xf32, #tpu.memory_space<hbm>> -> memref<64x128xf32, #tpu.memory_space<hbm>>
    tpu.wait_dma2 semaphore(%arg13 : memref<!tpu.dma_semaphore, #tpu.memory_space<semaphore_mem>>) src(%arg9 : memref<64x128xf32, #tpu.memory_space<vmem>>) dst(%dma_wait3A_53 : memref<64x128xf32, #tpu.memory_space<hbm>>)
    return
  }
}

#map = affine_map<(d0, d1) -> (0, 0)>
module attributes {stable_mosaic.version = 14 : i64} {
  func.func @body(%arg0: i32, %arg1: i32, %arg2: memref<64x1000000xf32, #tpu.memory_space<hbm>>, %arg3: memref<128x128xf32, #tpu.memory_space<hbm>>, %arg4: memref<1000000x128xf32, #tpu.memory_space<hbm>>, %arg5: memref<64x128xf32, #tpu.memory_space<vmem>>, %arg6: memref<64x128xf32, #tpu.memory_space<vmem>>, %arg7: memref<128x128xf32, #tpu.memory_space<vmem>>, %arg8: memref<128x128xf32, #tpu.memory_space<vmem>>, %arg9: memref<!tpu.dma_semaphore, #tpu.memory_space<semaphore_mem>>, %arg10: memref<!tpu.dma_semaphore, #tpu.memory_space<semaphore_mem>>, %arg11: memref<!tpu.dma_semaphore, #tpu.memory_space<semaphore_mem>>, %arg12: memref<!tpu.dma_semaphore, #tpu.memory_space<semaphore_mem>>) attributes {dimension_semantics = [#tpu.dimension_semantics<core_parallel>, #tpu.dimension_semantics<subcore_parallel>], iteration_bounds = array<i64: 2, 16>, scalar_prefetch = 0 : i64, scratch_operands = 8 : i64, tpu.core_type = #tpu.core_type<sc_vector_subcore>, window_params = [{transform_indices = #map}, {transform_indices = #map}, {transform_indices = #map}]} {
    %mul3A = arith.constant 2 : i32
    %mul3A_0 = arith.muli %arg1, %mul3A : i32
    %add3A = arith.addi %mul3A_0, %arg0 : i32
    %mul3A_1 = arith.constant 244 : i32
    %mul3A_2 = arith.muli %add3A, %mul3A_1 : i32
    %min3A = arith.constant 4 : i32
    %min3A_3 = arith.minsi %add3A, %min3A : i32
    %add3A_4 = arith.addi %mul3A_2, %min3A_3 : i32
    %add3A_5 = arith.constant 0 : i32
    %add3A_6 = arith.addi %add3A_4, %add3A_5 : i32
    %mul3A_7 = arith.constant 128 : i32
    %mul3A_8 = arith.muli %add3A_6, %mul3A_7 : i32
    %min3A_9 = arith.constant 999808 : i32
    %min3A_10 = arith.minsi %mul3A_8, %min3A_9 : i32
    %dma_start3A = arith.constant 0 : i32
    %dma_start3A_11 = tpu.memref_slice %arg2[%dma_start3A, %min3A_10] : memref<64x1000000xf32, #tpu.memory_space<hbm>> -> memref<64x128xf32, #tpu.memory_space<hbm>>
    %dma_start3A_12 = arith.constant 0 : i32
    %dma_start3A_13 = tpu.memref_slice %arg2[%dma_start3A_12, %min3A_10] : memref<64x1000000xf32, #tpu.memory_space<hbm>> -> memref<64x128xf32, #tpu.memory_space<hbm>>
    tpu.enqueue_dma source(%dma_start3A_13 : memref<64x128xf32, #tpu.memory_space<hbm>>) target(%arg5 : memref<64x128xf32, #tpu.memory_space<vmem>>) target_semaphore(%arg9 : memref<!tpu.dma_semaphore, #tpu.memory_space<semaphore_mem>>)
    %add3A_14 = arith.constant 1 : i32
    %add3A_15 = arith.addi %add3A_4, %add3A_14 : i32
    %mul3A_16 = arith.constant 128 : i32
    %mul3A_17 = arith.muli %add3A_15, %mul3A_16 : i32
    %min3A_18 = arith.constant 999808 : i32
    %min3A_19 = arith.minsi %mul3A_17, %min3A_18 : i32
    %dma_start3A_20 = arith.constant 0 : i32
    %dma_start3A_21 = tpu.memref_slice %arg2[%dma_start3A_20, %min3A_19] : memref<64x1000000xf32, #tpu.memory_space<hbm>> -> memref<64x128xf32, #tpu.memory_space<hbm>>
    %dma_start3A_22 = arith.constant 0 : i32
    %dma_start3A_23 = tpu.memref_slice %arg2[%dma_start3A_22, %min3A_19] : memref<64x1000000xf32, #tpu.memory_space<hbm>> -> memref<64x128xf32, #tpu.memory_space<hbm>>
    tpu.enqueue_dma source(%dma_start3A_23 : memref<64x128xf32, #tpu.memory_space<hbm>>) target(%arg6 : memref<64x128xf32, #tpu.memory_space<vmem>>) target_semaphore(%arg10 : memref<!tpu.dma_semaphore, #tpu.memory_space<semaphore_mem>>)
    %scan3A = arith.constant 0 : i32
    %scan3A_24 = arith.constant 123 : i32
    %scan3A_25 = arith.addi %scan3A, %scan3A_24 : i32
    %scan3A_26 = arith.constant 1 : i32
    scf.for %scan3A_41 = %scan3A to %scan3A_25 step %scan3A_26  : i32 {
      %mul3A_42 = arith.constant 2 : i32
      %mul3A_43 = arith.muli %scan3A_41, %mul3A_42 : i32
      %add3A_44 = arith.constant 0 : i32
      %add3A_45 = arith.addi %add3A_44, %mul3A_43 : i32
      %dma_wait3A_46 = arith.constant 0 : i32
      %dma_wait3A_47 = arith.constant 0 : i32
      %dma_wait3A_48 = tpu.memref_slice %arg2[%dma_wait3A_46, %dma_wait3A_47] : memref<64x1000000xf32, #tpu.memory_space<hbm>> -> memref<64x128xf32, #tpu.memory_space<hbm>>
      %dma_wait3A_49 = arith.constant 0 : i32
      %dma_wait3A_50 = arith.constant 0 : i32
      %dma_wait3A_51 = tpu.memref_slice %arg2[%dma_wait3A_49, %dma_wait3A_50] : memref<64x1000000xf32, #tpu.memory_space<hbm>> -> memref<64x128xf32, #tpu.memory_space<hbm>>
      tpu.wait_dma2 semaphore(%arg9 : memref<!tpu.dma_semaphore, #tpu.memory_space<semaphore_mem>>) src(%dma_wait3A_51 : memref<64x128xf32, #tpu.memory_space<hbm>>) dst(%arg5 : memref<64x128xf32, #tpu.memory_space<vmem>>)
      %gt3A = arith.constant 1 : i32
      %gt3A_52 = arith.cmpi sgt, %add3A_45, %gt3A : i32
      %convert_element_type3A_53 = arith.extui %gt3A_52 : i1 to i32
      %cond3A_54 = arith.constant 0 : i32
      %cond3A_55 = arith.cmpi ne, %convert_element_type3A_53, %cond3A_54 : i32
      scf.if %cond3A_55 {
        %dma_wait3A_302 = arith.constant 0 : i32
        %dma_wait3A_303 = arith.constant 0 : i32
        %dma_wait3A_304 = tpu.memref_slice %arg4[%dma_wait3A_302, %dma_wait3A_303] : memref<1000000x128xf32, #tpu.memory_space<hbm>> -> memref<128x128xf32, #tpu.memory_space<hbm>>
        %dma_wait3A_305 = arith.constant 0 : i32
        %dma_wait3A_306 = arith.constant 0 : i32
        %dma_wait3A_307 = tpu.memref_slice %arg4[%dma_wait3A_305, %dma_wait3A_306] : memref<1000000x128xf32, #tpu.memory_space<hbm>> -> memref<128x128xf32, #tpu.memory_space<hbm>>
        tpu.wait_dma2 semaphore(%arg11 : memref<!tpu.dma_semaphore, #tpu.memory_space<semaphore_mem>>) src(%arg7 : memref<128x128xf32, #tpu.memory_space<vmem>>) dst(%dma_wait3A_307 : memref<128x128xf32, #tpu.memory_space<hbm>>)
      } else {
      }
      %iota3A = tpu.iota {dimensions = array<i32: 0>} : vector<16xi32>
      %add3A_56 = arith.constant 0 : i32
      %add3A_57 = vector.broadcast %add3A_56 : i32 to vector<16xi32>
      %add3A_58 = arith.addi %iota3A, %add3A_57 : vector<16xi32>
      %and3A = arith.constant 15 : i32
      %and3A_59 = vector.broadcast %and3A : i32 to vector<16xi32>
      %and3A_60 = arith.andi %add3A_58, %and3A_59 : vector<16xi32>
      %add3A_61 = arith.constant 1 : i32
      %add3A_62 = vector.broadcast %add3A_61 : i32 to vector<16xi32>
      %add3A_63 = arith.addi %iota3A, %add3A_62 : vector<16xi32>
      %and3A_64 = arith.constant 15 : i32
      %and3A_65 = vector.broadcast %and3A_64 : i32 to vector<16xi32>
      %and3A_66 = arith.andi %add3A_63, %and3A_65 : vector<16xi32>
      %add3A_67 = arith.constant 2 : i32
      %add3A_68 = vector.broadcast %add3A_67 : i32 to vector<16xi32>
      %add3A_69 = arith.addi %iota3A, %add3A_68 : vector<16xi32>
      %and3A_70 = arith.constant 15 : i32
      %and3A_71 = vector.broadcast %and3A_70 : i32 to vector<16xi32>
      %and3A_72 = arith.andi %add3A_69, %and3A_71 : vector<16xi32>
      %add3A_73 = arith.constant 3 : i32
      %add3A_74 = vector.broadcast %add3A_73 : i32 to vector<16xi32>
      %add3A_75 = arith.addi %iota3A, %add3A_74 : vector<16xi32>
      %and3A_76 = arith.constant 15 : i32
      %and3A_77 = vector.broadcast %and3A_76 : i32 to vector<16xi32>
      %and3A_78 = arith.andi %add3A_75, %and3A_77 : vector<16xi32>
      %add3A_79 = arith.constant 4 : i32
      %add3A_80 = vector.broadcast %add3A_79 : i32 to vector<16xi32>
      %add3A_81 = arith.addi %iota3A, %add3A_80 : vector<16xi32>
      %and3A_82 = arith.constant 15 : i32
      %and3A_83 = vector.broadcast %and3A_82 : i32 to vector<16xi32>
      %and3A_84 = arith.andi %add3A_81, %and3A_83 : vector<16xi32>
      %add3A_85 = arith.constant 5 : i32
      %add3A_86 = vector.broadcast %add3A_85 : i32 to vector<16xi32>
      %add3A_87 = arith.addi %iota3A, %add3A_86 : vector<16xi32>
      %and3A_88 = arith.constant 15 : i32
      %and3A_89 = vector.broadcast %and3A_88 : i32 to vector<16xi32>
      %and3A_90 = arith.andi %add3A_87, %and3A_89 : vector<16xi32>
      %add3A_91 = arith.constant 6 : i32
      %add3A_92 = vector.broadcast %add3A_91 : i32 to vector<16xi32>
      %add3A_93 = arith.addi %iota3A, %add3A_92 : vector<16xi32>
      %and3A_94 = arith.constant 15 : i32
      %and3A_95 = vector.broadcast %and3A_94 : i32 to vector<16xi32>
      %and3A_96 = arith.andi %add3A_93, %and3A_95 : vector<16xi32>
      %add3A_97 = arith.constant 7 : i32
      %add3A_98 = vector.broadcast %add3A_97 : i32 to vector<16xi32>
      %add3A_99 = arith.addi %iota3A, %add3A_98 : vector<16xi32>
      %and3A_100 = arith.constant 15 : i32
      %and3A_101 = vector.broadcast %and3A_100 : i32 to vector<16xi32>
      %and3A_102 = arith.andi %add3A_99, %and3A_101 : vector<16xi32>
      %add3A_103 = arith.constant 8 : i32
      %add3A_104 = vector.broadcast %add3A_103 : i32 to vector<16xi32>
      %add3A_105 = arith.addi %iota3A, %add3A_104 : vector<16xi32>
      %and3A_106 = arith.constant 15 : i32
      %and3A_107 = vector.broadcast %and3A_106 : i32 to vector<16xi32>
      %and3A_108 = arith.andi %add3A_105, %and3A_107 : vector<16xi32>
      %add3A_109 = arith.constant 9 : i32
      %add3A_110 = vector.broadcast %add3A_109 : i32 to vector<16xi32>
      %add3A_111 = arith.addi %iota3A, %add3A_110 : vector<16xi32>
      %and3A_112 = arith.constant 15 : i32
      %and3A_113 = vector.broadcast %and3A_112 : i32 to vector<16xi32>
      %and3A_114 = arith.andi %add3A_111, %and3A_113 : vector<16xi32>
      %add3A_115 = arith.constant 10 : i32
      %add3A_116 = vector.broadcast %add3A_115 : i32 to vector<16xi32>
      %add3A_117 = arith.addi %iota3A, %add3A_116 : vector<16xi32>
      %and3A_118 = arith.constant 15 : i32
      %and3A_119 = vector.broadcast %and3A_118 : i32 to vector<16xi32>
      %and3A_120 = arith.andi %add3A_117, %and3A_119 : vector<16xi32>
      %add3A_121 = arith.constant 11 : i32
      %add3A_122 = vector.broadcast %add3A_121 : i32 to vector<16xi32>
      %add3A_123 = arith.addi %iota3A, %add3A_122 : vector<16xi32>
      %and3A_124 = arith.constant 15 : i32
      %and3A_125 = vector.broadcast %and3A_124 : i32 to vector<16xi32>
      %and3A_126 = arith.andi %add3A_123, %and3A_125 : vector<16xi32>
      %add3A_127 = arith.constant 12 : i32
      %add3A_128 = vector.broadcast %add3A_127 : i32 to vector<16xi32>
      %add3A_129 = arith.addi %iota3A, %add3A_128 : vector<16xi32>
      %and3A_130 = arith.constant 15 : i32
      %and3A_131 = vector.broadcast %and3A_130 : i32 to vector<16xi32>
      %and3A_132 = arith.andi %add3A_129, %and3A_131 : vector<16xi32>
      %add3A_133 = arith.constant 13 : i32
      %add3A_134 = vector.broadcast %add3A_133 : i32 to vector<16xi32>
      %add3A_135 = arith.addi %iota3A, %add3A_134 : vector<16xi32>
      %and3A_136 = arith.constant 15 : i32
      %and3A_137 = vector.broadcast %and3A_136 : i32 to vector<16xi32>
      %and3A_138 = arith.andi %add3A_135, %and3A_137 : vector<16xi32>
      %add3A_139 = arith.constant 14 : i32
      %add3A_140 = vector.broadcast %add3A_139 : i32 to vector<16xi32>
      %add3A_141 = arith.addi %iota3A, %add3A_140 : vector<16xi32>
      %and3A_142 = arith.constant 15 : i32
      %and3A_143 = vector.broadcast %and3A_142 : i32 to vector<16xi32>
      %and3A_144 = arith.andi %add3A_141, %and3A_143 : vector<16xi32>
      %add3A_145 = arith.constant 15 : i32
      %add3A_146 = vector.broadcast %add3A_145 : i32 to vector<16xi32>
      %add3A_147 = arith.addi %iota3A, %add3A_146 : vector<16xi32>
      %and3A_148 = arith.constant 15 : i32
      %and3A_149 = vector.broadcast %and3A_148 : i32 to vector<16xi32>
      %and3A_150 = arith.andi %add3A_147, %and3A_149 : vector<16xi32>
      %scan3A_151 = arith.constant 0 : i32
      %scan3A_152 = arith.constant 8 : i32
      %scan3A_153 = arith.addi %scan3A_151, %scan3A_152 : i32
      %scan3A_154 = arith.constant 1 : i32
      scf.for %scan3A_302 = %scan3A_151 to %scan3A_153 step %scan3A_154  : i32 {
        %mul3A_303 = arith.constant 1 : i32
        %mul3A_304 = arith.muli %scan3A_302, %mul3A_303 : i32
        %add3A_305 = arith.constant 0 : i32
        %add3A_306 = arith.addi %add3A_305, %mul3A_304 : i32
        %mul3A_307 = arith.constant 16 : i32
        %mul3A_308 = arith.muli %add3A_306, %mul3A_307 : i32
        %add3A_309 = vector.broadcast %mul3A_308 : i32 to vector<16xi32>
        %add3A_310 = arith.addi %add3A_309, %iota3A : vector<16xi32>
        %scan3A_311 = arith.constant 0 : i32
        %scan3A_312 = arith.constant 4 : i32
        %scan3A_313 = arith.addi %scan3A_311, %scan3A_312 : i32
        %scan3A_314 = arith.constant 2 : i32
        scf.for %scan3A_316 = %scan3A_311 to %scan3A_313 step %scan3A_314  : i32 {
          %mul3A_317 = arith.constant 1 : i32
          %mul3A_318 = arith.muli %scan3A_316, %mul3A_317 : i32
          %add3A_319 = arith.constant 0 : i32
          %add3A_320 = arith.addi %add3A_319, %mul3A_318 : i32
          %mul3A_321 = arith.constant 16 : i32
          %mul3A_322 = arith.muli %add3A_320, %mul3A_321 : i32
          %add3A_323 = vector.broadcast %mul3A_322 : i32 to vector<16xi32>
          %add3A_324 = arith.addi %add3A_323, %and3A_60 : vector<16xi32>
          %gather3A = tpu.vector_load_idx %arg5[%add3A_324, %add3A_310] : memref<64x128xf32, #tpu.memory_space<vmem>>[vector<16xi32>, vector<16xi32>], vector<16xf32>,
          tpu.vector_store_idx %arg7[%add3A_310, %add3A_324], %gather3A : memref<128x128xf32, #tpu.memory_space<vmem>>[vector<16xi32>, vector<16xi32>], vector<16xf32>,
          %add3A_325 = vector.broadcast %mul3A_322 : i32 to vector<16xi32>
          %add3A_326 = arith.addi %add3A_325, %and3A_66 : vector<16xi32>
          %gather3A_327 = tpu.vector_load_idx %arg5[%add3A_326, %add3A_310] : memref<64x128xf32, #tpu.memory_space<vmem>>[vector<16xi32>, vector<16xi32>], vector<16xf32>,
          tpu.vector_store_idx %arg7[%add3A_310, %add3A_326], %gather3A_327 : memref<128x128xf32, #tpu.memory_space<vmem>>[vector<16xi32>, vector<16xi32>], vector<16xf32>,
          %add3A_328 = vector.broadcast %mul3A_322 : i32 to vector<16xi32>
          %add3A_329 = arith.addi %add3A_328, %and3A_72 : vector<16xi32>
          %gather3A_330 = tpu.vector_load_idx %arg5[%add3A_329, %add3A_310] : memref<64x128xf32, #tpu.memory_space<vmem>>[vector<16xi32>, vector<16xi32>], vector<16xf32>,
          tpu.vector_store_idx %arg7[%add3A_310, %add3A_329], %gather3A_330 : memref<128x128xf32, #tpu.memory_space<vmem>>[vector<16xi32>, vector<16xi32>], vector<16xf32>,
          %add3A_331 = vector.broadcast %mul3A_322 : i32 to vector<16xi32>
          %add3A_332 = arith.addi %add3A_331, %and3A_78 : vector<16xi32>
          %gather3A_333 = tpu.vector_load_idx %arg5[%add3A_332, %add3A_310] : memref<64x128xf32, #tpu.memory_space<vmem>>[vector<16xi32>, vector<16xi32>], vector<16xf32>,
          tpu.vector_store_idx %arg7[%add3A_310, %add3A_332], %gather3A_333 : memref<128x128xf32, #tpu.memory_space<vmem>>[vector<16xi32>, vector<16xi32>], vector<16xf32>,
          %add3A_334 = vector.broadcast %mul3A_322 : i32 to vector<16xi32>
          %add3A_335 = arith.addi %add3A_334, %and3A_84 : vector<16xi32>
          %gather3A_336 = tpu.vector_load_idx %arg5[%add3A_335, %add3A_310] : memref<64x128xf32, #tpu.memory_space<vmem>>[vector<16xi32>, vector<16xi32>], vector<16xf32>,
          tpu.vector_store_idx %arg7[%add3A_310, %add3A_335], %gather3A_336 : memref<128x128xf32, #tpu.memory_space<vmem>>[vector<16xi32>, vector<16xi32>], vector<16xf32>,
          %add3A_337 = vector.broadcast %mul3A_322 : i32 to vector<16xi32>
          %add3A_338 = arith.addi %add3A_337, %and3A_90 : vector<16xi32>
          %gather3A_339 = tpu.vector_load_idx %arg5[%add3A_338, %add3A_310] : memref<64x128xf32, #tpu.memory_space<vmem>>[vector<16xi32>, vector<16xi32>], vector<16xf32>,
          tpu.vector_store_idx %arg7[%add3A_310, %add3A_338], %gather3A_339 : memref<128x128xf32, #tpu.memory_space<vmem>>[vector<16xi32>, vector<16xi32>], vector<16xf32>,
          %add3A_340 = vector.broadcast %mul3A_322 : i32 to vector<16xi32>
          %add3A_341 = arith.addi %add3A_340, %and3A_96 : vector<16xi32>
          %gather3A_342 = tpu.vector_load_idx %arg5[%add3A_341, %add3A_310] : memref<64x128xf32, #tpu.memory_space<vmem>>[vector<16xi32>, vector<16xi32>], vector<16xf32>,
          tpu.vector_store_idx %arg7[%add3A_310, %add3A_341], %gather3A_342 : memref<128x128xf32, #tpu.memory_space<vmem>>[vector<16xi32>, vector<16xi32>], vector<16xf32>,
          %add3A_343 = vector.broadcast %mul3A_322 : i32 to vector<16xi32>
          %add3A_344 = arith.addi %add3A_343, %and3A_102 : vector<16xi32>
          %gather3A_345 = tpu.vector_load_idx %arg5[%add3A_344, %add3A_310] : memref<64x128xf32, #tpu.memory_space<vmem>>[vector<16xi32>, vector<16xi32>], vector<16xf32>,
          tpu.vector_store_idx %arg7[%add3A_310, %add3A_344], %gather3A_345 : memref<128x128xf32, #tpu.memory_space<vmem>>[vector<16xi32>, vector<16xi32>], vector<16xf32>,
          %add3A_346 = vector.broadcast %mul3A_322 : i32 to vector<16xi32>
          %add3A_347 = arith.addi %add3A_346, %and3A_108 : vector<16xi32>
          %gather3A_348 = tpu.vector_load_idx %arg5[%add3A_347, %add3A_310] : memref<64x128xf32, #tpu.memory_space<vmem>>[vector<16xi32>, vector<16xi32>], vector<16xf32>,
          tpu.vector_store_idx %arg7[%add3A_310, %add3A_347], %gather3A_348 : memref<128x128xf32, #tpu.memory_space<vmem>>[vector<16xi32>, vector<16xi32>], vector<16xf32>,
          %add3A_349 = vector.broadcast %mul3A_322 : i32 to vector<16xi32>
          %add3A_350 = arith.addi %add3A_349, %and3A_114 : vector<16xi32>
          %gather3A_351 = tpu.vector_load_idx %arg5[%add3A_350, %add3A_310] : memref<64x128xf32, #tpu.memory_space<vmem>>[vector<16xi32>, vector<16xi32>], vector<16xf32>,
          tpu.vector_store_idx %arg7[%add3A_310, %add3A_350], %gather3A_351 : memref<128x128xf32, #tpu.memory_space<vmem>>[vector<16xi32>, vector<16xi32>], vector<16xf32>,
          %add3A_352 = vector.broadcast %mul3A_322 : i32 to vector<16xi32>
          %add3A_353 = arith.addi %add3A_352, %and3A_120 : vector<16xi32>
          %gather3A_354 = tpu.vector_load_idx %arg5[%add3A_353, %add3A_310] : memref<64x128xf32, #tpu.memory_space<vmem>>[vector<16xi32>, vector<16xi32>], vector<16xf32>,
          tpu.vector_store_idx %arg7[%add3A_310, %add3A_353], %gather3A_354 : memref<128x128xf32, #tpu.memory_space<vmem>>[vector<16xi32>, vector<16xi32>], vector<16xf32>,
          %add3A_355 = vector.broadcast %mul3A_322 : i32 to vector<16xi32>
          %add3A_356 = arith.addi %add3A_355, %and3A_126 : vector<16xi32>
          %gather3A_357 = tpu.vector_load_idx %arg5[%add3A_356, %add3A_310] : memref<64x128xf32, #tpu.memory_space<vmem>>[vector<16xi32>, vector<16xi32>], vector<16xf32>,
          tpu.vector_store_idx %arg7[%add3A_310, %add3A_356], %gather3A_357 : memref<128x128xf32, #tpu.memory_space<vmem>>[vector<16xi32>, vector<16xi32>], vector<16xf32>,
          %add3A_358 = vector.broadcast %mul3A_322 : i32 to vector<16xi32>
          %add3A_359 = arith.addi %add3A_358, %and3A_132 : vector<16xi32>
          %gather3A_360 = tpu.vector_load_idx %arg5[%add3A_359, %add3A_310] : memref<64x128xf32, #tpu.memory_space<vmem>>[vector<16xi32>, vector<16xi32>], vector<16xf32>,
          tpu.vector_store_idx %arg7[%add3A_310, %add3A_359], %gather3A_360 : memref<128x128xf32, #tpu.memory_space<vmem>>[vector<16xi32>, vector<16xi32>], vector<16xf32>,
          %add3A_361 = vector.broadcast %mul3A_322 : i32 to vector<16xi32>
          %add3A_362 = arith.addi %add3A_361, %and3A_138 : vector<16xi32>
          %gather3A_363 = tpu.vector_load_idx %arg5[%add3A_362, %add3A_310] : memref<64x128xf32, #tpu.memory_space<vmem>>[vector<16xi32>, vector<16xi32>], vector<16xf32>,
          tpu.vector_store_idx %arg7[%add3A_310, %add3A_362], %gather3A_363 : memref<128x128xf32, #tpu.memory_space<vmem>>[vector<16xi32>, vector<16xi32>], vector<16xf32>,
          %add3A_364 = vector.broadcast %mul3A_322 : i32 to vector<16xi32>
          %add3A_365 = arith.addi %add3A_364, %and3A_144 : vector<16xi32>
          %gather3A_366 = tpu.vector_load_idx %arg5[%add3A_365, %add3A_310] : memref<64x128xf32, #tpu.memory_space<vmem>>[vector<16xi32>, vector<16xi32>], vector<16xf32>,
          tpu.vector_store_idx %arg7[%add3A_310, %add3A_365], %gather3A_366 : memref<128x128xf32, #tpu.memory_space<vmem>>[vector<16xi32>, vector<16xi32>], vector<16xf32>,
          %add3A_367 = vector.broadcast %mul3A_322 : i32 to vector<16xi32>
          %add3A_368 = arith.addi %add3A_367, %and3A_150 : vector<16xi32>
          %gather3A_369 = tpu.vector_load_idx %arg5[%add3A_368, %add3A_310] : memref<64x128xf32, #tpu.memory_space<vmem>>[vector<16xi32>, vector<16xi32>], vector<16xf32>,
          tpu.vector_store_idx %arg7[%add3A_310, %add3A_368], %gather3A_369 : memref<128x128xf32, #tpu.memory_space<vmem>>[vector<16xi32>, vector<16xi32>], vector<16xf32>,
          %scan3A_370 = arith.constant 1 : i32
          %scan3A_371 = arith.addi %scan3A_316, %scan3A_370 : i32
          %mul3A_372 = arith.constant 1 : i32
          %mul3A_373 = arith.muli %scan3A_371, %mul3A_372 : i32
          %add3A_374 = arith.constant 0 : i32
          %add3A_375 = arith.addi %add3A_374, %mul3A_373 : i32
          %mul3A_376 = arith.constant 16 : i32
          %mul3A_377 = arith.muli %add3A_375, %mul3A_376 : i32
          %add3A_378 = vector.broadcast %mul3A_377 : i32 to vector<16xi32>
          %add3A_379 = arith.addi %add3A_378, %and3A_60 : vector<16xi32>
          %gather3A_380 = tpu.vector_load_idx %arg5[%add3A_379, %add3A_310] : memref<64x128xf32, #tpu.memory_space<vmem>>[vector<16xi32>, vector<16xi32>], vector<16xf32>,
          tpu.vector_store_idx %arg7[%add3A_310, %add3A_379], %gather3A_380 : memref<128x128xf32, #tpu.memory_space<vmem>>[vector<16xi32>, vector<16xi32>], vector<16xf32>,
          %add3A_381 = vector.broadcast %mul3A_377 : i32 to vector<16xi32>
          %add3A_382 = arith.addi %add3A_381, %and3A_66 : vector<16xi32>
          %gather3A_383 = tpu.vector_load_idx %arg5[%add3A_382, %add3A_310] : memref<64x128xf32, #tpu.memory_space<vmem>>[vector<16xi32>, vector<16xi32>], vector<16xf32>,
          tpu.vector_store_idx %arg7[%add3A_310, %add3A_382], %gather3A_383 : memref<128x128xf32, #tpu.memory_space<vmem>>[vector<16xi32>, vector<16xi32>], vector<16xf32>,
          %add3A_384 = vector.broadcast %mul3A_377 : i32 to vector<16xi32>
          %add3A_385 = arith.addi %add3A_384, %and3A_72 : vector<16xi32>
          %gather3A_386 = tpu.vector_load_idx %arg5[%add3A_385, %add3A_310] : memref<64x128xf32, #tpu.memory_space<vmem>>[vector<16xi32>, vector<16xi32>], vector<16xf32>,
          tpu.vector_store_idx %arg7[%add3A_310, %add3A_385], %gather3A_386 : memref<128x128xf32, #tpu.memory_space<vmem>>[vector<16xi32>, vector<16xi32>], vector<16xf32>,
          %add3A_387 = vector.broadcast %mul3A_377 : i32 to vector<16xi32>
          %add3A_388 = arith.addi %add3A_387, %and3A_78 : vector<16xi32>
          %gather3A_389 = tpu.vector_load_idx %arg5[%add3A_388, %add3A_310] : memref<64x128xf32, #tpu.memory_space<vmem>>[vector<16xi32>, vector<16xi32>], vector<16xf32>,
          tpu.vector_store_idx %arg7[%add3A_310, %add3A_388], %gather3A_389 : memref<128x128xf32, #tpu.memory_space<vmem>>[vector<16xi32>, vector<16xi32>], vector<16xf32>,
          %add3A_390 = vector.broadcast %mul3A_377 : i32 to vector<16xi32>
          %add3A_391 = arith.addi %add3A_390, %and3A_84 : vector<16xi32>
          %gather3A_392 = tpu.vector_load_idx %arg5[%add3A_391, %add3A_310] : memref<64x128xf32, #tpu.memory_space<vmem>>[vector<16xi32>, vector<16xi32>], vector<16xf32>,
          tpu.vector_store_idx %arg7[%add3A_310, %add3A_391], %gather3A_392 : memref<128x128xf32, #tpu.memory_space<vmem>>[vector<16xi32>, vector<16xi32>], vector<16xf32>,
          %add3A_393 = vector.broadcast %mul3A_377 : i32 to vector<16xi32>
          %add3A_394 = arith.addi %add3A_393, %and3A_90 : vector<16xi32>
          %gather3A_395 = tpu.vector_load_idx %arg5[%add3A_394, %add3A_310] : memref<64x128xf32, #tpu.memory_space<vmem>>[vector<16xi32>, vector<16xi32>], vector<16xf32>,
          tpu.vector_store_idx %arg7[%add3A_310, %add3A_394], %gather3A_395 : memref<128x128xf32, #tpu.memory_space<vmem>>[vector<16xi32>, vector<16xi32>], vector<16xf32>,
          %add3A_396 = vector.broadcast %mul3A_377 : i32 to vector<16xi32>
          %add3A_397 = arith.addi %add3A_396, %and3A_96 : vector<16xi32>
          %gather3A_398 = tpu.vector_load_idx %arg5[%add3A_397, %add3A_310] : memref<64x128xf32, #tpu.memory_space<vmem>>[vector<16xi32>, vector<16xi32>], vector<16xf32>,
          tpu.vector_store_idx %arg7[%add3A_310, %add3A_397], %gather3A_398 : memref<128x128xf32, #tpu.memory_space<vmem>>[vector<16xi32>, vector<16xi32>], vector<16xf32>,
          %add3A_399 = vector.broadcast %mul3A_377 : i32 to vector<16xi32>
          %add3A_400 = arith.addi %add3A_399, %and3A_102 : vector<16xi32>
          %gather3A_401 = tpu.vector_load_idx %arg5[%add3A_400, %add3A_310] : memref<64x128xf32, #tpu.memory_space<vmem>>[vector<16xi32>, vector<16xi32>], vector<16xf32>,
          tpu.vector_store_idx %arg7[%add3A_310, %add3A_400], %gather3A_401 : memref<128x128xf32, #tpu.memory_space<vmem>>[vector<16xi32>, vector<16xi32>], vector<16xf32>,
          %add3A_402 = vector.broadcast %mul3A_377 : i32 to vector<16xi32>
          %add3A_403 = arith.addi %add3A_402, %and3A_108 : vector<16xi32>
          %gather3A_404 = tpu.vector_load_idx %arg5[%add3A_403, %add3A_310] : memref<64x128xf32, #tpu.memory_space<vmem>>[vector<16xi32>, vector<16xi32>], vector<16xf32>,
          tpu.vector_store_idx %arg7[%add3A_310, %add3A_403], %gather3A_404 : memref<128x128xf32, #tpu.memory_space<vmem>>[vector<16xi32>, vector<16xi32>], vector<16xf32>,
          %add3A_405 = vector.broadcast %mul3A_377 : i32 to vector<16xi32>
          %add3A_406 = arith.addi %add3A_405, %and3A_114 : vector<16xi32>
          %gather3A_407 = tpu.vector_load_idx %arg5[%add3A_406, %add3A_310] : memref<64x128xf32, #tpu.memory_space<vmem>>[vector<16xi32>, vector<16xi32>], vector<16xf32>,
          tpu.vector_store_idx %arg7[%add3A_310, %add3A_406], %gather3A_407 : memref<128x128xf32, #tpu.memory_space<vmem>>[vector<16xi32>, vector<16xi32>], vector<16xf32>,
          %add3A_408 = vector.broadcast %mul3A_377 : i32 to vector<16xi32>
          %add3A_409 = arith.addi %add3A_408, %and3A_120 : vector<16xi32>
          %gather3A_410 = tpu.vector_load_idx %arg5[%add3A_409, %add3A_310] : memref<64x128xf32, #tpu.memory_space<vmem>>[vector<16xi32>, vector<16xi32>], vector<16xf32>,
          tpu.vector_store_idx %arg7[%add3A_310, %add3A_409], %gather3A_410 : memref<128x128xf32, #tpu.memory_space<vmem>>[vector<16xi32>, vector<16xi32>], vector<16xf32>,
          %add3A_411 = vector.broadcast %mul3A_377 : i32 to vector<16xi32>
          %add3A_412 = arith.addi %add3A_411, %and3A_126 : vector<16xi32>
          %gather3A_413 = tpu.vector_load_idx %arg5[%add3A_412, %add3A_310] : memref<64x128xf32, #tpu.memory_space<vmem>>[vector<16xi32>, vector<16xi32>], vector<16xf32>,
          tpu.vector_store_idx %arg7[%add3A_310, %add3A_412], %gather3A_413 : memref<128x128xf32, #tpu.memory_space<vmem>>[vector<16xi32>, vector<16xi32>], vector<16xf32>,
          %add3A_414 = vector.broadcast %mul3A_377 : i32 to vector<16xi32>
          %add3A_415 = arith.addi %add3A_414, %and3A_132 : vector<16xi32>
          %gather3A_416 = tpu.vector_load_idx %arg5[%add3A_415, %add3A_310] : memref<64x128xf32, #tpu.memory_space<vmem>>[vector<16xi32>, vector<16xi32>], vector<16xf32>,
          tpu.vector_store_idx %arg7[%add3A_310, %add3A_415], %gather3A_416 : memref<128x128xf32, #tpu.memory_space<vmem>>[vector<16xi32>, vector<16xi32>], vector<16xf32>,
          %add3A_417 = vector.broadcast %mul3A_377 : i32 to vector<16xi32>
          %add3A_418 = arith.addi %add3A_417, %and3A_138 : vector<16xi32>
          %gather3A_419 = tpu.vector_load_idx %arg5[%add3A_418, %add3A_310] : memref<64x128xf32, #tpu.memory_space<vmem>>[vector<16xi32>, vector<16xi32>], vector<16xf32>,
          tpu.vector_store_idx %arg7[%add3A_310, %add3A_418], %gather3A_419 : memref<128x128xf32, #tpu.memory_space<vmem>>[vector<16xi32>, vector<16xi32>], vector<16xf32>,
          %add3A_420 = vector.broadcast %mul3A_377 : i32 to vector<16xi32>
          %add3A_421 = arith.addi %add3A_420, %and3A_144 : vector<16xi32>
          %gather3A_422 = tpu.vector_load_idx %arg5[%add3A_421, %add3A_310] : memref<64x128xf32, #tpu.memory_space<vmem>>[vector<16xi32>, vector<16xi32>], vector<16xf32>,
          tpu.vector_store_idx %arg7[%add3A_310, %add3A_421], %gather3A_422 : memref<128x128xf32, #tpu.memory_space<vmem>>[vector<16xi32>, vector<16xi32>], vector<16xf32>,
          %add3A_423 = vector.broadcast %mul3A_377 : i32 to vector<16xi32>
          %add3A_424 = arith.addi %add3A_423, %and3A_150 : vector<16xi32>
          %gather3A_425 = tpu.vector_load_idx %arg5[%add3A_424, %add3A_310] : memref<64x128xf32, #tpu.memory_space<vmem>>[vector<16xi32>, vector<16xi32>], vector<16xf32>,
          tpu.vector_store_idx %arg7[%add3A_310, %add3A_424], %gather3A_425 : memref<128x128xf32, #tpu.memory_space<vmem>>[vector<16xi32>, vector<16xi32>], vector<16xf32>,
        }
        %scan3A_315 = arith.constant 4 : i32
      }
      %scan3A_155 = arith.constant 8 : i32
      %add3A_156 = arith.addi %add3A_4, %add3A_45 : i32
      %mul3A_157 = arith.constant 128 : i32
      %mul3A_158 = arith.muli %add3A_156, %mul3A_157 : i32
      %min3A_159 = arith.constant 999808 : i32
      %min3A_160 = arith.minsi %mul3A_158, %min3A_159 : i32
      %dma_start3A_161 = arith.constant 0 : i32
      %dma_start3A_162 = tpu.memref_slice %arg4[%min3A_160, %dma_start3A_161] : memref<1000000x128xf32, #tpu.memory_space<hbm>> -> memref<128x128xf32, #tpu.memory_space<hbm>>
      %dma_start3A_163 = arith.constant 0 : i32
      %dma_start3A_164 = tpu.memref_slice %arg4[%min3A_160, %dma_start3A_163] : memref<1000000x128xf32, #tpu.memory_space<hbm>> -> memref<128x128xf32, #tpu.memory_space<hbm>>
      tpu.enqueue_dma source(%arg7 : memref<128x128xf32, #tpu.memory_space<vmem>>) target(%dma_start3A_164 : memref<128x128xf32, #tpu.memory_space<hbm>>) target_semaphore(%arg11 : memref<!tpu.dma_semaphore, #tpu.memory_space<semaphore_mem>>)
      %add3A_165 = arith.constant 2 : i32
      %add3A_166 = arith.addi %add3A_45, %add3A_165 : i32
      %lt3A = arith.constant 246 : i32
      %lt3A_167 = arith.cmpi slt, %add3A_166, %lt3A : i32
      %convert_element_type3A_168 = arith.extui %lt3A_167 : i1 to i32
      %cond3A_169 = arith.constant 0 : i32
      %cond3A_170 = arith.cmpi ne, %convert_element_type3A_168, %cond3A_169 : i32
      scf.if %cond3A_170 {
        %add3A_302 = arith.constant 2 : i32
        %add3A_303 = arith.addi %add3A_45, %add3A_302 : i32
        %add3A_304 = arith.addi %add3A_4, %add3A_303 : i32
        %mul3A_305 = arith.constant 128 : i32
        %mul3A_306 = arith.muli %add3A_304, %mul3A_305 : i32
        %min3A_307 = arith.constant 999808 : i32
        %min3A_308 = arith.minsi %mul3A_306, %min3A_307 : i32
        %dma_start3A_309 = arith.constant 0 : i32
        %dma_start3A_310 = tpu.memref_slice %arg2[%dma_start3A_309, %min3A_308] : memref<64x1000000xf32, #tpu.memory_space<hbm>> -> memref<64x128xf32, #tpu.memory_space<hbm>>
        %dma_start3A_311 = arith.constant 0 : i32
        %dma_start3A_312 = tpu.memref_slice %arg2[%dma_start3A_311, %min3A_308] : memref<64x1000000xf32, #tpu.memory_space<hbm>> -> memref<64x128xf32, #tpu.memory_space<hbm>>
        tpu.enqueue_dma source(%dma_start3A_312 : memref<64x128xf32, #tpu.memory_space<hbm>>) target(%arg5 : memref<64x128xf32, #tpu.memory_space<vmem>>) target_semaphore(%arg9 : memref<!tpu.dma_semaphore, #tpu.memory_space<semaphore_mem>>)
      } else {
      }
      %add3A_171 = arith.constant 1 : i32
      %add3A_172 = arith.addi %add3A_45, %add3A_171 : i32
      %dma_wait3A_173 = arith.constant 0 : i32
      %dma_wait3A_174 = arith.constant 0 : i32
      %dma_wait3A_175 = tpu.memref_slice %arg2[%dma_wait3A_173, %dma_wait3A_174] : memref<64x1000000xf32, #tpu.memory_space<hbm>> -> memref<64x128xf32, #tpu.memory_space<hbm>>
      %dma_wait3A_176 = arith.constant 0 : i32
      %dma_wait3A_177 = arith.constant 0 : i32
      %dma_wait3A_178 = tpu.memref_slice %arg2[%dma_wait3A_176, %dma_wait3A_177] : memref<64x1000000xf32, #tpu.memory_space<hbm>> -> memref<64x128xf32, #tpu.memory_space<hbm>>
      tpu.wait_dma2 semaphore(%arg10 : memref<!tpu.dma_semaphore, #tpu.memory_space<semaphore_mem>>) src(%dma_wait3A_178 : memref<64x128xf32, #tpu.memory_space<hbm>>) dst(%arg6 : memref<64x128xf32, #tpu.memory_space<vmem>>)
      %gt3A_179 = arith.constant 1 : i32
      %gt3A_180 = arith.cmpi sgt, %add3A_172, %gt3A_179 : i32
      %convert_element_type3A_181 = arith.extui %gt3A_180 : i1 to i32
      %cond3A_182 = arith.constant 0 : i32
      %cond3A_183 = arith.cmpi ne, %convert_element_type3A_181, %cond3A_182 : i32
      scf.if %cond3A_183 {
        %dma_wait3A_302 = arith.constant 0 : i32
        %dma_wait3A_303 = arith.constant 0 : i32
        %dma_wait3A_304 = tpu.memref_slice %arg4[%dma_wait3A_302, %dma_wait3A_303] : memref<1000000x128xf32, #tpu.memory_space<hbm>> -> memref<128x128xf32, #tpu.memory_space<hbm>>
        %dma_wait3A_305 = arith.constant 0 : i32
        %dma_wait3A_306 = arith.constant 0 : i32
        %dma_wait3A_307 = tpu.memref_slice %arg4[%dma_wait3A_305, %dma_wait3A_306] : memref<1000000x128xf32, #tpu.memory_space<hbm>> -> memref<128x128xf32, #tpu.memory_space<hbm>>
        tpu.wait_dma2 semaphore(%arg12 : memref<!tpu.dma_semaphore, #tpu.memory_space<semaphore_mem>>) src(%arg8 : memref<128x128xf32, #tpu.memory_space<vmem>>) dst(%dma_wait3A_307 : memref<128x128xf32, #tpu.memory_space<hbm>>)
      } else {
      }
      %iota3A_184 = tpu.iota {dimensions = array<i32: 0>} : vector<16xi32>
      %add3A_185 = arith.constant 0 : i32
      %add3A_186 = vector.broadcast %add3A_185 : i32 to vector<16xi32>
      %add3A_187 = arith.addi %iota3A_184, %add3A_186 : vector<16xi32>
      %and3A_188 = arith.constant 15 : i32
      %and3A_189 = vector.broadcast %and3A_188 : i32 to vector<16xi32>
      %and3A_190 = arith.andi %add3A_187, %and3A_189 : vector<16xi32>
      %add3A_191 = arith.constant 1 : i32
      %add3A_192 = vector.broadcast %add3A_191 : i32 to vector<16xi32>
      %add3A_193 = arith.addi %iota3A_184, %add3A_192 : vector<16xi32>
      %and3A_194 = arith.constant 15 : i32
      %and3A_195 = vector.broadcast %and3A_194 : i32 to vector<16xi32>
      %and3A_196 = arith.andi %add3A_193, %and3A_195 : vector<16xi32>
      %add3A_197 = arith.constant 2 : i32
      %add3A_198 = vector.broadcast %add3A_197 : i32 to vector<16xi32>
      %add3A_199 = arith.addi %iota3A_184, %add3A_198 : vector<16xi32>
      %and3A_200 = arith.constant 15 : i32
      %and3A_201 = vector.broadcast %and3A_200 : i32 to vector<16xi32>
      %and3A_202 = arith.andi %add3A_199, %and3A_201 : vector<16xi32>
      %add3A_203 = arith.constant 3 : i32
      %add3A_204 = vector.broadcast %add3A_203 : i32 to vector<16xi32>
      %add3A_205 = arith.addi %iota3A_184, %add3A_204 : vector<16xi32>
      %and3A_206 = arith.constant 15 : i32
      %and3A_207 = vector.broadcast %and3A_206 : i32 to vector<16xi32>
      %and3A_208 = arith.andi %add3A_205, %and3A_207 : vector<16xi32>
      %add3A_209 = arith.constant 4 : i32
      %add3A_210 = vector.broadcast %add3A_209 : i32 to vector<16xi32>
      %add3A_211 = arith.addi %iota3A_184, %add3A_210 : vector<16xi32>
      %and3A_212 = arith.constant 15 : i32
      %and3A_213 = vector.broadcast %and3A_212 : i32 to vector<16xi32>
      %and3A_214 = arith.andi %add3A_211, %and3A_213 : vector<16xi32>
      %add3A_215 = arith.constant 5 : i32
      %add3A_216 = vector.broadcast %add3A_215 : i32 to vector<16xi32>
      %add3A_217 = arith.addi %iota3A_184, %add3A_216 : vector<16xi32>
      %and3A_218 = arith.constant 15 : i32
      %and3A_219 = vector.broadcast %and3A_218 : i32 to vector<16xi32>
      %and3A_220 = arith.andi %add3A_217, %and3A_219 : vector<16xi32>
      %add3A_221 = arith.constant 6 : i32
      %add3A_222 = vector.broadcast %add3A_221 : i32 to vector<16xi32>
      %add3A_223 = arith.addi %iota3A_184, %add3A_222 : vector<16xi32>
      %and3A_224 = arith.constant 15 : i32
      %and3A_225 = vector.broadcast %and3A_224 : i32 to vector<16xi32>
      %and3A_226 = arith.andi %add3A_223, %and3A_225 : vector<16xi32>
      %add3A_227 = arith.constant 7 : i32
      %add3A_228 = vector.broadcast %add3A_227 : i32 to vector<16xi32>
      %add3A_229 = arith.addi %iota3A_184, %add3A_228 : vector<16xi32>
      %and3A_230 = arith.constant 15 : i32
      %and3A_231 = vector.broadcast %and3A_230 : i32 to vector<16xi32>
      %and3A_232 = arith.andi %add3A_229, %and3A_231 : vector<16xi32>
      %add3A_233 = arith.constant 8 : i32
      %add3A_234 = vector.broadcast %add3A_233 : i32 to vector<16xi32>
      %add3A_235 = arith.addi %iota3A_184, %add3A_234 : vector<16xi32>
      %and3A_236 = arith.constant 15 : i32
      %and3A_237 = vector.broadcast %and3A_236 : i32 to vector<16xi32>
      %and3A_238 = arith.andi %add3A_235, %and3A_237 : vector<16xi32>
      %add3A_239 = arith.constant 9 : i32
      %add3A_240 = vector.broadcast %add3A_239 : i32 to vector<16xi32>
      %add3A_241 = arith.addi %iota3A_184, %add3A_240 : vector<16xi32>
      %and3A_242 = arith.constant 15 : i32
      %and3A_243 = vector.broadcast %and3A_242 : i32 to vector<16xi32>
      %and3A_244 = arith.andi %add3A_241, %and3A_243 : vector<16xi32>
      %add3A_245 = arith.constant 10 : i32
      %add3A_246 = vector.broadcast %add3A_245 : i32 to vector<16xi32>
      %add3A_247 = arith.addi %iota3A_184, %add3A_246 : vector<16xi32>
      %and3A_248 = arith.constant 15 : i32
      %and3A_249 = vector.broadcast %and3A_248 : i32 to vector<16xi32>
      %and3A_250 = arith.andi %add3A_247, %and3A_249 : vector<16xi32>
      %add3A_251 = arith.constant 11 : i32
      %add3A_252 = vector.broadcast %add3A_251 : i32 to vector<16xi32>
      %add3A_253 = arith.addi %iota3A_184, %add3A_252 : vector<16xi32>
      %and3A_254 = arith.constant 15 : i32
      %and3A_255 = vector.broadcast %and3A_254 : i32 to vector<16xi32>
      %and3A_256 = arith.andi %add3A_253, %and3A_255 : vector<16xi32>
      %add3A_257 = arith.constant 12 : i32
      %add3A_258 = vector.broadcast %add3A_257 : i32 to vector<16xi32>
      %add3A_259 = arith.addi %iota3A_184, %add3A_258 : vector<16xi32>
      %and3A_260 = arith.constant 15 : i32
      %and3A_261 = vector.broadcast %and3A_260 : i32 to vector<16xi32>
      %and3A_262 = arith.andi %add3A_259, %and3A_261 : vector<16xi32>
      %add3A_263 = arith.constant 13 : i32
      %add3A_264 = vector.broadcast %add3A_263 : i32 to vector<16xi32>
      %add3A_265 = arith.addi %iota3A_184, %add3A_264 : vector<16xi32>
      %and3A_266 = arith.constant 15 : i32
      %and3A_267 = vector.broadcast %and3A_266 : i32 to vector<16xi32>
      %and3A_268 = arith.andi %add3A_265, %and3A_267 : vector<16xi32>
      %add3A_269 = arith.constant 14 : i32
      %add3A_270 = vector.broadcast %add3A_269 : i32 to vector<16xi32>
      %add3A_271 = arith.addi %iota3A_184, %add3A_270 : vector<16xi32>
      %and3A_272 = arith.constant 15 : i32
      %and3A_273 = vector.broadcast %and3A_272 : i32 to vector<16xi32>
      %and3A_274 = arith.andi %add3A_271, %and3A_273 : vector<16xi32>
      %add3A_275 = arith.constant 15 : i32
      %add3A_276 = vector.broadcast %add3A_275 : i32 to vector<16xi32>
      %add3A_277 = arith.addi %iota3A_184, %add3A_276 : vector<16xi32>
      %and3A_278 = arith.constant 15 : i32
      %and3A_279 = vector.broadcast %and3A_278 : i32 to vector<16xi32>
      %and3A_280 = arith.andi %add3A_277, %and3A_279 : vector<16xi32>
      %scan3A_281 = arith.constant 0 : i32
      %scan3A_282 = arith.constant 8 : i32
      %scan3A_283 = arith.addi %scan3A_281, %scan3A_282 : i32
      %scan3A_284 = arith.constant 1 : i32
      scf.for %scan3A_302 = %scan3A_281 to %scan3A_283 step %scan3A_284  : i32 {
        %mul3A_303 = arith.constant 1 : i32
        %mul3A_304 = arith.muli %scan3A_302, %mul3A_303 : i32
        %add3A_305 = arith.constant 0 : i32
        %add3A_306 = arith.addi %add3A_305, %mul3A_304 : i32
        %mul3A_307 = arith.constant 16 : i32
        %mul3A_308 = arith.muli %add3A_306, %mul3A_307 : i32
        %add3A_309 = vector.broadcast %mul3A_308 : i32 to vector<16xi32>
        %add3A_310 = arith.addi %add3A_309, %iota3A_184 : vector<16xi32>
        %scan3A_311 = arith.constant 0 : i32
        %scan3A_312 = arith.constant 4 : i32
        %scan3A_313 = arith.addi %scan3A_311, %scan3A_312 : i32
        %scan3A_314 = arith.constant 2 : i32
        scf.for %scan3A_316 = %scan3A_311 to %scan3A_313 step %scan3A_314  : i32 {
          %mul3A_317 = arith.constant 1 : i32
          %mul3A_318 = arith.muli %scan3A_316, %mul3A_317 : i32
          %add3A_319 = arith.constant 0 : i32
          %add3A_320 = arith.addi %add3A_319, %mul3A_318 : i32
          %mul3A_321 = arith.constant 16 : i32
          %mul3A_322 = arith.muli %add3A_320, %mul3A_321 : i32
          %add3A_323 = vector.broadcast %mul3A_322 : i32 to vector<16xi32>
          %add3A_324 = arith.addi %add3A_323, %and3A_190 : vector<16xi32>
          %gather3A = tpu.vector_load_idx %arg6[%add3A_324, %add3A_310] : memref<64x128xf32, #tpu.memory_space<vmem>>[vector<16xi32>, vector<16xi32>], vector<16xf32>,
          tpu.vector_store_idx %arg8[%add3A_310, %add3A_324], %gather3A : memref<128x128xf32, #tpu.memory_space<vmem>>[vector<16xi32>, vector<16xi32>], vector<16xf32>,
          %add3A_325 = vector.broadcast %mul3A_322 : i32 to vector<16xi32>
          %add3A_326 = arith.addi %add3A_325, %and3A_196 : vector<16xi32>
          %gather3A_327 = tpu.vector_load_idx %arg6[%add3A_326, %add3A_310] : memref<64x128xf32, #tpu.memory_space<vmem>>[vector<16xi32>, vector<16xi32>], vector<16xf32>,
          tpu.vector_store_idx %arg8[%add3A_310, %add3A_326], %gather3A_327 : memref<128x128xf32, #tpu.memory_space<vmem>>[vector<16xi32>, vector<16xi32>], vector<16xf32>,
          %add3A_328 = vector.broadcast %mul3A_322 : i32 to vector<16xi32>
          %add3A_329 = arith.addi %add3A_328, %and3A_202 : vector<16xi32>
          %gather3A_330 = tpu.vector_load_idx %arg6[%add3A_329, %add3A_310] : memref<64x128xf32, #tpu.memory_space<vmem>>[vector<16xi32>, vector<16xi32>], vector<16xf32>,
          tpu.vector_store_idx %arg8[%add3A_310, %add3A_329], %gather3A_330 : memref<128x128xf32, #tpu.memory_space<vmem>>[vector<16xi32>, vector<16xi32>], vector<16xf32>,
          %add3A_331 = vector.broadcast %mul3A_322 : i32 to vector<16xi32>
          %add3A_332 = arith.addi %add3A_331, %and3A_208 : vector<16xi32>
          %gather3A_333 = tpu.vector_load_idx %arg6[%add3A_332, %add3A_310] : memref<64x128xf32, #tpu.memory_space<vmem>>[vector<16xi32>, vector<16xi32>], vector<16xf32>,
          tpu.vector_store_idx %arg8[%add3A_310, %add3A_332], %gather3A_333 : memref<128x128xf32, #tpu.memory_space<vmem>>[vector<16xi32>, vector<16xi32>], vector<16xf32>,
          %add3A_334 = vector.broadcast %mul3A_322 : i32 to vector<16xi32>
          %add3A_335 = arith.addi %add3A_334, %and3A_214 : vector<16xi32>
          %gather3A_336 = tpu.vector_load_idx %arg6[%add3A_335, %add3A_310] : memref<64x128xf32, #tpu.memory_space<vmem>>[vector<16xi32>, vector<16xi32>], vector<16xf32>,
          tpu.vector_store_idx %arg8[%add3A_310, %add3A_335], %gather3A_336 : memref<128x128xf32, #tpu.memory_space<vmem>>[vector<16xi32>, vector<16xi32>], vector<16xf32>,
          %add3A_337 = vector.broadcast %mul3A_322 : i32 to vector<16xi32>
          %add3A_338 = arith.addi %add3A_337, %and3A_220 : vector<16xi32>
          %gather3A_339 = tpu.vector_load_idx %arg6[%add3A_338, %add3A_310] : memref<64x128xf32, #tpu.memory_space<vmem>>[vector<16xi32>, vector<16xi32>], vector<16xf32>,
          tpu.vector_store_idx %arg8[%add3A_310, %add3A_338], %gather3A_339 : memref<128x128xf32, #tpu.memory_space<vmem>>[vector<16xi32>, vector<16xi32>], vector<16xf32>,
          %add3A_340 = vector.broadcast %mul3A_322 : i32 to vector<16xi32>
          %add3A_341 = arith.addi %add3A_340, %and3A_226 : vector<16xi32>
          %gather3A_342 = tpu.vector_load_idx %arg6[%add3A_341, %add3A_310] : memref<64x128xf32, #tpu.memory_space<vmem>>[vector<16xi32>, vector<16xi32>], vector<16xf32>,
          tpu.vector_store_idx %arg8[%add3A_310, %add3A_341], %gather3A_342 : memref<128x128xf32, #tpu.memory_space<vmem>>[vector<16xi32>, vector<16xi32>], vector<16xf32>,
          %add3A_343 = vector.broadcast %mul3A_322 : i32 to vector<16xi32>
          %add3A_344 = arith.addi %add3A_343, %and3A_232 : vector<16xi32>
          %gather3A_345 = tpu.vector_load_idx %arg6[%add3A_344, %add3A_310] : memref<64x128xf32, #tpu.memory_space<vmem>>[vector<16xi32>, vector<16xi32>], vector<16xf32>,
          tpu.vector_store_idx %arg8[%add3A_310, %add3A_344], %gather3A_345 : memref<128x128xf32, #tpu.memory_space<vmem>>[vector<16xi32>, vector<16xi32>], vector<16xf32>,
          %add3A_346 = vector.broadcast %mul3A_322 : i32 to vector<16xi32>
          %add3A_347 = arith.addi %add3A_346, %and3A_238 : vector<16xi32>
          %gather3A_348 = tpu.vector_load_idx %arg6[%add3A_347, %add3A_310] : memref<64x128xf32, #tpu.memory_space<vmem>>[vector<16xi32>, vector<16xi32>], vector<16xf32>,
          tpu.vector_store_idx %arg8[%add3A_310, %add3A_347], %gather3A_348 : memref<128x128xf32, #tpu.memory_space<vmem>>[vector<16xi32>, vector<16xi32>], vector<16xf32>,
          %add3A_349 = vector.broadcast %mul3A_322 : i32 to vector<16xi32>
          %add3A_350 = arith.addi %add3A_349, %and3A_244 : vector<16xi32>
          %gather3A_351 = tpu.vector_load_idx %arg6[%add3A_350, %add3A_310] : memref<64x128xf32, #tpu.memory_space<vmem>>[vector<16xi32>, vector<16xi32>], vector<16xf32>,
          tpu.vector_store_idx %arg8[%add3A_310, %add3A_350], %gather3A_351 : memref<128x128xf32, #tpu.memory_space<vmem>>[vector<16xi32>, vector<16xi32>], vector<16xf32>,
          %add3A_352 = vector.broadcast %mul3A_322 : i32 to vector<16xi32>
          %add3A_353 = arith.addi %add3A_352, %and3A_250 : vector<16xi32>
          %gather3A_354 = tpu.vector_load_idx %arg6[%add3A_353, %add3A_310] : memref<64x128xf32, #tpu.memory_space<vmem>>[vector<16xi32>, vector<16xi32>], vector<16xf32>,
          tpu.vector_store_idx %arg8[%add3A_310, %add3A_353], %gather3A_354 : memref<128x128xf32, #tpu.memory_space<vmem>>[vector<16xi32>, vector<16xi32>], vector<16xf32>,
          %add3A_355 = vector.broadcast %mul3A_322 : i32 to vector<16xi32>
          %add3A_356 = arith.addi %add3A_355, %and3A_256 : vector<16xi32>
          %gather3A_357 = tpu.vector_load_idx %arg6[%add3A_356, %add3A_310] : memref<64x128xf32, #tpu.memory_space<vmem>>[vector<16xi32>, vector<16xi32>], vector<16xf32>,
          tpu.vector_store_idx %arg8[%add3A_310, %add3A_356], %gather3A_357 : memref<128x128xf32, #tpu.memory_space<vmem>>[vector<16xi32>, vector<16xi32>], vector<16xf32>,
          %add3A_358 = vector.broadcast %mul3A_322 : i32 to vector<16xi32>
          %add3A_359 = arith.addi %add3A_358, %and3A_262 : vector<16xi32>
          %gather3A_360 = tpu.vector_load_idx %arg6[%add3A_359, %add3A_310] : memref<64x128xf32, #tpu.memory_space<vmem>>[vector<16xi32>, vector<16xi32>], vector<16xf32>,
          tpu.vector_store_idx %arg8[%add3A_310, %add3A_359], %gather3A_360 : memref<128x128xf32, #tpu.memory_space<vmem>>[vector<16xi32>, vector<16xi32>], vector<16xf32>,
          %add3A_361 = vector.broadcast %mul3A_322 : i32 to vector<16xi32>
          %add3A_362 = arith.addi %add3A_361, %and3A_268 : vector<16xi32>
          %gather3A_363 = tpu.vector_load_idx %arg6[%add3A_362, %add3A_310] : memref<64x128xf32, #tpu.memory_space<vmem>>[vector<16xi32>, vector<16xi32>], vector<16xf32>,
          tpu.vector_store_idx %arg8[%add3A_310, %add3A_362], %gather3A_363 : memref<128x128xf32, #tpu.memory_space<vmem>>[vector<16xi32>, vector<16xi32>], vector<16xf32>,
          %add3A_364 = vector.broadcast %mul3A_322 : i32 to vector<16xi32>
          %add3A_365 = arith.addi %add3A_364, %and3A_274 : vector<16xi32>
          %gather3A_366 = tpu.vector_load_idx %arg6[%add3A_365, %add3A_310] : memref<64x128xf32, #tpu.memory_space<vmem>>[vector<16xi32>, vector<16xi32>], vector<16xf32>,
          tpu.vector_store_idx %arg8[%add3A_310, %add3A_365], %gather3A_366 : memref<128x128xf32, #tpu.memory_space<vmem>>[vector<16xi32>, vector<16xi32>], vector<16xf32>,
          %add3A_367 = vector.broadcast %mul3A_322 : i32 to vector<16xi32>
          %add3A_368 = arith.addi %add3A_367, %and3A_280 : vector<16xi32>
          %gather3A_369 = tpu.vector_load_idx %arg6[%add3A_368, %add3A_310] : memref<64x128xf32, #tpu.memory_space<vmem>>[vector<16xi32>, vector<16xi32>], vector<16xf32>,
          tpu.vector_store_idx %arg8[%add3A_310, %add3A_368], %gather3A_369 : memref<128x128xf32, #tpu.memory_space<vmem>>[vector<16xi32>, vector<16xi32>], vector<16xf32>,
          %scan3A_370 = arith.constant 1 : i32
          %scan3A_371 = arith.addi %scan3A_316, %scan3A_370 : i32
          %mul3A_372 = arith.constant 1 : i32
          %mul3A_373 = arith.muli %scan3A_371, %mul3A_372 : i32
          %add3A_374 = arith.constant 0 : i32
          %add3A_375 = arith.addi %add3A_374, %mul3A_373 : i32
          %mul3A_376 = arith.constant 16 : i32
          %mul3A_377 = arith.muli %add3A_375, %mul3A_376 : i32
          %add3A_378 = vector.broadcast %mul3A_377 : i32 to vector<16xi32>
          %add3A_379 = arith.addi %add3A_378, %and3A_190 : vector<16xi32>
          %gather3A_380 = tpu.vector_load_idx %arg6[%add3A_379, %add3A_310] : memref<64x128xf32, #tpu.memory_space<vmem>>[vector<16xi32>, vector<16xi32>], vector<16xf32>,
          tpu.vector_store_idx %arg8[%add3A_310, %add3A_379], %gather3A_380 : memref<128x128xf32, #tpu.memory_space<vmem>>[vector<16xi32>, vector<16xi32>], vector<16xf32>,
          %add3A_381 = vector.broadcast %mul3A_377 : i32 to vector<16xi32>
          %add3A_382 = arith.addi %add3A_381, %and3A_196 : vector<16xi32>
          %gather3A_383 = tpu.vector_load_idx %arg6[%add3A_382, %add3A_310] : memref<64x128xf32, #tpu.memory_space<vmem>>[vector<16xi32>, vector<16xi32>], vector<16xf32>,
          tpu.vector_store_idx %arg8[%add3A_310, %add3A_382], %gather3A_383 : memref<128x128xf32, #tpu.memory_space<vmem>>[vector<16xi32>, vector<16xi32>], vector<16xf32>,
          %add3A_384 = vector.broadcast %mul3A_377 : i32 to vector<16xi32>
          %add3A_385 = arith.addi %add3A_384, %and3A_202 : vector<16xi32>
          %gather3A_386 = tpu.vector_load_idx %arg6[%add3A_385, %add3A_310] : memref<64x128xf32, #tpu.memory_space<vmem>>[vector<16xi32>, vector<16xi32>], vector<16xf32>,
          tpu.vector_store_idx %arg8[%add3A_310, %add3A_385], %gather3A_386 : memref<128x128xf32, #tpu.memory_space<vmem>>[vector<16xi32>, vector<16xi32>], vector<16xf32>,
          %add3A_387 = vector.broadcast %mul3A_377 : i32 to vector<16xi32>
          %add3A_388 = arith.addi %add3A_387, %and3A_208 : vector<16xi32>
          %gather3A_389 = tpu.vector_load_idx %arg6[%add3A_388, %add3A_310] : memref<64x128xf32, #tpu.memory_space<vmem>>[vector<16xi32>, vector<16xi32>], vector<16xf32>,
          tpu.vector_store_idx %arg8[%add3A_310, %add3A_388], %gather3A_389 : memref<128x128xf32, #tpu.memory_space<vmem>>[vector<16xi32>, vector<16xi32>], vector<16xf32>,
          %add3A_390 = vector.broadcast %mul3A_377 : i32 to vector<16xi32>
          %add3A_391 = arith.addi %add3A_390, %and3A_214 : vector<16xi32>
          %gather3A_392 = tpu.vector_load_idx %arg6[%add3A_391, %add3A_310] : memref<64x128xf32, #tpu.memory_space<vmem>>[vector<16xi32>, vector<16xi32>], vector<16xf32>,
          tpu.vector_store_idx %arg8[%add3A_310, %add3A_391], %gather3A_392 : memref<128x128xf32, #tpu.memory_space<vmem>>[vector<16xi32>, vector<16xi32>], vector<16xf32>,
          %add3A_393 = vector.broadcast %mul3A_377 : i32 to vector<16xi32>
          %add3A_394 = arith.addi %add3A_393, %and3A_220 : vector<16xi32>
          %gather3A_395 = tpu.vector_load_idx %arg6[%add3A_394, %add3A_310] : memref<64x128xf32, #tpu.memory_space<vmem>>[vector<16xi32>, vector<16xi32>], vector<16xf32>,
          tpu.vector_store_idx %arg8[%add3A_310, %add3A_394], %gather3A_395 : memref<128x128xf32, #tpu.memory_space<vmem>>[vector<16xi32>, vector<16xi32>], vector<16xf32>,
          %add3A_396 = vector.broadcast %mul3A_377 : i32 to vector<16xi32>
          %add3A_397 = arith.addi %add3A_396, %and3A_226 : vector<16xi32>
          %gather3A_398 = tpu.vector_load_idx %arg6[%add3A_397, %add3A_310] : memref<64x128xf32, #tpu.memory_space<vmem>>[vector<16xi32>, vector<16xi32>], vector<16xf32>,
          tpu.vector_store_idx %arg8[%add3A_310, %add3A_397], %gather3A_398 : memref<128x128xf32, #tpu.memory_space<vmem>>[vector<16xi32>, vector<16xi32>], vector<16xf32>,
          %add3A_399 = vector.broadcast %mul3A_377 : i32 to vector<16xi32>
          %add3A_400 = arith.addi %add3A_399, %and3A_232 : vector<16xi32>
          %gather3A_401 = tpu.vector_load_idx %arg6[%add3A_400, %add3A_310] : memref<64x128xf32, #tpu.memory_space<vmem>>[vector<16xi32>, vector<16xi32>], vector<16xf32>,
          tpu.vector_store_idx %arg8[%add3A_310, %add3A_400], %gather3A_401 : memref<128x128xf32, #tpu.memory_space<vmem>>[vector<16xi32>, vector<16xi32>], vector<16xf32>,
          %add3A_402 = vector.broadcast %mul3A_377 : i32 to vector<16xi32>
          %add3A_403 = arith.addi %add3A_402, %and3A_238 : vector<16xi32>
          %gather3A_404 = tpu.vector_load_idx %arg6[%add3A_403, %add3A_310] : memref<64x128xf32, #tpu.memory_space<vmem>>[vector<16xi32>, vector<16xi32>], vector<16xf32>,
          tpu.vector_store_idx %arg8[%add3A_310, %add3A_403], %gather3A_404 : memref<128x128xf32, #tpu.memory_space<vmem>>[vector<16xi32>, vector<16xi32>], vector<16xf32>,
          %add3A_405 = vector.broadcast %mul3A_377 : i32 to vector<16xi32>
          %add3A_406 = arith.addi %add3A_405, %and3A_244 : vector<16xi32>
          %gather3A_407 = tpu.vector_load_idx %arg6[%add3A_406, %add3A_310] : memref<64x128xf32, #tpu.memory_space<vmem>>[vector<16xi32>, vector<16xi32>], vector<16xf32>,
          tpu.vector_store_idx %arg8[%add3A_310, %add3A_406], %gather3A_407 : memref<128x128xf32, #tpu.memory_space<vmem>>[vector<16xi32>, vector<16xi32>], vector<16xf32>,
          %add3A_408 = vector.broadcast %mul3A_377 : i32 to vector<16xi32>
          %add3A_409 = arith.addi %add3A_408, %and3A_250 : vector<16xi32>
          %gather3A_410 = tpu.vector_load_idx %arg6[%add3A_409, %add3A_310] : memref<64x128xf32, #tpu.memory_space<vmem>>[vector<16xi32>, vector<16xi32>], vector<16xf32>,
          tpu.vector_store_idx %arg8[%add3A_310, %add3A_409], %gather3A_410 : memref<128x128xf32, #tpu.memory_space<vmem>>[vector<16xi32>, vector<16xi32>], vector<16xf32>,
          %add3A_411 = vector.broadcast %mul3A_377 : i32 to vector<16xi32>
          %add3A_412 = arith.addi %add3A_411, %and3A_256 : vector<16xi32>
          %gather3A_413 = tpu.vector_load_idx %arg6[%add3A_412, %add3A_310] : memref<64x128xf32, #tpu.memory_space<vmem>>[vector<16xi32>, vector<16xi32>], vector<16xf32>,
          tpu.vector_store_idx %arg8[%add3A_310, %add3A_412], %gather3A_413 : memref<128x128xf32, #tpu.memory_space<vmem>>[vector<16xi32>, vector<16xi32>], vector<16xf32>,
          %add3A_414 = vector.broadcast %mul3A_377 : i32 to vector<16xi32>
          %add3A_415 = arith.addi %add3A_414, %and3A_262 : vector<16xi32>
          %gather3A_416 = tpu.vector_load_idx %arg6[%add3A_415, %add3A_310] : memref<64x128xf32, #tpu.memory_space<vmem>>[vector<16xi32>, vector<16xi32>], vector<16xf32>,
          tpu.vector_store_idx %arg8[%add3A_310, %add3A_415], %gather3A_416 : memref<128x128xf32, #tpu.memory_space<vmem>>[vector<16xi32>, vector<16xi32>], vector<16xf32>,
          %add3A_417 = vector.broadcast %mul3A_377 : i32 to vector<16xi32>
          %add3A_418 = arith.addi %add3A_417, %and3A_268 : vector<16xi32>
          %gather3A_419 = tpu.vector_load_idx %arg6[%add3A_418, %add3A_310] : memref<64x128xf32, #tpu.memory_space<vmem>>[vector<16xi32>, vector<16xi32>], vector<16xf32>,
          tpu.vector_store_idx %arg8[%add3A_310, %add3A_418], %gather3A_419 : memref<128x128xf32, #tpu.memory_space<vmem>>[vector<16xi32>, vector<16xi32>], vector<16xf32>,
          %add3A_420 = vector.broadcast %mul3A_377 : i32 to vector<16xi32>
          %add3A_421 = arith.addi %add3A_420, %and3A_274 : vector<16xi32>
          %gather3A_422 = tpu.vector_load_idx %arg6[%add3A_421, %add3A_310] : memref<64x128xf32, #tpu.memory_space<vmem>>[vector<16xi32>, vector<16xi32>], vector<16xf32>,
          tpu.vector_store_idx %arg8[%add3A_310, %add3A_421], %gather3A_422 : memref<128x128xf32, #tpu.memory_space<vmem>>[vector<16xi32>, vector<16xi32>], vector<16xf32>,
          %add3A_423 = vector.broadcast %mul3A_377 : i32 to vector<16xi32>
          %add3A_424 = arith.addi %add3A_423, %and3A_280 : vector<16xi32>
          %gather3A_425 = tpu.vector_load_idx %arg6[%add3A_424, %add3A_310] : memref<64x128xf32, #tpu.memory_space<vmem>>[vector<16xi32>, vector<16xi32>], vector<16xf32>,
          tpu.vector_store_idx %arg8[%add3A_310, %add3A_424], %gather3A_425 : memref<128x128xf32, #tpu.memory_space<vmem>>[vector<16xi32>, vector<16xi32>], vector<16xf32>,
        }
        %scan3A_315 = arith.constant 4 : i32
      }
      %scan3A_285 = arith.constant 8 : i32
      %add3A_286 = arith.addi %add3A_4, %add3A_172 : i32
      %mul3A_287 = arith.constant 128 : i32
      %mul3A_288 = arith.muli %add3A_286, %mul3A_287 : i32
      %min3A_289 = arith.constant 999808 : i32
      %min3A_290 = arith.minsi %mul3A_288, %min3A_289 : i32
      %dma_start3A_291 = arith.constant 0 : i32
      %dma_start3A_292 = tpu.memref_slice %arg4[%min3A_290, %dma_start3A_291] : memref<1000000x128xf32, #tpu.memory_space<hbm>> -> memref<128x128xf32, #tpu.memory_space<hbm>>
      %dma_start3A_293 = arith.constant 0 : i32
      %dma_start3A_294 = tpu.memref_slice %arg4[%min3A_290, %dma_start3A_293] : memref<1000000x128xf32, #tpu.memory_space<hbm>> -> memref<128x128xf32, #tpu.memory_space<hbm>>
      tpu.enqueue_dma source(%arg8 : memref<128x128xf32, #tpu.memory_space<vmem>>) target(%dma_start3A_294 : memref<128x128xf32, #tpu.memory_space<hbm>>) target_semaphore(%arg12 : memref<!tpu.dma_semaphore, #tpu.memory_space<semaphore_mem>>)
      %add3A_295 = arith.constant 2 : i32
      %add3A_296 = arith.addi %add3A_172, %add3A_295 : i32
      %lt3A_297 = arith.constant 246 : i32
      %lt3A_298 = arith.cmpi slt, %add3A_296, %lt3A_297 : i32
      %convert_element_type3A_299 = arith.extui %lt3A_298 : i1 to i32
      %cond3A_300 = arith.constant 0 : i32
      %cond3A_301 = arith.cmpi ne, %convert_element_type3A_299, %cond3A_300 : i32
      scf.if %cond3A_301 {
        %add3A_302 = arith.constant 2 : i32
        %add3A_303 = arith.addi %add3A_172, %add3A_302 : i32
        %add3A_304 = arith.addi %add3A_4, %add3A_303 : i32
        %mul3A_305 = arith.constant 128 : i32
        %mul3A_306 = arith.muli %add3A_304, %mul3A_305 : i32
        %min3A_307 = arith.constant 999808 : i32
        %min3A_308 = arith.minsi %mul3A_306, %min3A_307 : i32
        %dma_start3A_309 = arith.constant 0 : i32
        %dma_start3A_310 = tpu.memref_slice %arg2[%dma_start3A_309, %min3A_308] : memref<64x1000000xf32, #tpu.memory_space<hbm>> -> memref<64x128xf32, #tpu.memory_space<hbm>>
        %dma_start3A_311 = arith.constant 0 : i32
        %dma_start3A_312 = tpu.memref_slice %arg2[%dma_start3A_311, %min3A_308] : memref<64x1000000xf32, #tpu.memory_space<hbm>> -> memref<64x128xf32, #tpu.memory_space<hbm>>
        tpu.enqueue_dma source(%dma_start3A_312 : memref<64x128xf32, #tpu.memory_space<hbm>>) target(%arg6 : memref<64x128xf32, #tpu.memory_space<vmem>>) target_semaphore(%arg10 : memref<!tpu.dma_semaphore, #tpu.memory_space<semaphore_mem>>)
      } else {
      }
    }
    %scan3A_27 = arith.constant 123 : i32
    %dma_wait3A = arith.constant 0 : i32
    %dma_wait3A_28 = arith.constant 0 : i32
    %dma_wait3A_29 = tpu.memref_slice %arg4[%dma_wait3A, %dma_wait3A_28] : memref<1000000x128xf32, #tpu.memory_space<hbm>> -> memref<128x128xf32, #tpu.memory_space<hbm>>
    %dma_wait3A_30 = arith.constant 0 : i32
    %dma_wait3A_31 = arith.constant 0 : i32
    %dma_wait3A_32 = tpu.memref_slice %arg4[%dma_wait3A_30, %dma_wait3A_31] : memref<1000000x128xf32, #tpu.memory_space<hbm>> -> memref<128x128xf32, #tpu.memory_space<hbm>>
    tpu.wait_dma2 semaphore(%arg11 : memref<!tpu.dma_semaphore, #tpu.memory_space<semaphore_mem>>) src(%arg7 : memref<128x128xf32, #tpu.memory_space<vmem>>) dst(%dma_wait3A_32 : memref<128x128xf32, #tpu.memory_space<hbm>>)
    %dma_wait3A_33 = arith.constant 0 : i32
    %dma_wait3A_34 = arith.constant 0 : i32
    %dma_wait3A_35 = tpu.memref_slice %arg4[%dma_wait3A_33, %dma_wait3A_34] : memref<1000000x128xf32, #tpu.memory_space<hbm>> -> memref<128x128xf32, #tpu.memory_space<hbm>>
    %dma_wait3A_36 = arith.constant 0 : i32
    %dma_wait3A_37 = arith.constant 0 : i32
    %dma_wait3A_38 = tpu.memref_slice %arg4[%dma_wait3A_36, %dma_wait3A_37] : memref<1000000x128xf32, #tpu.memory_space<hbm>> -> memref<128x128xf32, #tpu.memory_space<hbm>>
    tpu.wait_dma2 semaphore(%arg12 : memref<!tpu.dma_semaphore, #tpu.memory_space<semaphore_mem>>) src(%arg8 : memref<128x128xf32, #tpu.memory_space<vmem>>) dst(%dma_wait3A_38 : memref<128x128xf32, #tpu.memory_space<hbm>>)
    %eq3A = arith.constant 31 : i32
    %eq3A_39 = arith.cmpi eq, %add3A, %eq3A : i32
    %convert_element_type3A = arith.extui %eq3A_39 : i1 to i32
    %cond3A = arith.constant 0 : i32
    %cond3A_40 = arith.cmpi ne, %convert_element_type3A, %cond3A : i32
    scf.if %cond3A_40 {
      "tpu.region"() ({
        %run_scoped3A = tpu.sem_alloc : memref<!tpu.dma_semaphore, #tpu.memory_space<semaphore_mem>>
        %dma_start3A_41 = arith.constant 0 : i32
        %dma_start3A_42 = arith.constant 0 : i32
        %dma_start3A_43 = tpu.memref_slice %arg7[%dma_start3A_41, %dma_start3A_42] : memref<128x128xf32, #tpu.memory_space<vmem>> -> memref<64x128xf32, #tpu.memory_space<vmem>>
        %dma_start3A_44 = arith.constant 0 : i32
        %dma_start3A_45 = arith.constant 0 : i32
        %dma_start3A_46 = tpu.memref_slice %arg3[%dma_start3A_44, %dma_start3A_45] : memref<128x128xf32, #tpu.memory_space<hbm>> -> memref<64x128xf32, #tpu.memory_space<hbm>>
        %dma_start3A_47 = arith.constant 0 : i32
        %dma_start3A_48 = arith.constant 0 : i32
        %dma_start3A_49 = tpu.memref_slice %arg7[%dma_start3A_47, %dma_start3A_48] : memref<128x128xf32, #tpu.memory_space<vmem>> -> memref<64x128xf32, #tpu.memory_space<vmem>>
        %dma_start3A_50 = arith.constant 0 : i32
        %dma_start3A_51 = arith.constant 0 : i32
        %dma_start3A_52 = tpu.memref_slice %arg3[%dma_start3A_50, %dma_start3A_51] : memref<128x128xf32, #tpu.memory_space<hbm>> -> memref<64x128xf32, #tpu.memory_space<hbm>>
        tpu.enqueue_dma source(%dma_start3A_52 : memref<64x128xf32, #tpu.memory_space<hbm>>) target(%dma_start3A_49 : memref<64x128xf32, #tpu.memory_space<vmem>>) target_semaphore(%run_scoped3A : memref<!tpu.dma_semaphore, #tpu.memory_space<semaphore_mem>>)
        %dma_wait3A_53 = arith.constant 0 : i32
        %dma_wait3A_54 = arith.constant 0 : i32
        %dma_wait3A_55 = tpu.memref_slice %arg7[%dma_wait3A_53, %dma_wait3A_54] : memref<128x128xf32, #tpu.memory_space<vmem>> -> memref<64x128xf32, #tpu.memory_space<vmem>>
        %dma_wait3A_56 = arith.constant 0 : i32
        %dma_wait3A_57 = arith.constant 0 : i32
        %dma_wait3A_58 = tpu.memref_slice %arg3[%dma_wait3A_56, %dma_wait3A_57] : memref<128x128xf32, #tpu.memory_space<hbm>> -> memref<64x128xf32, #tpu.memory_space<hbm>>
        %dma_wait3A_59 = arith.constant 0 : i32
        %dma_wait3A_60 = arith.constant 0 : i32
        %dma_wait3A_61 = tpu.memref_slice %arg7[%dma_wait3A_59, %dma_wait3A_60] : memref<128x128xf32, #tpu.memory_space<vmem>> -> memref<64x128xf32, #tpu.memory_space<vmem>>
        %dma_wait3A_62 = arith.constant 0 : i32
        %dma_wait3A_63 = arith.constant 0 : i32
        %dma_wait3A_64 = tpu.memref_slice %arg3[%dma_wait3A_62, %dma_wait3A_63] : memref<128x128xf32, #tpu.memory_space<hbm>> -> memref<64x128xf32, #tpu.memory_space<hbm>>
        tpu.wait_dma2 semaphore(%run_scoped3A : memref<!tpu.dma_semaphore, #tpu.memory_space<semaphore_mem>>) src(%dma_wait3A_64 : memref<64x128xf32, #tpu.memory_space<hbm>>) dst(%dma_wait3A_61 : memref<64x128xf32, #tpu.memory_space<vmem>>)
        tpu.yield
      }) : () -> ()
      "tpu.region"() ({
        %run_scoped3A = tpu.sem_alloc : memref<!tpu.dma_semaphore, #tpu.memory_space<semaphore_mem>>
        %dma_start3A_41 = arith.constant 0 : i32
        %dma_start3A_42 = arith.constant 0 : i32
        %dma_start3A_43 = tpu.memref_slice %arg7[%dma_start3A_41, %dma_start3A_42] : memref<128x128xf32, #tpu.memory_space<vmem>> -> memref<64x128xf32, #tpu.memory_space<vmem>>
        %dma_start3A_44 = arith.constant 999936 : i32
        %dma_start3A_45 = arith.constant 0 : i32
        %dma_start3A_46 = tpu.memref_slice %arg4[%dma_start3A_44, %dma_start3A_45] : memref<1000000x128xf32, #tpu.memory_space<hbm>> -> memref<64x128xf32, #tpu.memory_space<hbm>>
        %dma_start3A_47 = arith.constant 999936 : i32
        %dma_start3A_48 = arith.constant 0 : i32
        %dma_start3A_49 = tpu.memref_slice %arg4[%dma_start3A_47, %dma_start3A_48] : memref<1000000x128xf32, #tpu.memory_space<hbm>> -> memref<64x128xf32, #tpu.memory_space<hbm>>
        %dma_start3A_50 = arith.constant 0 : i32
        %dma_start3A_51 = arith.constant 0 : i32
        %dma_start3A_52 = tpu.memref_slice %arg7[%dma_start3A_50, %dma_start3A_51] : memref<128x128xf32, #tpu.memory_space<vmem>> -> memref<64x128xf32, #tpu.memory_space<vmem>>
        tpu.enqueue_dma source(%dma_start3A_52 : memref<64x128xf32, #tpu.memory_space<vmem>>) target(%dma_start3A_49 : memref<64x128xf32, #tpu.memory_space<hbm>>) target_semaphore(%run_scoped3A : memref<!tpu.dma_semaphore, #tpu.memory_space<semaphore_mem>>)
        %dma_wait3A_53 = arith.constant 0 : i32
        %dma_wait3A_54 = arith.constant 0 : i32
        %dma_wait3A_55 = tpu.memref_slice %arg7[%dma_wait3A_53, %dma_wait3A_54] : memref<128x128xf32, #tpu.memory_space<vmem>> -> memref<64x128xf32, #tpu.memory_space<vmem>>
        %dma_wait3A_56 = arith.constant 999936 : i32
        %dma_wait3A_57 = arith.constant 0 : i32
        %dma_wait3A_58 = tpu.memref_slice %arg4[%dma_wait3A_56, %dma_wait3A_57] : memref<1000000x128xf32, #tpu.memory_space<hbm>> -> memref<64x128xf32, #tpu.memory_space<hbm>>
        %dma_wait3A_59 = arith.constant 999936 : i32
        %dma_wait3A_60 = arith.constant 0 : i32
        %dma_wait3A_61 = tpu.memref_slice %arg4[%dma_wait3A_59, %dma_wait3A_60] : memref<1000000x128xf32, #tpu.memory_space<hbm>> -> memref<64x128xf32, #tpu.memory_space<hbm>>
        %dma_wait3A_62 = arith.constant 0 : i32
        %dma_wait3A_63 = arith.constant 0 : i32
        %dma_wait3A_64 = tpu.memref_slice %arg7[%dma_wait3A_62, %dma_wait3A_63] : memref<128x128xf32, #tpu.memory_space<vmem>> -> memref<64x128xf32, #tpu.memory_space<vmem>>
        tpu.wait_dma2 semaphore(%run_scoped3A : memref<!tpu.dma_semaphore, #tpu.memory_space<semaphore_mem>>) src(%dma_wait3A_64 : memref<64x128xf32, #tpu.memory_space<vmem>>) dst(%dma_wait3A_61 : memref<64x128xf32, #tpu.memory_space<hbm>>)
        tpu.yield
      }) : () -> ()
    } else {
    }
    return
  }
}

</mosaic_0001>

<sc_bundles>
// kernel: kernel.4.cloned.1.call-start
scs
__scs_entry_jumppad:
0x0: {  	(pc) =	sbr.rel $0x88, $3  }
0x1: {  	(tag) =	ssettag $0x0;
	lr =	simm.s32 $0x1  }
0x2: {  	[smem:$0x3F9F] =	sst lr;
	_ =	strace $0xD0000000  }
0x3: {  	_ = 	snop  }
0x4: {  	_ = 	snop  }
0x5: {  	_ = 	snop  }
0x6: {  	_ = 	snop  }
0x7: {  	_ = 	snop  }
__scs_overlays_trampoline_lowered:
0x8: {  	[smem:$0x3FAE] =	sst s0  }
0x9: {  	[smem:$0x3FAF] =	sst s1  }
0xa: {  	[smem:$0x3FB0] =	sst s2  }
0xb: {  	[smem:$0x3FB1] =	sst s3  }
0xc: {  	[smem:$0x3FB2] =	sst s4  }
0xd: {  	[smem:$0x3FB3] =	sst s5  }
0xe: {  	[smem:$0x3FB4] =	sst s6  }
0xf: {  	[smem:$0x3FB5] =	sst s7  }
0x10: {  	[smem:$0x3FB6] =	sst s8  }
0x11: {  	[smem:$0x3FB7] =	sst s9;
	s0 =	simm.s32 @!p0 $0x0  }
0x12: {  	s1 =	sld [smem:$0x3F9D];
	s0 =	simm.s32 @p0 $0x1  }
0x13: {  	[smem:$0x3FB8] =	sst s0;
	s0 =	simm.s32 @!p1 $0x0  }
0x14: {  	s2 =	sld [smem:$0x3F9C];
	s0 =	simm.s32 @p1 $0x1  }
0x15: {  	[smem:$0x3FB9] =	sst s0;
	s0 =	simm.s32 @!p2 $0x0  }
0x16: {  	s3 =	sld [smem:$0x3FDB];
	s0 =	simm.s32 @p2 $0x1  }
0x17: {  	s4 =	simm.s32 $0x1BF5;
	[smem:$0x3FBB] =	sst s0  }
0x18: {  	s0 =	sld [smem:$0x3F9E];
	_ =	swait.ge [sflag:s4], $0x0  }
0x19: {  	s7 =	sld [smem:$0x3F9F]  }
0x1a: {  	s8 =	sadd.s32 $0xFFFFE003, lr  }
0x1b: {  	s9 =	sadd.s32 $0xFFFFFEF7, lr;
	s5 =	simm.s32 $0xFFFFFFFF;
	p2 =	slt.u32 s8, $0xFFFFF086  }
0x1c: {  	p1 =	slt.u32 s9, $0xF7A;
	s5 =	simm.s32 @!p2 $0x0  }
0x1d: {  	s5 =	simm.s32 @p1 $0x1;
	p0 =	seq.s32 s7, s2  }
0x1e: {  	s7 =	smul.u32 @!p0 $0xF7A, s2;
	p2 =	seq.s32 @!p0 s5, $0x0  }
0x1f: {  	s9 =	smul.u32 $0xF7A, s1;
	s8 =	simm.s32 @!p0 $0x1BF5;
	p2 =	por !p2, p0  }
0x20: {  	[sflag:s8] =	ssyncset.s32 @!p0 $0xFFFFF086;
	s6 =	sadd.s32 @!p0 s3, s7;
	s7 =	simm.s32 @!p0 $0x108  }
0x21: {  	s3 =	sadd.s32 s3, s9;
	s6 =	sadd.s32 @!p0 $0x88, s6;
	s7 =	simm.s32 @p2 $0x1082  }
0x22: {  	[simem:s7], [sflag:s8] =	dma.local @!p0 [hbm:s6], $0xF7A  }
0x23: {  	s9 =	sor.u32 $0xD0000000, s2;
	s6 =	simm.s32 $0x108;
	_ =	swait.ge @!p0 [sflag:s8], $0x0  }
0x24: {  	s3 =	sadd.s32 $0x88, s3;
	s6 =	simm.s32 @!p1 $0x1082;
	[sflag:s4] =	ssyncset.s32 $0xFFFFF086  }
0x25: {  	[simem:s6], [sflag:s4] =	dma.local [hbm:s3], $0xF7A  }
0x26: {  	[smem:$0x3F9F] =	sst s1;
	(tag) =	ssettag s2;
	_ =	strace s9  }
0x27: {  	s1 =	sld [smem:$0x3FAF]  }
0x28: {  	s2 =	sld [smem:$0x3FB0]  }
0x29: {  	s4 =	sld [smem:$0x3FB2]  }
0x2a: {  	p0 =	seq.s32 s5, $0x0;
	s5 =	sld [smem:$0x3FB3]  }
0x2b: {  	s6 =	sld [smem:$0x3FB4]  }
0x2c: {  	s7 =	sld [smem:$0x3FB5]  }
0x2d: {  	s3 =	simm.s32 $0x108;
	s8 =	sld [smem:$0x3FB6]  }
0x2e: {  	s3 =	simm.s32 @!p0 $0x1082;
	s9 =	sld [smem:$0x3FB7]  }
0x2f: {  	lr =	sadd.s32 s0, s3;
	s0 =	sld [smem:$0x3FAE]  }
0x30: {  	s3 =	sld [smem:$0x3FB1]  }
0x31: {  	[smem:$0x3FBA] =	sst s10  }
0x32: {  	s10 =	sld [smem:$0x3FB8];
	_ =	sdelay $0x3  }
0x33: {  	p0 =	seq.s32 s10, $0x1;
	s10 =	sld [smem:$0x3FBA];
	_ =	sdelay $0x3  }
0x34: {  	[smem:$0x3FBA] =	sst s10  }
0x35: {  	s10 =	sld [smem:$0x3FB9];
	_ =	sdelay $0x3  }
0x36: {  	p1 =	seq.s32 s10, $0x1;
	s10 =	sld [smem:$0x3FBA];
	_ =	sdelay $0x3  }
0x37: {  	[smem:$0x3FBA] =	sst s10  }
0x38: {  	s10 =	sld [smem:$0x3FBB]  }
0x39: {  	_ = 	snop;
	(pc) =	sbr.ind lr, $3  }
0x3a: {  	_ = 	snop  }
0x3b: {  	_ = 	snop  }
0x3c: {  	p2 =	seq.s32 s10, $0x1;
	s10 =	sld [smem:$0x3FBA]  }
0x3d: {  	_ =	shalt  }
0x3e: {  	_ =	shalt  }
0x3f: {  	_ =	shalt  }
0x40: {  	_ =	shalt  }
0x41: {  	_ =	shalt  }
0x42: {  	_ =	shalt  }
0x43: {  	_ =	shalt  }
0x44: {  	_ =	shalt  }
0x45: {  	_ =	shalt  }
0x46: {  	_ =	shalt  }
0x47: {  	_ =	shalt  }
0x48: {  	_ =	shalt  }
0x49: {  	_ =	shalt  }
0x4a: {  	_ =	shalt  }
0x4b: {  	_ =	shalt  }
0x4c: {  	_ =	shalt  }
0x4d: {  	_ =	shalt  }
0x4e: {  	_ =	shalt  }
0x4f: {  	_ =	shalt  }
0x50: {  	_ =	shalt  }
0x51: {  	_ =	shalt  }
0x52: {  	_ =	shalt  }
0x53: {  	_ =	shalt  }
0x54: {  	_ =	shalt  }
0x55: {  	_ =	shalt  }
0x56: {  	_ =	shalt  }
0x57: {  	_ =	shalt  }
0x58: {  	_ =	shalt  }
0x59: {  	_ =	shalt  }
0x5a: {  	_ =	shalt  }
0x5b: {  	_ =	shalt  }
0x5c: {  	_ =	shalt  }
0x5d: {  	_ =	shalt  }
0x5e: {  	_ =	shalt  }
0x5f: {  	_ =	shalt  }
0x60: {  	_ =	shalt  }
0x61: {  	_ =	shalt  }
0x62: {  	_ =	shalt  }
0x63: {  	_ =	shalt  }
0x64: {  	_ =	shalt  }
0x65: {  	_ =	shalt  }
0x66: {  	_ =	shalt  }
0x67: {  	_ =	shalt  }
0x68: {  	_ =	shalt  }
0x69: {  	_ =	shalt  }
0x6a: {  	_ =	shalt  }
0x6b: {  	_ =	shalt  }
0x6c: {  	_ =	shalt  }
0x6d: {  	_ =	shalt  }
0x6e: {  	_ =	shalt  }
0x6f: {  	_ =	shalt  }
0x70: {  	_ =	shalt  }
0x71: {  	_ =	shalt  }
0x72: {  	_ =	shalt  }
0x73: {  	_ =	shalt  }
0x74: {  	_ =	shalt  }
0x75: {  	_ =	shalt  }
0x76: {  	_ =	shalt  }
0x77: {  	_ =	shalt  }
0x78: {  	_ =	shalt  }
0x79: {  	_ =	shalt  }
0x7a: {  	_ =	shalt  }
0x7b: {  	_ =	shalt  }
0x7c: {  	_ =	shalt  }
0x7d: {  	_ =	shalt  }
0x7e: {  	_ =	shalt  }
0x7f: {  	_ =	shalt  }
0x80: {  	_ =	shalt  }
0x81: {  	_ =	shalt  }
0x82: {  	_ =	shalt  }
0x83: {  	_ =	shalt  }
0x84: {  	_ =	shalt  }
0x85: {  	_ =	shalt  }
0x86: {  	_ =	shalt  }
0x87: {  	_ =	shalt  }
.Lfunc_end0:
.L_simem_size_0:
called_computation_lowered:
.L_overlay_start_0:
0x88: {  	s2 =	sld [smem:$0x3FD9]  }
0x89: {  	s3 =	sld [smem:$0x3FFE];
	_ =	sdelay $0x1  }
0x8a: {  	s1 =	srdreg.scid  }
0x8b: {  	s0 =	sand.u32 $0x1, s1  }
0x8c: {  	s17 =	sshll.u32 s0, $0xA;
	s2 =	sadd.s32 s3, s2  }
0x8d: {  	s2 =	sadd.s32 s2, s17  }
0x8e: {  	[smem:$0x3FC6] =	sst s2  }
0x8f: {  	_ = 	snop  }
0x90: {  	s2 =	sld [smem:$0x3FC8]  }
0x91: {  	s18 =	sld [smem:$0x3FD0];
	(tm) =	ssettm $0x1  }
0x92: {  	s4 =	sld [smem:$0x3FFB];
	_ =	sdelay $0x3  }
0x93: {  	_ =	strace s4  }
0x94: {  	s4 =	sld [smem:$0x3FFC];
	_ =	sdelay $0x3  }
0x95: {  	_ =	strace s4  }
0x96: {  	s4 =	sld [smem:$0x3FFD];
	_ =	sdelay $0x3  }
0x97: {  	_ =	strace s4  }
0x98: {  	_ =	strace $0x8FFFFFFF  }
0x99: {  	s19 =	sld [smem:$0x3FDB];
	_ =	sdelay $0x1  }
0x9a: {  	s5 =	simm.s32 $_scs_section_size  }
0x9b: {  	s6 =	simm.s32 $_size__tile_overlayer_lowered;
	s7 =	simm.s32 $_tile_overlayer_lowered  }
0x9c: {  	s22 =	simm.s32 $0x1BFF;
	s21 =	sshll.u32 s7, $0x1;
	s4 =	sadd.s32 s5, s19  }
0x9d: {  	s8 =	simm.s32 $0x0;
	s20 =	sshll.u32 s6, $0x1;
	s6 =	sadd.s32 s21, s4  }
0x9e: {  	[timem:s8], [sflag:s22] =	dma.local [hbm:s6], s20  }
0x9f: {  	_ =	swait.ge [sflag:s22], s20  }
0xa0: {  	s5 =	ssub.s32 $0x0, s20;
	[sflag:s22] =	ssyncset.done $0x0  }
0xa1: {  	[sflag:s22] =	ssyncadd.s32 s5;
	_ =	sdelay $0x1  }
0xa2: {  	s23 =	simm.s32 $0x1B8B  }
0xa3: {  	_ =	swait.ge [sflag:s23], $0x1  }
0xa4: {  	[sflag:s23] =	ssyncset.done $0x0  }
0xa5: {  	s25 =	simm.s32 $0x1B8E;
	s24 =	sld [smem:$0x3FFE];
	[sflag:s23] =	ssyncadd.s32 $0xFFFFFFFF  }
0xa6: {  	s26 =	simm.s32 $execute0_lowered;
	[smem:$0x3FD2] =	sst s25  }
0xa7: {  	s6 =	sshll.u32 s26, $0x1;
	_ =	strace $0x80000046;
	[dreg:$0x1] =	wrdreg $0xFFFFFFFF  }
0xa8: {  	s28 =	simm.s32 $_size_execute0_lowered;
	s4 =	sadd.s32 s4, s6;
	[dreg:$0x0] =	wrdreg $0x0  }
0xa9: {  	s6 =	sshll.u32 s28, $0x1;
	[dreg:$0x2] =	wrdreg s4  }
0xaa: {  	[dreg:$0x3] =	wrdreg s6  }
0xab: {  	[dreg:$0x4] =	wrdreg $0xC0  }
0xac: {  	_ =	task [dreg:s8], $0x5FFFF  }
0xad: {  	[dreg:$0x1] =	wrdreg $0xFFFFFFFF  }
0xae: {  	[dreg:$0x0] =	wrdreg $0x60  }
0xaf: {  	[dreg:$0x2] =	wrdreg s2  }
0xb0: {  	[dreg:$0x3] =	wrdreg s18  }
0xb1: {  	[dreg:$0x4] =	wrdreg s24  }
0xb2: {  	[dreg:$0x5] =	wrdreg $0x9  }
0xb3: {  	_ =	task.clear_ibuf [dreg:s8], $0x6FFFF;
	_ =	strace $0x90000046  }
0xb4: {  	s29 =	simm.s32 $0x9;
	_ =	strace $0x80000048  }
0xb5: {  	_ =	swait.ge [sflag:s29], $0x1  }
0xb6: {  	[sflag:s29] =	ssyncadd.s32 $0xFFFFFFFF  }
0xb7: {  	_ =	strace $0x90000048  }
0xb8: {  	_ =	sfence  }
0xb9: {  	s30 =	sld [smem:$0x0];
	_ =	sdelay $0x2  }
0xba: {  	s31 =	sshll.u32 s1, $0xD;
	s1 =	sshrl.u32 s1, $0x2  }
0xbb: {  	s3 =	sand.u32 $0x4000, s31;
	s1 =	sadd.s32 s1, s30  }
0xbc: {  	s0 =	sor.u32 s3, s0;
	s1 =	sshll.u32 s1, $0x11  }
0xbd: {  	s0 =	sor.u32 s1, s0  }
0xbe: {  	s0 =	sadd.s32 $0x8F2B, s0  }
0xbf: {  	[sflag:s0] =	ssyncadd.remote.s32 $0x1  }
0xc0: {  	_ =	sfence.sel $0xFFFF  }
0xc1: {  	[dreg:$0x0] =	wrdreg $0xFFFFFFFF;
	(pc) =	sbr.abs _section_cstart, $3  }
0xc2: {  	[dreg:$0x1] =	wrdreg $0xFFFFFFFF  }
0xc3: {  	_ =	task.clear_ibuf [dreg:s8], $0x2FFFF;
	_ =	strace $0x9FFFFFFF  }
0xc4: {  	(tm) =	ssettm $0x7FFFFFFF  }
0xc5: {  	_ =	shalt  }
tec
execute0_lowered:
.L_overlay_start_1:
0x0: {  	(tag) =	ssettag $0x1  }
0x1: {  	v0 =	vimm.s32 $0xFEDCBA9;
	v1 =	vimm.s32 $0x87654321  }
0x2: {  	v2 =	vimm.s32 $0x10FEDCBA;
	v3 =	vimm.s32 $0x98765432;
	v4 =	vimm.s32 $0x210FEDCB  }
0x3: {  	v5 =	vimm.s32 $0xA9876543;
	v8 =	vimm.s32 $0x3210FEDC;
	v9 =	vimm.s32 $0xBA987654  }
0x4: {  	v15 =	vimm.s32 $0x543210FE;
	v18 =	vimm.s32 $0x6543210F;
	v19 =	vimm.s32 $0xEDCBA987  }
0x5: {  	v20 =	vimm.s32 $0xFEDCBA98;
	vm14 =	vcmask $0x300;
	vm13 =	vcmask $0x704  }
0x6: {  	vm12 =	vcmask $0xB08;
	vm11 =	vcmask $0xF0C;
	vm10 =	vcmask $0x1310  }
0x7: {  	vm9 =	vcmask $0x1714;
	vm8 =	vcmask $0x1B18;
	vm5 =	vcmask $0x1F1C  }
0x8: {  	vm0 =	vcmask $0x2320;
	vm1 =	vcmask $0x2724;
	vm2 =	vcmask $0x2B28  }
0x9: {  	vm3 =	vcmask $0x2F2C;
	vm4 =	vcmask $0x3330;
	vm6 =	vcmask $0x3734  }
0xa: {  	vm7 =	vcmask $0x3B38;
	v25 =	vimm.s32 $0x280;
	v26 =	vimm.s32 $0x200  }
0xb: {  	v27 =	vimm.s32 $0x180;
	v28 =	vimm.s32 $0x100;
	v29 =	vimm.s32 $0x80  }
0xc: {  	v30 =	vimm.s32 $0x0;
	v0 =	vunpack.c.l.s4.s8 v0;
	v1 =	vunpack.c.l.s4.s8 v1  }
0xd: {  	v2 =	vunpack.c.l.s4.s8 v2;
	v3 =	vunpack.c.l.s4.s8 v3;
	v4 =	vunpack.c.l.s4.s8 v4  }
0xe: {  	v5 =	vunpack.c.l.s4.s8 v5;
	v8 =	vunpack.c.l.s4.s8 v8;
	v15 =	vunpack.c.l.s4.s8 v15  }
0xf: {  	v18 =	vunpack.c.l.s4.s8 v18;
	v19 =	vunpack.c.l.s4.s8 v19;
	v20 =	vunpack.c.l.s4.s8 v20  }
0x10: {  	v25 =	vsel vm14, $0x300, v25;
	v26 =	vsel vm14, $0x280, v26;
	v27 =	vsel vm14, $0x200, v27  }
0x11: {  	v28 =	vsel vm14, $0x180, v28;
	v29 =	vsel vm14, $0x100, v29;
	v30 =	vsel vm14, $0x80, v30  }
0x12: {  	v25 =	vsel vm13, $0x380, v25;
	v26 =	vsel vm13, $0x300, v26;
	v27 =	vsel vm13, $0x280, v27  }
0x13: {  	v28 =	vsel vm13, $0x200, v28;
	v29 =	vsel vm13, $0x180, v29;
	v30 =	vsel vm13, $0x100, v30  }
0x14: {  	v6 =	vunpack.c.0.s8.s32 v0;
	v7 =	vunpack.c.0.s8.s32 v1;
	v0 =	vlaneseq.u32  }
0x15: {  	v10 =	vunpack.c.0.s8.s32 v2;
	v11 =	vunpack.c.0.s8.s32 v3;
	v2 =	vunpack.c.l.s4.s8 v9  }
0x16: {  	v9 =	vunpack.c.0.s8.s32 v4;
	v12 =	vunpack.c.0.s8.s32 v5;
	v13 =	vunpack.c.0.s8.s32 v8  }
0x17: {  	v3 =	vimm.s32 $0xCBA98765;
	v15 =	vunpack.c.0.s8.s32 v15;
	v18 =	vunpack.c.0.s8.s32 v18  }
0x18: {  	v19 =	vunpack.c.0.s8.s32 v19;
	v20 =	vunpack.c.0.s8.s32 v20;
	v25 =	vsel vm12, $0x400, v25  }
0x19: {  	v26 =	vsel vm12, $0x380, v26;
	v27 =	vsel vm12, $0x300, v27;
	v28 =	vsel vm12, $0x280, v28  }
0x1a: {  	v29 =	vsel vm12, $0x200, v29;
	v30 =	vsel vm12, $0x180, v30;
	v3 =	vunpack.c.l.s4.s8 v3  }
0x1b: {  	v25 =	vsel vm11, $0x480, v25;
	v26 =	vsel vm11, $0x400, v26;
	v27 =	vsel vm11, $0x380, v27  }
0x1c: {  	v28 =	vsel vm11, $0x300, v28;
	v29 =	vsel vm11, $0x280, v29;
	v30 =	vsel vm11, $0x200, v30  }
0x1d: {  	v31 =	vmul.u32 $0x80, v0;
	v1 =	vcombine.low v7, v6;
	v14 =	vunpack.c.0.s8.s32 v2  }
0x1e: {  	v2 =	vimm.s32 $0x43210FED;
	v4 =	vcombine.low v11, v10;
	v5 =	vcombine.low v12, v9  }
0x1f: {  	v23 =	vcombine.low v19, v18;
	v24 =	vcombine.low v6, v7;
	v20 =	vand.u32 $0xF, v20  }
0x20: {  	v10 =	vcombine.low v10, v11;
	v11 =	vcombine.low v9, v12;
	v25 =	vsel vm10, $0x500, v25  }
0x21: {  	v26 =	vsel vm10, $0x480, v26;
	v27 =	vsel vm10, $0x400, v27;
	v28 =	vsel vm10, $0x380, v28  }
0x22: {  	v29 =	vsel vm10, $0x300, v29;
	v30 =	vsel vm10, $0x280, v30;
	v2 =	vunpack.c.l.s4.s8 v2  }
0x23: {  	v17 =	vunpack.c.0.s8.s32 v3;
	v25 =	vsel vm9, $0x580, v25;
	v26 =	vsel vm9, $0x500, v26  }
0x24: {  	v27 =	vsel vm9, $0x480, v27;
	v28 =	vsel vm9, $0x400, v28;
	v29 =	vsel vm9, $0x380, v29  }
0x25: {  	v30 =	vsel vm9, $0x300, v30;
	v1 =	vand.u32 $0xF, v1;
	v8 =	vcombine.low v14, v13  }
0x26: {  	v3 =	vand.u32 $0xF, v5;
	v7 =	vand.u32 $0xF, v23;
	v9 =	vand.u32 $0xF, v24  }
0x27: {  	v10 =	vand.u32 $0xF, v10;
	v11 =	vand.u32 $0xF, v11;
	v12 =	vcombine.low v13, v14  }
0x28: {  	v13 =	vimm.s32 $0x700;
	v23 =	vimm.s32 $0x380;
	v24 =	vimm.s32 $0x300  }
0x29: {  	v25 =	vsel vm8, $0x600, v25;
	v26 =	vsel vm8, $0x580, v26;
	v27 =	vsel vm8, $0x500, v27  }
0x2a: {  	v28 =	vsel vm8, $0x480, v28;
	v29 =	vsel vm8, $0x400, v29;
	v30 =	vsel vm8, $0x380, v30  }
0x2b: {  	v16 =	vunpack.c.0.s8.s32 v2;
	v2 =	vand.u32 $0xF, v4;
	v13 =	vsel vm14, $0x780, v13  }
0x2c: {  	v23 =	vsel vm14, $0x400, v23;
	v24 =	vsel vm14, $0x380, v24;
	v25 =	vsel vm5, $0x680, v25  }
0x2d: {  	v26 =	vsel vm5, $0x600, v26;
	v27 =	vsel vm5, $0x580, v27;
	v28 =	vsel vm5, $0x500, v28  }
0x2e: {  	v29 =	vsel vm5, $0x480, v29;
	v30 =	vsel vm5, $0x400, v30;
	v4 =	vand.u32 $0xF, v8  }
0x2f: {  	v8 =	vimm.s32 $0xDCBA9876;
	v12 =	vand.u32 $0xF, v12;
	v23 =	vsel vm13, $0x480, v23  }
0x30: {  	v24 =	vsel vm13, $0x400, v24;
	v25 =	vsel vm0, $0x700, v25;
	v26 =	vsel vm0, $0x680, v26  }
0x31: {  	v27 =	vsel vm0, $0x600, v27;
	v28 =	vsel vm0, $0x580, v28;
	v29 =	vsel vm0, $0x500, v29  }
0x32: {  	v30 =	vsel vm0, $0x480, v30;
	v5 =	vcombine.low v17, v16;
	v8 =	vunpack.c.l.s4.s8 v8  }
0x33: {  	v14 =	vcombine.low v16, v17;
	v16 =	vsel vm13, $0x0, v13;
	v23 =	vsel vm12, $0x500, v23  }
0x34: {  	v24 =	vsel vm12, $0x480, v24;
	v25 =	vsel vm1, $0x780, v25;
	v26 =	vsel vm1, $0x700, v26  }
0x35: {  	v27 =	vsel vm1, $0x680, v27;
	v28 =	vsel vm1, $0x600, v28;
	v29 =	vsel vm1, $0x580, v29  }
0x36: {  	v30 =	vsel vm1, $0x500, v30;
	v23 =	vsel vm11, $0x580, v23;
	v24 =	vsel vm11, $0x500, v24  }
0x37: {  	v25 =	vsel vm2, $0x0, v25;
	v26 =	vsel vm2, $0x780, v26;
	v27 =	vsel vm2, $0x700, v27  }
0x38: {  	v28 =	vsel vm2, $0x680, v28;
	v29 =	vsel vm2, $0x600, v29;
	v30 =	vsel vm2, $0x580, v30  }
0x39: {  	v21 =	vunpack.c.0.s8.s32 v8;
	v8 =	vimm.s32 $0x76543210;
	v5 =	vand.u32 $0xF, v5  }
0x3a: {  	v13 =	vand.u32 $0xF, v14;
	v14 =	vsel vm12, $0x80, v16;
	v16 =	vcombine.low v18, v19  }
0x3b: {  	v18 =	vimm.s32 $0x600;
	v19 =	vimm.s32 $0x580;
	v23 =	vsel vm10, $0x600, v23  }
0x3c: {  	v24 =	vsel vm10, $0x580, v24;
	v25 =	vsel vm3, $0x80, v25;
	v26 =	vsel vm3, $0x0, v26  }
0x3d: {  	v27 =	vsel vm3, $0x780, v27;
	v28 =	vsel vm3, $0x700, v28;
	v29 =	vsel vm3, $0x680, v29  }
0x3e: {  	v30 =	vsel vm3, $0x600, v30;
	v8 =	vunpack.c.l.s4.s8 v8;
	v14 =	vsel vm11, $0x100, v14  }
0x3f: {  	v18 =	vsel vm14, $0x680, v18;
	v19 =	vsel vm14, $0x600, v19;
	v23 =	vsel vm9, $0x680, v23  }
0x40: {  	v24 =	vsel vm9, $0x600, v24;
	v25 =	vsel vm4, $0x100, v25;
	v26 =	vsel vm4, $0x80, v26  }
0x41: {  	v27 =	vsel vm4, $0x0, v27;
	v28 =	vsel vm4, $0x780, v28;
	v29 =	vsel vm4, $0x700, v29  }
0x42: {  	v30 =	vsel vm4, $0x680, v30;
	v22 =	vcombine.low v21, v15;
	v15 =	vcombine.low v15, v21  }
0x43: {  	v17 =	vsel vm10, $0x180, v14;
	v18 =	vsel vm13, $0x700, v18;
	v21 =	vimm.s32 $0x480  }
0x44: {  	v19 =	vsel vm13, $0x680, v19;
	v23 =	vsel vm8, $0x700, v23;
	v24 =	vsel vm8, $0x680, v24  }
0x45: {  	v25 =	vsel vm6, $0x180, v25;
	v26 =	vsel vm6, $0x100, v26;
	v27 =	vsel vm6, $0x80, v27  }
0x46: {  	v28 =	vsel vm6, $0x0, v28;
	v29 =	vsel vm6, $0x780, v29;
	v30 =	vsel vm6, $0x700, v30  }
0x47: {  	v8 =	vunpack.c.0.s8.s32 v8;
	v17 =	vsel vm9, $0x200, v17;
	v18 =	vsel vm12, $0x780, v18  }
0x48: {  	v21 =	vsel vm14, $0x500, v21;
	v19 =	vsel vm12, $0x700, v19;
	v23 =	vsel vm5, $0x780, v23  }
0x49: {  	v24 =	vsel vm5, $0x700, v24;
	v25 =	vsel vm7, $0x200, v25;
	v26 =	vsel vm7, $0x180, v26  }
0x4a: {  	v27 =	vsel vm7, $0x100, v27;
	v28 =	vsel vm7, $0x80, v28;
	v29 =	vsel vm7, $0x0, v29  }
0x4b: {  	v30 =	vsel vm7, $0x780, v30;
	v6 =	vand.u32 $0xF, v22;
	v14 =	vand.u32 $0xF, v15  }
0x4c: {  	v15 =	vand.u32 $0xF, v16;
	v16 =	vsel vm8, $0x280, v17;
	v17 =	vimm.s32 $0x680  }
0x4d: {  	v18 =	vsel vm11, $0x0, v18;
	v21 =	vsel vm13, $0x580, v21;
	v19 =	vsel vm11, $0x780, v19  }
0x4e: {  	v22 =	vimm.s32 $0x400;
	v23 =	vsel vm0, $0x0, v23;
	v24 =	vsel vm0, $0x780, v24  }
0x4f: {  	v8 =	vcombine.low v20, v8;
	v16 =	vsel vm5, $0x300, v16;
	v17 =	vsel vm14, $0x700, v17  }
0x50: {  	v18 =	vsel vm10, $0x80, v18;
	v20 =	vimm.s32 $0x500;
	v21 =	vsel vm12, $0x600, v21  }
0x51: {  	v19 =	vsel vm10, $0x0, v19;
	v22 =	vsel vm14, $0x480, v22;
	v23 =	vsel vm1, $0x80, v23  }
0x52: {  	v24 =	vsel vm1, $0x0, v24;
	v16 =	vsel vm0, $0x380, v16;
	v17 =	vsel vm13, $0x780, v17  }
0x53: {  	v18 =	vsel vm9, $0x100, v18;
	v20 =	vsel vm14, $0x580, v20;
	v21 =	vsel vm11, $0x680, v21  }
0x54: {  	v19 =	vsel vm9, $0x80, v19;
	v22 =	vsel vm13, $0x500, v22;
	v23 =	vsel vm2, $0x100, v23  }
0x55: {  	v24 =	vsel vm2, $0x80, v24;
	v17 =	vsel vm12, $0x0, v17;
	v16 =	vsel vm1, $0x400, v16  }
0x56: {  	v18 =	vsel vm8, $0x180, v18;
	v20 =	vsel vm13, $0x600, v20;
	v21 =	vsel vm10, $0x700, v21  }
0x57: {  	v19 =	vsel vm8, $0x100, v19;
	v22 =	vsel vm12, $0x580, v22;
	v23 =	vsel vm3, $0x180, v23  }
0x58: {  	v24 =	vsel vm3, $0x100, v24;
	v17 =	vsel vm11, $0x80, v17;
	v16 =	vsel vm2, $0x480, v16  }
0x59: {  	v18 =	vsel vm5, $0x200, v18;
	v20 =	vsel vm12, $0x680, v20;
	v21 =	vsel vm9, $0x780, v21  }
0x5a: {  	v19 =	vsel vm5, $0x180, v19;
	v22 =	vsel vm11, $0x600, v22;
	v23 =	vsel vm4, $0x200, v23  }
0x5b: {  	v24 =	vsel vm4, $0x180, v24;
	v17 =	vsel vm10, $0x100, v17;
	v16 =	vsel vm3, $0x500, v16  }
0x5c: {  	v18 =	vsel vm0, $0x280, v18;
	v20 =	vsel vm11, $0x700, v20;
	v21 =	vsel vm8, $0x0, v21  }
0x5d: {  	v19 =	vsel vm0, $0x200, v19;
	v22 =	vsel vm10, $0x680, v22;
	v23 =	vsel vm6, $0x280, v23  }
0x5e: {  	v24 =	vsel vm6, $0x200, v24;
	v17 =	vsel vm9, $0x180, v17;
	v16 =	vsel vm4, $0x580, v16  }
0x5f: {  	v18 =	vsel vm1, $0x300, v18;
	v20 =	vsel vm10, $0x780, v20;
	v21 =	vsel vm5, $0x80, v21  }
0x60: {  	v19 =	vsel vm1, $0x280, v19;
	v22 =	vsel vm9, $0x700, v22;
	v23 =	vsel vm7, $0x300, v23  }
0x61: {  	v24 =	vsel vm7, $0x280, v24;
	v17 =	vsel vm8, $0x200, v17;
	v18 =	vsel vm2, $0x380, v18  }
0x62: {  	v16 =	vsel vm6, $0x600, v16;
	v20 =	vsel vm9, $0x0, v20;
	v21 =	vsel vm0, $0x100, v21  }
0x63: {  	s2 =	srdreg.scid;
	v19 =	vsel vm2, $0x300, v19;
	v22 =	vsel vm8, $0x780, v22;
	v17 =	vsel vm5, $0x280, v17  }
0x64: {  	s0 =	stileid.u32;
	s1 =	rddreg [dreg:$0x0];
	v18 =	vsel vm3, $0x400, v18;
	v16 =	vsel vm7, $0x680, v16;
	v20 =	vsel vm8, $0x80, v20  }
0x65: {  	s12 =	rddreg [dreg:$0x2];
	s4 =	simm.s32 $0x0;
	s14 =	simm.s32 $0x400;
	v21 =	vsel vm1, $0x180, v21;
	v19 =	vsel vm3, $0x380, v19;
	v22 =	vsel vm5, $0x0, v22  }
0x66: {  	s15 =	simm.s32 $0x7A1400;
	s16 =	simm.s32 $0x2000;
	s17 =	simm.s32 $0x1;
	v17 =	vsel vm0, $0x300, v17;
	v18 =	vsel vm4, $0x480, v18;
	v20 =	vsel vm5, $0x100, v20  }
0x67: {  	s18 =	simm.s32 $0x4000;
	s19 =	simm.s32 $0x2;
	s20 =	simm.s32 $0x4;
	v21 =	vsel vm2, $0x200, v21;
	v19 =	vsel vm4, $0x400, v19;
	v22 =	vsel vm0, $0x80, v22  }
0x68: {  	s21 =	simm.s32 $0x8000;
	s6 =	sand.u32 $0x1, s2;
	s2 =	rddreg [dreg:$0x1];
	v17 =	vsel vm1, $0x380, v17;
	v18 =	vsel vm6, $0x500, v18;
	v20 =	vsel vm0, $0x180, v20  }
0x69: {  	s23 =	simm.s32 $0x0;
	s3 =	sshll.u32 s0, $0x1;
	[smem:$0x7FF] =	sst s4;
	v21 =	vsel vm3, $0x280, v21;
	v19 =	vsel vm6, $0x480, v19;
	v22 =	vsel vm1, $0x100, v22  }
0x6a: {  	s22 =	sor.u32 s6, s3;
	s3 =	rddreg [dreg:$0x3];
	_ =	strace $0x80000047;
	v17 =	vsel vm2, $0x400, v17;
	v18 =	vsel vm7, $0x580, v18;
	v20 =	vsel vm1, $0x200, v20  }
0x6b: {  	s8 =	ssub.s32 $0x2, s6;
	s6 =	sadd.s32 $0x800, s12;
	s5 =	smul.u32 $0xF4, s22;
	v21 =	vsel vm4, $0x300, v21;
	v19 =	vsel vm7, $0x500, v19;
	v22 =	vsel vm2, $0x180, v22  }
.Ltmp0:
0x6c: {  	s12 =	sadd.s32 $0xF42800, s12;
	s7 =	smin.u32 s22, $0x4;
	v17 =	vsel vm3, $0x480, v17;
	v20 =	vsel vm2, $0x280, v20;
	v21 =	vsel vm6, $0x380, v21;
	(pc) =	sbr.rel .LBB2_1-.Ltmp0, $4  }
0x6d: {  	s9 =	sshrl.u32 s8, $0x1;
	p0 =	sne.s32 s22, $0x1F;
	s5 =	sadd.s32 s7, s5;
	v22 =	vsel vm3, $0x200, v22;
	v17 =	vsel vm4, $0x500, v17;
	v20 =	vsel vm3, $0x300, v20  }
0x6e: {  	s22 =	simm.s32 $0x3;
	s13 =	ssub.s32 s8, s9;
	s7 =	sshll.u32 s5, $0x7;
	v21 =	vsel vm7, $0x400, v21;
	v22 =	vsel vm4, $0x280, v22;
	v20 =	vsel vm4, $0x380, v20  }
0x6f: {  	s13 =	smax.u32 s13, $0x1;
	s9 =	sadd.s32 $0x2, s5;
	s7 =	sadd.s32 s1, s7;
	v17 =	vsel vm6, $0x580, v17;
	v22 =	vsel vm6, $0x300, v22;
	v20 =	vsel vm6, $0x400, v20  }
0x70: {  	s10 =	sadd.s32 $0x1, s5;
	s11 =	sadd.s32 $0x3, s5;
	s8 =	sadd.s32 $0x80, s7;
	v17 =	vsel vm7, $0x600, v17;
	v22 =	vsel vm7, $0x380, v22;
	v20 =	vsel vm7, $0x480, v20  }
.LBB2_16:
0x71: {  	_ =	swait.ge [sflag:s22], $0x4000  }
0x72: {  	[sflag:s22] =	ssyncset.done $0x0  }
0x73: {  	[sflag:s22] =	ssyncadd.s32 $0xFFFFC000  }
0x74: {  	_ =	swait.ge [sflag:s20], $0x4000  }
0x75: {  	s24 =	simm.s32 @!p0 $0x0;
	[sflag:s20] =	ssyncset.done $0x0  }
0x76: {  	s25 =	simm.s32 @!p0 $0x4000;
	s26 =	simm.s32 @!p0 $0x5;
	[sflag:s20] =	ssyncadd.s32 $0xFFFFC000  }
0x77: {  	[tilespmem:s25], [sflag:$0x5] =	stream.linear.gather @!p0 [hbm4b:s2+s24], $0x2000, $0x38;
	[tilespmem:$0xC000] =	vst v63  }
0x78: {  	s23 =	sadd.s32 $0x1, s23;
	_ =	swait.ge @!p0 [sflag:s26], $0x2000  }
0x79: {  	p1 =	sne.s32 s23, s13;
	[sflag:s26] =	ssyncset.done @!p0 $0x0  }
.Ltmp1:
0x7a: {  	[sflag:s26] =	ssyncadd.s32 @!p0 $0xFFFFE000;
	(pc) =	sbr.rel @!p1 .LBB2_17-.Ltmp1, $4  }
0x7b: {  	[hbm4b:s12+s24] =	stream.linear.scatter @!p0 [tilespmem:s25], [sflag:$0x5], $0x2000, $0x38;
	[tilespmem:$0xC000] =	vst v63  }
0x7c: {  	_ =	swait.ge @!p0 [sflag:s26], $0x2000  }
0x7d: {  	[sflag:s26] =	ssyncset.done @!p0 $0x0  }
0x7e: {  	[sflag:s26] =	ssyncadd.s32 @!p0 $0xFFFFE000  }
.LBB2_1:
0x7f: {  	[tilespmem:s4], [sflag:$0x1] =	stream.strided.gather [hbm4b:s7+s14], $0x2000, s15, s14, $0x38;
	[tilespmem:$0xC000] =	vst v63  }
0x80: {  	s24 =	simm.s32 $0x0  }
0x81: {  	[tilespmem:s16], [sflag:$0x2] =	stream.strided.gather [hbm4b:s8+s14], $0x2000, s15, s14, $0x38;
	[tilespmem:$0xC000] =	vst v63  }
.LBB2_2:
0x82: {  	_ =	swait.ge [sflag:s17], $0x2000  }
0x83: {  	p1 =	seq.s32 s24, $0x0;
	[sflag:s17] =	ssyncset.done $0x0  }
0x84: {  	s26 =	simm.s32 @!p1 $0x3;
	[sflag:s17] =	ssyncadd.s32 $0xFFFFE000  }
0x85: {  	_ =	swait.ge @!p1 [sflag:s26], $0x4000  }
0x86: {  	[sflag:s26] =	ssyncset.done @!p1 $0x0  }
0x87: {  	s25 =	sshll.u32 s24, $0x1;
	[sflag:s26] =	ssyncadd.s32 @!p1 $0xFFFFC000;
	s26 =	simm.s32 $0x0  }
.LBB2_3:
0x88: {  	s28 =	sshll.u32 s26, $0x4  }
0x89: {  	v32 =	vor.u32 s28, v0  }
0x8a: {  	v48 =	vshll.u32 v32, $0x7  }
0x8b: {  	v33 =	vor.u32 v0, v48  }
0x8c: {  	v34 =	vor.u32 v1, v48;
	v35 =	vor.u32 v2, v48;
	v36 =	vor.u32 v3, v48  }
0x8d: {  	v37 =	vor.u32 v4, v48;
	v38 =	vor.u32 v5, v48;
	v39 =	vor.u32 v6, v48  }
0x8e: {  	v40 =	vor.u32 v7, v48;
	v41 =	vor.u32 v8, v48;
	v42 =	vor.u32 v9, v48  }
0x8f: {  	v43 =	vor.u32 v10, v48;
	v44 =	vor.u32 v11, v48;
	v45 =	vor.u32 v12, v48  }
0x90: {  	p2 =	por $0x1, $0x1;
	s28 =	simm.s32 $0x0;
	v46 =	vor.u32 v13, v48;
	v47 =	vor.u32 v14, v48;
	v48 =	vor.u32 v15, v48  }
.LBB2_4:
0x91: {  	v49 =	vmov s28  }
0x92: {  	v49 =	vshll.u32 v49, $0x7  }
0x93: {  	v50 =	vor.u32 v31, v49  }
0x94: {  	v50 =	vadd.s32 v32, v50;
	_ =	sdelay $0x4  }
0x95: {  	v51 =	vor.u32 s28, v33;
	v52 =	vor.u32 v30, v49;
	v50 =	vld.idx.msk [tilespmem:v50+s4+$0x0], $0xffff  }
0x96: {  	v52 =	vadd.s32 v32, v52;
	_ =	sdelay $0x3  }
0x97: {  	[tilespmem:v51+s18+$0x0] =	vst.idx.msk $0xffff, v50  }
0x98: {  	v61 =	vor.u32 s28, v34;
	v62 =	vor.u32 v29, v49;
	v50 =	vld.idx.msk [tilespmem:v52+s4+$0x0], $0xffff  }
0x99: {  	v52 =	vadd.s32 v32, v62;
	_ =	sdelay $0x3  }
0x9a: {  	[tilespmem:v61+s18+$0x0] =	vst.idx.msk $0xffff, v50  }
0x9b: {  	v63 =	vor.u32 s28, v35;
	v56 =	vor.u32 v28, v49;
	v50 =	vld.idx.msk [tilespmem:v52+s4+$0x0], $0xffff  }
0x9c: {  	v52 =	vadd.s32 v32, v56;
	_ =	sdelay $0x3  }
0x9d: {  	[tilespmem:v63+s18+$0x0] =	vst.idx.msk $0xffff, v50  }
0x9e: {  	v57 =	vor.u32 s28, v36;
	v58 =	vor.u32 v27, v49;
	v50 =	vld.idx.msk [tilespmem:v52+s4+$0x0], $0xffff  }
0x9f: {  	v52 =	vadd.s32 v32, v58;
	_ =	sdelay $0x3  }
0xa0: {  	[tilespmem:v57+s18+$0x0] =	vst.idx.msk $0xffff, v50  }
0xa1: {  	v59 =	vor.u32 s28, v37;
	v60 =	vor.u32 v26, v49;
	v50 =	vld.idx.msk [tilespmem:v52+s4+$0x0], $0xffff  }
0xa2: {  	v52 =	vadd.s32 v32, v60;
	_ =	sdelay $0x3  }
0xa3: {  	[tilespmem:v59+s18+$0x0] =	vst.idx.msk $0xffff, v50  }
0xa4: {  	v62 =	vor.u32 v25, v49;
	v61 =	vor.u32 s28, v38;
	v50 =	vld.idx.msk [tilespmem:v52+s4+$0x0], $0xffff  }
0xa5: {  	v52 =	vadd.s32 v32, v62;
	_ =	sdelay $0x3  }
0xa6: {  	[tilespmem:v61+s18+$0x0] =	vst.idx.msk $0xffff, v50  }
0xa7: {  	v56 =	vor.u32 v24, v49;
	v63 =	vor.u32 s28, v39;
	v50 =	vld.idx.msk [tilespmem:v52+s4+$0x0], $0xffff  }
0xa8: {  	v52 =	vadd.s32 v32, v56;
	_ =	sdelay $0x3  }
0xa9: {  	[tilespmem:v63+s18+$0x0] =	vst.idx.msk $0xffff, v50  }
0xaa: {  	v58 =	vor.u32 v23, v49;
	v57 =	vor.u32 s28, v40;
	v50 =	vld.idx.msk [tilespmem:v52+s4+$0x0], $0xffff  }
0xab: {  	v52 =	vadd.s32 v32, v58;
	_ =	sdelay $0x3  }
0xac: {  	[tilespmem:v57+s18+$0x0] =	vst.idx.msk $0xffff, v50  }
0xad: {  	v60 =	vor.u32 v22, v49;
	v59 =	vor.u32 s28, v41;
	v50 =	vld.idx.msk [tilespmem:v52+s4+$0x0], $0xffff  }
0xae: {  	v52 =	vadd.s32 v32, v60;
	_ =	sdelay $0x3  }
0xaf: {  	[tilespmem:v59+s18+$0x0] =	vst.idx.msk $0xffff, v50  }
0xb0: {  	v62 =	vor.u32 v21, v49;
	v61 =	vor.u32 s28, v42;
	v50 =	vld.idx.msk [tilespmem:v52+s4+$0x0], $0xffff  }
0xb1: {  	v52 =	vadd.s32 v32, v62;
	_ =	sdelay $0x3  }
0xb2: {  	[tilespmem:v61+s18+$0x0] =	vst.idx.msk $0xffff, v50  }
0xb3: {  	v56 =	vor.u32 v20, v49;
	v63 =	vor.u32 s28, v43;
	v50 =	vld.idx.msk [tilespmem:v52+s4+$0x0], $0xffff  }
0xb4: {  	v52 =	vadd.s32 v32, v56;
	_ =	sdelay $0x3  }
0xb5: {  	[tilespmem:v63+s18+$0x0] =	vst.idx.msk $0xffff, v50  }
0xb6: {  	v58 =	vor.u32 v19, v49;
	v57 =	vor.u32 s28, v44;
	v50 =	vld.idx.msk [tilespmem:v52+s4+$0x0], $0xffff  }
0xb7: {  	v52 =	vadd.s32 v32, v58;
	_ =	sdelay $0x3  }
0xb8: {  	[tilespmem:v57+s18+$0x0] =	vst.idx.msk $0xffff, v50  }
0xb9: {  	v60 =	vor.u32 v18, v49;
	v59 =	vor.u32 s28, v45;
	v50 =	vld.idx.msk [tilespmem:v52+s4+$0x0], $0xffff  }
0xba: {  	v52 =	vadd.s32 v32, v60;
	_ =	sdelay $0x3  }
0xbb: {  	[tilespmem:v59+s18+$0x0] =	vst.idx.msk $0xffff, v50  }
0xbc: {  	v62 =	vor.u32 v17, v49;
	v61 =	vor.u32 s28, v46;
	v50 =	vld.idx.msk [tilespmem:v52+s4+$0x0], $0xffff  }
0xbd: {  	v52 =	vadd.s32 v32, v62;
	_ =	sdelay $0x3  }
0xbe: {  	[tilespmem:v61+s18+$0x0] =	vst.idx.msk $0xffff, v50  }
0xbf: {  	v49 =	vor.u32 v16, v49;
	v63 =	vor.u32 s28, v47;
	v50 =	vld.idx.msk [tilespmem:v52+s4+$0x0], $0xffff  }
0xc0: {  	v49 =	vadd.s32 v32, v49;
	_ =	sdelay $0x1  }
0xc1: {  	s29 =	sor.u32 $0x10, s28  }
0xc2: {  	v56 =	vmov s29  }
0xc3: {  	[tilespmem:v63+s18+$0x0] =	vst.idx.msk $0xffff, v50;
	v50 =	vshll.u32 v56, $0x7  }
0xc4: {  	v57 =	vor.u32 s28, v48;
	v49 =	vld.idx.msk [tilespmem:v49+s4+$0x0], $0xffff;
	v52 =	vor.u32 v31, v50  }
0xc5: {  	v52 =	vadd.s32 v32, v52;
	_ =	sdelay $0x3  }
0xc6: {  	[tilespmem:v57+s18+$0x0] =	vst.idx.msk $0xffff, v49  }
0xc7: {  	v58 =	vor.u32 s29, v33;
	v59 =	vor.u32 v30, v50;
	v49 =	vld.idx.msk [tilespmem:v52+s4+$0x0], $0xffff  }
0xc8: {  	v52 =	vadd.s32 v32, v59;
	_ =	sdelay $0x3  }
0xc9: {  	[tilespmem:v58+s18+$0x0] =	vst.idx.msk $0xffff, v49  }
0xca: {  	v60 =	vor.u32 s29, v34;
	v61 =	vor.u32 v29, v50;
	v49 =	vld.idx.msk [tilespmem:v52+s4+$0x0], $0xffff  }
0xcb: {  	v52 =	vadd.s32 v32, v61;
	_ =	sdelay $0x3  }
0xcc: {  	[tilespmem:v60+s18+$0x0] =	vst.idx.msk $0xffff, v49  }
0xcd: {  	v62 =	vor.u32 s29, v35;
	v63 =	vor.u32 v28, v50;
	v49 =	vld.idx.msk [tilespmem:v52+s4+$0x0], $0xffff  }
0xce: {  	v52 =	vadd.s32 v32, v63;
	_ =	sdelay $0x3  }
0xcf: {  	[tilespmem:v62+s18+$0x0] =	vst.idx.msk $0xffff, v49  }
0xd0: {  	v56 =	vor.u32 s29, v36;
	v57 =	vor.u32 v27, v50;
	v49 =	vld.idx.msk [tilespmem:v52+s4+$0x0], $0xffff  }
0xd1: {  	v52 =	vadd.s32 v32, v57;
	_ =	sdelay $0x3  }
0xd2: {  	[tilespmem:v56+s18+$0x0] =	vst.idx.msk $0xffff, v49  }
0xd3: {  	v59 =	vor.u32 v26, v50;
	v58 =	vor.u32 s29, v37;
	v49 =	vld.idx.msk [tilespmem:v52+s4+$0x0], $0xffff  }
0xd4: {  	v52 =	vadd.s32 v32, v59;
	_ =	sdelay $0x3  }
0xd5: {  	[tilespmem:v58+s18+$0x0] =	vst.idx.msk $0xffff, v49  }
0xd6: {  	v61 =	vor.u32 v25, v50;
	v60 =	vor.u32 s29, v38;
	v49 =	vld.idx.msk [tilespmem:v52+s4+$0x0], $0xffff  }
0xd7: {  	v52 =	vadd.s32 v32, v61;
	_ =	sdelay $0x3  }
0xd8: {  	[tilespmem:v60+s18+$0x0] =	vst.idx.msk $0xffff, v49  }
0xd9: {  	v63 =	vor.u32 v24, v50;
	v62 =	vor.u32 s29, v39;
	v49 =	vld.idx.msk [tilespmem:v52+s4+$0x0], $0xffff  }
0xda: {  	v52 =	vadd.s32 v32, v63;
	_ =	sdelay $0x3  }
0xdb: {  	[tilespmem:v62+s18+$0x0] =	vst.idx.msk $0xffff, v49  }
0xdc: {  	v57 =	vor.u32 v23, v50;
	v56 =	vor.u32 s29, v40;
	v49 =	vld.idx.msk [tilespmem:v52+s4+$0x0], $0xffff  }
0xdd: {  	v52 =	vadd.s32 v32, v57;
	_ =	sdelay $0x3  }
0xde: {  	[tilespmem:v56+s18+$0x0] =	vst.idx.msk $0xffff, v49  }
0xdf: {  	v59 =	vor.u32 v22, v50;
	v58 =	vor.u32 s29, v41;
	v49 =	vld.idx.msk [tilespmem:v52+s4+$0x0], $0xffff  }
0xe0: {  	v52 =	vadd.s32 v32, v59;
	_ =	sdelay $0x3  }
0xe1: {  	[tilespmem:v58+s18+$0x0] =	vst.idx.msk $0xffff, v49  }
0xe2: {  	v61 =	vor.u32 v21, v50;
	v60 =	vor.u32 s29, v42;
	v49 =	vld.idx.msk [tilespmem:v52+s4+$0x0], $0xffff  }
0xe3: {  	v52 =	vadd.s32 v32, v61;
	_ =	sdelay $0x3  }
0xe4: {  	[tilespmem:v60+s18+$0x0] =	vst.idx.msk $0xffff, v49  }
0xe5: {  	v63 =	vor.u32 v20, v50;
	v62 =	vor.u32 s29, v43;
	v49 =	vld.idx.msk [tilespmem:v52+s4+$0x0], $0xffff  }
0xe6: {  	v52 =	vadd.s32 v32, v63;
	_ =	sdelay $0x3  }
0xe7: {  	[tilespmem:v62+s18+$0x0] =	vst.idx.msk $0xffff, v49  }
0xe8: {  	v57 =	vor.u32 v19, v50;
	v56 =	vor.u32 s29, v44;
	v49 =	vld.idx.msk [tilespmem:v52+s4+$0x0], $0xffff  }
0xe9: {  	v52 =	vadd.s32 v32, v57;
	_ =	sdelay $0x3  }
0xea: {  	[tilespmem:v56+s18+$0x0] =	vst.idx.msk $0xffff, v49  }
0xeb: {  	v59 =	vor.u32 v18, v50;
	v58 =	vor.u32 s29, v45;
	v49 =	vld.idx.msk [tilespmem:v52+s4+$0x0], $0xffff  }
0xec: {  	v52 =	vadd.s32 v32, v59;
	_ =	sdelay $0x3  }
0xed: {  	[tilespmem:v58+s18+$0x0] =	vst.idx.msk $0xffff, v49  }
0xee: {  	v61 =	vor.u32 v17, v50;
	v60 =	vor.u32 s29, v46;
	v49 =	vld.idx.msk [tilespmem:v52+s4+$0x0], $0xffff  }
0xef: {  	v52 =	vadd.s32 v32, v61;
	_ =	sdelay $0x3  }
0xf0: {  	[tilespmem:v60+s18+$0x0] =	vst.idx.msk $0xffff, v49  }
0xf1: {  	v50 =	vor.u32 v16, v50;
	v62 =	vor.u32 s29, v47;
	v49 =	vld.idx.msk [tilespmem:v52+s4+$0x0], $0xffff  }
0xf2: {  	v50 =	vadd.s32 v32, v50;
	_ =	sdelay $0x3  }
0xf3: {  	[tilespmem:v62+s18+$0x0] =	vst.idx.msk $0xffff, v49  }
0xf4: {  	p3 =	por p2, p2;
	v63 =	vor.u32 s29, v48;
	v49 =	vld.idx.msk [tilespmem:v50+s4+$0x0], $0xffff  }
.Ltmp2:
0xf5: {  	_ = 	snop;
	(pc) =	sbr.rel @p3 .LBB2_4-.Ltmp2, $2  }
0xf6: {  	_ =	sdelay $0x2  }
0xf7: {  	p2 =	por $0x0, $0x0;
	s28 =	simm.s32 $0x20;
	[tilespmem:v63+s18+$0x0] =	vst.idx.msk $0xffff, v49  }
0xf8: {  	s26 =	sadd.s32 $0x1, s26  }
0xf9: {  	p2 =	sne.s32 s26, $0x8  }
.Ltmp3:
0xfa: {  	_ = 	snop;
	(pc) =	sbr.rel @p2 .LBB2_3-.Ltmp3, $1  }
0xfb: {  	_ =	sdelay $0x3  }
0xfc: {  	s26 =	sadd.s32 s5, s25;
	p2 =	sne.s32 s24, $0x7A  }
.Ltmp4:
0xfd: {  	s26 =	sshll.u32 s26, $0x7;
	(pc) =	sbr.rel @p2 .LBB2_8-.Ltmp4, $4  }
0xfe: {  	s26 =	smin.u32 s26, $0xF4180  }
0xff: {  	s26 =	sshll.u32 s26, $0x4  }
0x100: {  	s26 =	sadd.s32 s6, s26  }
0x101: {  	[hbm4b:s26+s4] =	stream.linear.scatter [tilespmem:s18], [sflag:$0x3], $0x4000, $0x38;
	[tilespmem:$0xC000] =	vst v63  }
.Ltmp5:
0x102: {  	(pc) =	sbr.rel .LBB2_9-.Ltmp5, $4  }
0x103: {  	_ = 	snop  }
0x104: {  	_ =	swait.ge [sflag:s19], $0x2000  }
0x105: {  	[sflag:s19] =	ssyncset.done $0x0  }
0x106: {  	[sflag:s19] =	ssyncadd.s32 $0xFFFFE000  }
.LBB2_8:
0x107: {  	s26 =	sadd.s32 s25, s9  }
0x108: {  	s26 =	sshll.u32 s26, $0x7  }
0x109: {  	s26 =	smin.u32 s26, $0xF4180  }
.Ltmp6:
0x10a: {  	s26 =	sadd.s32 s1, s26;
	(pc) =	sbr.rel @p1 .LBB2_10-.Ltmp6, $4  }
0x10b: {  	[tilespmem:s4], [sflag:$0x1] =	stream.strided.gather [hbm4b:s26+s14], $0x2000, s15, s14, $0x38;
	[tilespmem:$0xC000] =	vst v63  }
0x10c: {  	_ =	swait.ge [sflag:s19], $0x2000  }
0x10d: {  	[sflag:s19] =	ssyncset.done $0x0  }
0x10e: {  	[sflag:s19] =	ssyncadd.s32 $0xFFFFE000  }
.LBB2_9:
0x10f: {  	_ =	swait.ge [sflag:s20], $0x4000  }
0x110: {  	[sflag:s20] =	ssyncset.done $0x0  }
0x111: {  	[sflag:s20] =	ssyncadd.s32 $0xFFFFC000  }
.LBB2_10:
0x112: {  	s26 =	simm.s32 $0x0  }
.LBB2_11:
0x113: {  	s28 =	sshll.u32 s26, $0x4  }
0x114: {  	v32 =	vor.u32 s28, v0  }
0x115: {  	v48 =	vshll.u32 v32, $0x7  }
0x116: {  	v33 =	vor.u32 v0, v48  }
0x117: {  	v34 =	vor.u32 v1, v48;
	v35 =	vor.u32 v2, v48;
	v36 =	vor.u32 v3, v48  }
0x118: {  	v37 =	vor.u32 v4, v48;
	v38 =	vor.u32 v5, v48;
	v39 =	vor.u32 v6, v48  }
0x119: {  	v40 =	vor.u32 v7, v48;
	v41 =	vor.u32 v8, v48;
	v42 =	vor.u32 v9, v48  }
0x11a: {  	v43 =	vor.u32 v10, v48;
	v44 =	vor.u32 v11, v48;
	v45 =	vor.u32 v12, v48  }
0x11b: {  	p1 =	por $0x1, $0x1;
	s28 =	simm.s32 $0x0;
	v46 =	vor.u32 v13, v48;
	v47 =	vor.u32 v14, v48;
	v48 =	vor.u32 v15, v48  }
.LBB2_12:
0x11c: {  	v49 =	vmov s28  }
0x11d: {  	v49 =	vshll.u32 v49, $0x7  }
0x11e: {  	v50 =	vor.u32 v31, v49  }
0x11f: {  	v50 =	vadd.s32 v32, v50;
	_ =	sdelay $0x4  }
0x120: {  	v51 =	vor.u32 s28, v33;
	v52 =	vor.u32 v30, v49;
	v50 =	vld.idx.msk [tilespmem:v50+s16+$0x0], $0xffff  }
0x121: {  	v52 =	vadd.s32 v32, v52;
	_ =	sdelay $0x3  }
0x122: {  	[tilespmem:v51+s21+$0x0] =	vst.idx.msk $0xffff, v50  }
0x123: {  	v61 =	vor.u32 s28, v34;
	v62 =	vor.u32 v29, v49;
	v50 =	vld.idx.msk [tilespmem:v52+s16+$0x0], $0xffff  }
0x124: {  	v52 =	vadd.s32 v32, v62;
	_ =	sdelay $0x3  }
0x125: {  	[tilespmem:v61+s21+$0x0] =	vst.idx.msk $0xffff, v50  }
0x126: {  	v63 =	vor.u32 s28, v35;
	v56 =	vor.u32 v28, v49;
	v50 =	vld.idx.msk [tilespmem:v52+s16+$0x0], $0xffff  }
0x127: {  	v52 =	vadd.s32 v32, v56;
	_ =	sdelay $0x3  }
0x128: {  	[tilespmem:v63+s21+$0x0] =	vst.idx.msk $0xffff, v50  }
0x129: {  	v57 =	vor.u32 s28, v36;
	v58 =	vor.u32 v27, v49;
	v50 =	vld.idx.msk [tilespmem:v52+s16+$0x0], $0xffff  }
0x12a: {  	v52 =	vadd.s32 v32, v58;
	_ =	sdelay $0x3  }
0x12b: {  	[tilespmem:v57+s21+$0x0] =	vst.idx.msk $0xffff, v50  }
0x12c: {  	v59 =	vor.u32 s28, v37;
	v60 =	vor.u32 v26, v49;
	v50 =	vld.idx.msk [tilespmem:v52+s16+$0x0], $0xffff  }
0x12d: {  	v52 =	vadd.s32 v32, v60;
	_ =	sdelay $0x3  }
0x12e: {  	[tilespmem:v59+s21+$0x0] =	vst.idx.msk $0xffff, v50  }
0x12f: {  	v62 =	vor.u32 v25, v49;
	v61 =	vor.u32 s28, v38;
	v50 =	vld.idx.msk [tilespmem:v52+s16+$0x0], $0xffff  }
0x130: {  	v52 =	vadd.s32 v32, v62;
	_ =	sdelay $0x3  }
0x131: {  	[tilespmem:v61+s21+$0x0] =	vst.idx.msk $0xffff, v50  }
0x132: {  	v56 =	vor.u32 v24, v49;
	v63 =	vor.u32 s28, v39;
	v50 =	vld.idx.msk [tilespmem:v52+s16+$0x0], $0xffff  }
0x133: {  	v52 =	vadd.s32 v32, v56;
	_ =	sdelay $0x3  }
0x134: {  	[tilespmem:v63+s21+$0x0] =	vst.idx.msk $0xffff, v50  }
0x135: {  	v58 =	vor.u32 v23, v49;
	v57 =	vor.u32 s28, v40;
	v50 =	vld.idx.msk [tilespmem:v52+s16+$0x0], $0xffff  }
0x136: {  	v52 =	vadd.s32 v32, v58;
	_ =	sdelay $0x3  }
0x137: {  	[tilespmem:v57+s21+$0x0] =	vst.idx.msk $0xffff, v50  }
0x138: {  	v60 =	vor.u32 v22, v49;
	v59 =	vor.u32 s28, v41;
	v50 =	vld.idx.msk [tilespmem:v52+s16+$0x0], $0xffff  }
0x139: {  	v52 =	vadd.s32 v32, v60;
	_ =	sdelay $0x3  }
0x13a: {  	[tilespmem:v59+s21+$0x0] =	vst.idx.msk $0xffff, v50  }
0x13b: {  	v62 =	vor.u32 v21, v49;
	v61 =	vor.u32 s28, v42;
	v50 =	vld.idx.msk [tilespmem:v52+s16+$0x0], $0xffff  }
0x13c: {  	v52 =	vadd.s32 v32, v62;
	_ =	sdelay $0x3  }
0x13d: {  	[tilespmem:v61+s21+$0x0] =	vst.idx.msk $0xffff, v50  }
0x13e: {  	v56 =	vor.u32 v20, v49;
	v63 =	vor.u32 s28, v43;
	v50 =	vld.idx.msk [tilespmem:v52+s16+$0x0], $0xffff  }
0x13f: {  	v52 =	vadd.s32 v32, v56;
	_ =	sdelay $0x3  }
0x140: {  	[tilespmem:v63+s21+$0x0] =	vst.idx.msk $0xffff, v50  }
0x141: {  	v58 =	vor.u32 v19, v49;
	v57 =	vor.u32 s28, v44;
	v50 =	vld.idx.msk [tilespmem:v52+s16+$0x0], $0xffff  }
0x142: {  	v52 =	vadd.s32 v32, v58;
	_ =	sdelay $0x3  }
0x143: {  	[tilespmem:v57+s21+$0x0] =	vst.idx.msk $0xffff, v50  }
0x144: {  	v60 =	vor.u32 v18, v49;
	v59 =	vor.u32 s28, v45;
	v50 =	vld.idx.msk [tilespmem:v52+s16+$0x0], $0xffff  }
0x145: {  	v52 =	vadd.s32 v32, v60;
	_ =	sdelay $0x3  }
0x146: {  	[tilespmem:v59+s21+$0x0] =	vst.idx.msk $0xffff, v50  }
0x147: {  	v62 =	vor.u32 v17, v49;
	v61 =	vor.u32 s28, v46;
	v50 =	vld.idx.msk [tilespmem:v52+s16+$0x0], $0xffff  }
0x148: {  	v52 =	vadd.s32 v32, v62;
	_ =	sdelay $0x3  }
0x149: {  	[tilespmem:v61+s21+$0x0] =	vst.idx.msk $0xffff, v50  }
0x14a: {  	v49 =	vor.u32 v16, v49;
	v63 =	vor.u32 s28, v47;
	v50 =	vld.idx.msk [tilespmem:v52+s16+$0x0], $0xffff  }
0x14b: {  	v49 =	vadd.s32 v32, v49;
	_ =	sdelay $0x1  }
0x14c: {  	s29 =	sor.u32 $0x10, s28  }
0x14d: {  	v56 =	vmov s29  }
0x14e: {  	[tilespmem:v63+s21+$0x0] =	vst.idx.msk $0xffff, v50;
	v50 =	vshll.u32 v56, $0x7  }
0x14f: {  	v57 =	vor.u32 s28, v48;
	v49 =	vld.idx.msk [tilespmem:v49+s16+$0x0], $0xffff;
	v52 =	vor.u32 v31, v50  }
0x150: {  	v52 =	vadd.s32 v32, v52;
	_ =	sdelay $0x3  }
0x151: {  	[tilespmem:v57+s21+$0x0] =	vst.idx.msk $0xffff, v49  }
0x152: {  	v58 =	vor.u32 s29, v33;
	v59 =	vor.u32 v30, v50;
	v49 =	vld.idx.msk [tilespmem:v52+s16+$0x0], $0xffff  }
0x153: {  	v52 =	vadd.s32 v32, v59;
	_ =	sdelay $0x3  }
0x154: {  	[tilespmem:v58+s21+$0x0] =	vst.idx.msk $0xffff, v49  }
0x155: {  	v60 =	vor.u32 s29, v34;
	v61 =	vor.u32 v29, v50;
	v49 =	vld.idx.msk [tilespmem:v52+s16+$0x0], $0xffff  }
0x156: {  	v52 =	vadd.s32 v32, v61;
	_ =	sdelay $0x3  }
0x157: {  	[tilespmem:v60+s21+$0x0] =	vst.idx.msk $0xffff, v49  }
0x158: {  	v62 =	vor.u32 s29, v35;
	v63 =	vor.u32 v28, v50;
	v49 =	vld.idx.msk [tilespmem:v52+s16+$0x0], $0xffff  }
0x159: {  	v52 =	vadd.s32 v32, v63;
	_ =	sdelay $0x3  }
0x15a: {  	[tilespmem:v62+s21+$0x0] =	vst.idx.msk $0xffff, v49  }
0x15b: {  	v56 =	vor.u32 s29, v36;
	v57 =	vor.u32 v27, v50;
	v49 =	vld.idx.msk [tilespmem:v52+s16+$0x0], $0xffff  }
0x15c: {  	v52 =	vadd.s32 v32, v57;
	_ =	sdelay $0x3  }
0x15d: {  	[tilespmem:v56+s21+$0x0] =	vst.idx.msk $0xffff, v49  }
0x15e: {  	v59 =	vor.u32 v26, v50;
	v58 =	vor.u32 s29, v37;
	v49 =	vld.idx.msk [tilespmem:v52+s16+$0x0], $0xffff  }
0x15f: {  	v52 =	vadd.s32 v32, v59;
	_ =	sdelay $0x3  }
0x160: {  	[tilespmem:v58+s21+$0x0] =	vst.idx.msk $0xffff, v49  }
0x161: {  	v61 =	vor.u32 v25, v50;
	v60 =	vor.u32 s29, v38;
	v49 =	vld.idx.msk [tilespmem:v52+s16+$0x0], $0xffff  }
0x162: {  	v52 =	vadd.s32 v32, v61;
	_ =	sdelay $0x3  }
0x163: {  	[tilespmem:v60+s21+$0x0] =	vst.idx.msk $0xffff, v49  }
0x164: {  	v63 =	vor.u32 v24, v50;
	v62 =	vor.u32 s29, v39;
	v49 =	vld.idx.msk [tilespmem:v52+s16+$0x0], $0xffff  }
0x165: {  	v52 =	vadd.s32 v32, v63;
	_ =	sdelay $0x3  }
0x166: {  	[tilespmem:v62+s21+$0x0] =	vst.idx.msk $0xffff, v49  }
0x167: {  	v57 =	vor.u32 v23, v50;
	v56 =	vor.u32 s29, v40;
	v49 =	vld.idx.msk [tilespmem:v52+s16+$0x0], $0xffff  }
0x168: {  	v52 =	vadd.s32 v32, v57;
	_ =	sdelay $0x3  }
0x169: {  	[tilespmem:v56+s21+$0x0] =	vst.idx.msk $0xffff, v49  }
0x16a: {  	v59 =	vor.u32 v22, v50;
	v58 =	vor.u32 s29, v41;
	v49 =	vld.idx.msk [tilespmem:v52+s16+$0x0], $0xffff  }
0x16b: {  	v52 =	vadd.s32 v32, v59;
	_ =	sdelay $0x3  }
0x16c: {  	[tilespmem:v58+s21+$0x0] =	vst.idx.msk $0xffff, v49  }
0x16d: {  	v61 =	vor.u32 v21, v50;
	v60 =	vor.u32 s29, v42;
	v49 =	vld.idx.msk [tilespmem:v52+s16+$0x0], $0xffff  }
0x16e: {  	v52 =	vadd.s32 v32, v61;
	_ =	sdelay $0x3  }
0x16f: {  	[tilespmem:v60+s21+$0x0] =	vst.idx.msk $0xffff, v49  }
0x170: {  	v63 =	vor.u32 v20, v50;
	v62 =	vor.u32 s29, v43;
	v49 =	vld.idx.msk [tilespmem:v52+s16+$0x0], $0xffff  }
0x171: {  	v52 =	vadd.s32 v32, v63;
	_ =	sdelay $0x3  }
0x172: {  	[tilespmem:v62+s21+$0x0] =	vst.idx.msk $0xffff, v49  }
0x173: {  	v57 =	vor.u32 v19, v50;
	v56 =	vor.u32 s29, v44;
	v49 =	vld.idx.msk [tilespmem:v52+s16+$0x0], $0xffff  }
0x174: {  	v52 =	vadd.s32 v32, v57;
	_ =	sdelay $0x3  }
0x175: {  	[tilespmem:v56+s21+$0x0] =	vst.idx.msk $0xffff, v49  }
0x176: {  	v59 =	vor.u32 v18, v50;
	v58 =	vor.u32 s29, v45;
	v49 =	vld.idx.msk [tilespmem:v52+s16+$0x0], $0xffff  }
0x177: {  	v52 =	vadd.s32 v32, v59;
	_ =	sdelay $0x3  }
0x178: {  	[tilespmem:v58+s21+$0x0] =	vst.idx.msk $0xffff, v49  }
0x179: {  	v61 =	vor.u32 v17, v50;
	v60 =	vor.u32 s29, v46;
	v49 =	vld.idx.msk [tilespmem:v52+s16+$0x0], $0xffff  }
0x17a: {  	v52 =	vadd.s32 v32, v61;
	_ =	sdelay $0x3  }
0x17b: {  	[tilespmem:v60+s21+$0x0] =	vst.idx.msk $0xffff, v49  }
0x17c: {  	v50 =	vor.u32 v16, v50;
	v62 =	vor.u32 s29, v47;
	v49 =	vld.idx.msk [tilespmem:v52+s16+$0x0], $0xffff  }
0x17d: {  	v50 =	vadd.s32 v32, v50;
	_ =	sdelay $0x3  }
0x17e: {  	[tilespmem:v62+s21+$0x0] =	vst.idx.msk $0xffff, v49  }
0x17f: {  	p2 =	por p1, p1;
	v63 =	vor.u32 s29, v48;
	v49 =	vld.idx.msk [tilespmem:v50+s16+$0x0], $0xffff  }
.Ltmp7:
0x180: {  	_ = 	snop;
	(pc) =	sbr.rel @p2 .LBB2_12-.Ltmp7, $2  }
0x181: {  	_ =	sdelay $0x2  }
0x182: {  	p1 =	por $0x0, $0x0;
	s28 =	simm.s32 $0x20;
	[tilespmem:v63+s21+$0x0] =	vst.idx.msk $0xffff, v49  }
0x183: {  	s26 =	sadd.s32 $0x1, s26  }
0x184: {  	p1 =	sne.s32 s26, $0x8  }
.Ltmp8:
0x185: {  	_ = 	snop;
	(pc) =	sbr.rel @p1 .LBB2_11-.Ltmp8, $1  }
0x186: {  	_ =	sdelay $0x3  }
0x187: {  	s26 =	sadd.s32 s25, s10;
	p1 =	seq.s32 s24, $0x7A  }
.Ltmp9:
0x188: {  	s26 =	sshll.u32 s26, $0x7;
	(pc) =	sbr.rel @p1 .LBB2_16-.Ltmp9, $4  }
0x189: {  	s26 =	smin.u32 s26, $0xF4180  }
0x18a: {  	s26 =	sshll.u32 s26, $0x4  }
0x18b: {  	s26 =	sadd.s32 s6, s26  }
0x18c: {  	[hbm4b:s26+s4] =	stream.linear.scatter [tilespmem:s21], [sflag:$0x4], $0x4000, $0x38;
	[tilespmem:$0xC000] =	vst v63  }
.Ltmp10:
0x18d: {  	s25 =	sadd.s32 s25, s11;
	(pc) =	sbr.rel .LBB2_2-.Ltmp10, $4  }
0x18e: {  	s25 =	sshll.u32 s25, $0x7  }
0x18f: {  	s25 =	smin.u32 s25, $0xF4180  }
0x190: {  	s24 =	sadd.s32 $0x1, s24;
	s25 =	sadd.s32 s1, s25  }
0x191: {  	[tilespmem:s16], [sflag:$0x2] =	stream.strided.gather [hbm4b:s25+s14], $0x2000, s15, s14, $0x38;
	[tilespmem:$0xC000] =	vst v63  }
.LBB2_17:
0x192: {  	_ =	sfence.sel $0x180000  }
0x193: {  	[bflag:$0x0] =	sbarrier.arrive $0xFFFF  }
0x194: {  	p0 =	sne.s32 s0, $0x0;
	_ =	strace $0x90000047  }
0x195: {  	s0 =	sadd.s32 @!p0 $0x100000, s3;
	[bflag:$0x2] =	sbarrier.arrive $0xFFFF  }
0x196: {  	[sflag:s0] =	ssyncadd.tile.s32 @!p0 $0x1;
	_ =	shalt  }
.Lfunc_end2:
_tile_overlayer_lowered:
.L_overlay_start_2:
0x197: {  	(tag) =	ssettag $0x2  }
0x198: {  	s0 =	rddreg [dreg:$0x0];
	s2 =	stileid.u32  }
0x199: {  	s1 =	rddreg [dreg:$0x1];
	p0 =	sne.s32 s2, $0x0  }
0x19a: {  	s3 =	rddreg [dreg:$0x2];
	[bflag:$0x3] =	sbarrier.arrive $0xFFFF;
	s2 =	simm.s32 @!p0 $0x1C05  }
0x19b: {  	[timem:s3], [sflag:s2] =	dma.local @!p0 [hbm:s0], s1  }
0x19c: {  	s0 =	simm.s32 @!p0 $0x5  }
0x19d: {  	_ =	swait.ge @!p0 [sflag:s0], s1  }
0x19e: {  	s1 =	ssub.s32 @!p0 $0x0, s1;
	[sflag:s0] =	ssyncset.done @!p0 $0x0  }
0x19f: {  	[sflag:s0] =	ssyncadd.s32 @!p0 s1  }
0x1a0: {  	[bflag:$0x3] =	sbarrier.arrive $0xFFFF  }
0x1a1: {  	_ =	shalt  }

// kernel: kernel.7.cloned.1.call-start
scs
__scs_entry_jumppad:
0x0: {  	(pc) =	sbr.rel $0x88, $3  }
0x1: {  	(tag) =	ssettag $0x0;
	lr =	simm.s32 $0x1  }
0x2: {  	[smem:$0x3F9F] =	sst lr;
	_ =	strace $0xD0000000  }
0x3: {  	_ = 	snop  }
0x4: {  	_ = 	snop  }
0x5: {  	_ = 	snop  }
0x6: {  	_ = 	snop  }
0x7: {  	_ = 	snop  }
__scs_overlays_trampoline_lowered:
0x8: {  	[smem:$0x3FAE] =	sst s0  }
0x9: {  	[smem:$0x3FAF] =	sst s1  }
0xa: {  	[smem:$0x3FB0] =	sst s2  }
0xb: {  	[smem:$0x3FB1] =	sst s3  }
0xc: {  	[smem:$0x3FB2] =	sst s4  }
0xd: {  	[smem:$0x3FB3] =	sst s5  }
0xe: {  	[smem:$0x3FB4] =	sst s6  }
0xf: {  	[smem:$0x3FB5] =	sst s7  }
0x10: {  	[smem:$0x3FB6] =	sst s8  }
0x11: {  	[smem:$0x3FB7] =	sst s9;
	s0 =	simm.s32 @!p0 $0x0  }
0x12: {  	s1 =	sld [smem:$0x3F9D];
	s0 =	simm.s32 @p0 $0x1  }
0x13: {  	[smem:$0x3FB8] =	sst s0;
	s0 =	simm.s32 @!p1 $0x0  }
0x14: {  	s2 =	sld [smem:$0x3F9C];
	s0 =	simm.s32 @p1 $0x1  }
0x15: {  	[smem:$0x3FB9] =	sst s0;
	s0 =	simm.s32 @!p2 $0x0  }
0x16: {  	s3 =	sld [smem:$0x3FDB];
	s0 =	simm.s32 @p2 $0x1  }
0x17: {  	s4 =	simm.s32 $0x1BF5;
	[smem:$0x3FBB] =	sst s0  }
0x18: {  	s0 =	sld [smem:$0x3F9E];
	_ =	swait.ge [sflag:s4], $0x0  }
0x19: {  	s7 =	sld [smem:$0x3F9F]  }
0x1a: {  	s8 =	sadd.s32 $0xFFFFE003, lr  }
0x1b: {  	s9 =	sadd.s32 $0xFFFFFEF7, lr;
	s5 =	simm.s32 $0xFFFFFFFF;
	p2 =	slt.u32 s8, $0xFFFFF086  }
0x1c: {  	p1 =	slt.u32 s9, $0xF7A;
	s5 =	simm.s32 @!p2 $0x0  }
0x1d: {  	s5 =	simm.s32 @p1 $0x1;
	p0 =	seq.s32 s7, s2  }
0x1e: {  	s7 =	smul.u32 @!p0 $0xF7A, s2;
	p2 =	seq.s32 @!p0 s5, $0x0  }
0x1f: {  	s9 =	smul.u32 $0xF7A, s1;
	s8 =	simm.s32 @!p0 $0x1BF5;
	p2 =	por !p2, p0  }
0x20: {  	[sflag:s8] =	ssyncset.s32 @!p0 $0xFFFFF086;
	s6 =	sadd.s32 @!p0 s3, s7;
	s7 =	simm.s32 @!p0 $0x108  }
0x21: {  	s3 =	sadd.s32 s3, s9;
	s6 =	sadd.s32 @!p0 $0x88, s6;
	s7 =	simm.s32 @p2 $0x1082  }
0x22: {  	[simem:s7], [sflag:s8] =	dma.local @!p0 [hbm:s6], $0xF7A  }
0x23: {  	s9 =	sor.u32 $0xD0000000, s2;
	s6 =	simm.s32 $0x108;
	_ =	swait.ge @!p0 [sflag:s8], $0x0  }
0x24: {  	s3 =	sadd.s32 $0x88, s3;
	s6 =	simm.s32 @!p1 $0x1082;
	[sflag:s4] =	ssyncset.s32 $0xFFFFF086  }
0x25: {  	[simem:s6], [sflag:s4] =	dma.local [hbm:s3], $0xF7A  }
0x26: {  	[smem:$0x3F9F] =	sst s1;
	(tag) =	ssettag s2;
	_ =	strace s9  }
0x27: {  	s1 =	sld [smem:$0x3FAF]  }
0x28: {  	s2 =	sld [smem:$0x3FB0]  }
0x29: {  	s4 =	sld [smem:$0x3FB2]  }
0x2a: {  	p0 =	seq.s32 s5, $0x0;
	s5 =	sld [smem:$0x3FB3]  }
0x2b: {  	s6 =	sld [smem:$0x3FB4]  }
0x2c: {  	s7 =	sld [smem:$0x3FB5]  }
0x2d: {  	s3 =	simm.s32 $0x108;
	s8 =	sld [smem:$0x3FB6]  }
0x2e: {  	s3 =	simm.s32 @!p0 $0x1082;
	s9 =	sld [smem:$0x3FB7]  }
0x2f: {  	lr =	sadd.s32 s0, s3;
	s0 =	sld [smem:$0x3FAE]  }
0x30: {  	s3 =	sld [smem:$0x3FB1]  }
0x31: {  	[smem:$0x3FBA] =	sst s10  }
0x32: {  	s10 =	sld [smem:$0x3FB8];
	_ =	sdelay $0x3  }
0x33: {  	p0 =	seq.s32 s10, $0x1;
	s10 =	sld [smem:$0x3FBA];
	_ =	sdelay $0x3  }
0x34: {  	[smem:$0x3FBA] =	sst s10  }
0x35: {  	s10 =	sld [smem:$0x3FB9];
	_ =	sdelay $0x3  }
0x36: {  	p1 =	seq.s32 s10, $0x1;
	s10 =	sld [smem:$0x3FBA];
	_ =	sdelay $0x3  }
0x37: {  	[smem:$0x3FBA] =	sst s10  }
0x38: {  	s10 =	sld [smem:$0x3FBB]  }
0x39: {  	_ = 	snop;
	(pc) =	sbr.ind lr, $3  }
0x3a: {  	_ = 	snop  }
0x3b: {  	_ = 	snop  }
0x3c: {  	p2 =	seq.s32 s10, $0x1;
	s10 =	sld [smem:$0x3FBA]  }
0x3d: {  	_ =	shalt  }
0x3e: {  	_ =	shalt  }
0x3f: {  	_ =	shalt  }
0x40: {  	_ =	shalt  }
0x41: {  	_ =	shalt  }
0x42: {  	_ =	shalt  }
0x43: {  	_ =	shalt  }
0x44: {  	_ =	shalt  }
0x45: {  	_ =	shalt  }
0x46: {  	_ =	shalt  }
0x47: {  	_ =	shalt  }
0x48: {  	_ =	shalt  }
0x49: {  	_ =	shalt  }
0x4a: {  	_ =	shalt  }
0x4b: {  	_ =	shalt  }
0x4c: {  	_ =	shalt  }
0x4d: {  	_ =	shalt  }
0x4e: {  	_ =	shalt  }
0x4f: {  	_ =	shalt  }
0x50: {  	_ =	shalt  }
0x51: {  	_ =	shalt  }
0x52: {  	_ =	shalt  }
0x53: {  	_ =	shalt  }
0x54: {  	_ =	shalt  }
0x55: {  	_ =	shalt  }
0x56: {  	_ =	shalt  }
0x57: {  	_ =	shalt  }
0x58: {  	_ =	shalt  }
0x59: {  	_ =	shalt  }
0x5a: {  	_ =	shalt  }
0x5b: {  	_ =	shalt  }
0x5c: {  	_ =	shalt  }
0x5d: {  	_ =	shalt  }
0x5e: {  	_ =	shalt  }
0x5f: {  	_ =	shalt  }
0x60: {  	_ =	shalt  }
0x61: {  	_ =	shalt  }
0x62: {  	_ =	shalt  }
0x63: {  	_ =	shalt  }
0x64: {  	_ =	shalt  }
0x65: {  	_ =	shalt  }
0x66: {  	_ =	shalt  }
0x67: {  	_ =	shalt  }
0x68: {  	_ =	shalt  }
0x69: {  	_ =	shalt  }
0x6a: {  	_ =	shalt  }
0x6b: {  	_ =	shalt  }
0x6c: {  	_ =	shalt  }
0x6d: {  	_ =	shalt  }
0x6e: {  	_ =	shalt  }
0x6f: {  	_ =	shalt  }
0x70: {  	_ =	shalt  }
0x71: {  	_ =	shalt  }
0x72: {  	_ =	shalt  }
0x73: {  	_ =	shalt  }
0x74: {  	_ =	shalt  }
0x75: {  	_ =	shalt  }
0x76: {  	_ =	shalt  }
0x77: {  	_ =	shalt  }
0x78: {  	_ =	shalt  }
0x79: {  	_ =	shalt  }
0x7a: {  	_ =	shalt  }
0x7b: {  	_ =	shalt  }
0x7c: {  	_ =	shalt  }
0x7d: {  	_ =	shalt  }
0x7e: {  	_ =	shalt  }
0x7f: {  	_ =	shalt  }
0x80: {  	_ =	shalt  }
0x81: {  	_ =	shalt  }
0x82: {  	_ =	shalt  }
0x83: {  	_ =	shalt  }
0x84: {  	_ =	shalt  }
0x85: {  	_ =	shalt  }
0x86: {  	_ =	shalt  }
0x87: {  	_ =	shalt  }
.Lfunc_end0:
.L_simem_size_0:
called_computation.1_lowered:
.L_overlay_start_0:
0x88: {  	s2 =	sld [smem:$0x3FD9]  }
0x89: {  	s3 =	sld [smem:$0x3FFE];
	_ =	sdelay $0x1  }
0x8a: {  	s1 =	srdreg.scid  }
0x8b: {  	s0 =	sand.u32 $0x1, s1  }
0x8c: {  	s17 =	sshll.u32 s0, $0xA;
	s2 =	sadd.s32 s3, s2  }
0x8d: {  	s2 =	sadd.s32 s2, s17  }
0x8e: {  	[smem:$0x3FC6] =	sst s2  }
0x8f: {  	_ = 	snop  }
0x90: {  	s2 =	sld [smem:$0x3FC9]  }
0x91: {  	s18 =	sld [smem:$0x3FD0];
	(tm) =	ssettm $0x1  }
0x92: {  	s4 =	sld [smem:$0x3FFB];
	_ =	sdelay $0x3  }
0x93: {  	_ =	strace s4  }
0x94: {  	s4 =	sld [smem:$0x3FFC];
	_ =	sdelay $0x3  }
0x95: {  	_ =	strace s4  }
0x96: {  	s4 =	sld [smem:$0x3FFD];
	_ =	sdelay $0x3  }
0x97: {  	_ =	strace s4  }
0x98: {  	_ =	strace $0x8FFFFFFF  }
0x99: {  	s19 =	sld [smem:$0x3FDB];
	_ =	sdelay $0x1  }
0x9a: {  	s5 =	simm.s32 $_scs_section_size  }
0x9b: {  	s6 =	simm.s32 $_size__tile_overlayer_lowered;
	s7 =	simm.s32 $_tile_overlayer_lowered  }
0x9c: {  	s22 =	simm.s32 $0x1BFF;
	s21 =	sshll.u32 s7, $0x1;
	s4 =	sadd.s32 s5, s19  }
0x9d: {  	s8 =	simm.s32 $0x0;
	s20 =	sshll.u32 s6, $0x1;
	s6 =	sadd.s32 s21, s4  }
0x9e: {  	[timem:s8], [sflag:s22] =	dma.local [hbm:s6], s20  }
0x9f: {  	_ =	swait.ge [sflag:s22], s20  }
0xa0: {  	s5 =	ssub.s32 $0x0, s20;
	[sflag:s22] =	ssyncset.done $0x0  }
0xa1: {  	[sflag:s22] =	ssyncadd.s32 s5;
	_ =	sdelay $0x1  }
0xa2: {  	s23 =	simm.s32 $0x1B8B  }
0xa3: {  	_ =	swait.ge [sflag:s23], $0x1  }
0xa4: {  	[sflag:s23] =	ssyncset.done $0x0  }
0xa5: {  	s25 =	simm.s32 $0x1B8E;
	s24 =	sld [smem:$0x3FFE];
	[sflag:s23] =	ssyncadd.s32 $0xFFFFFFFF  }
0xa6: {  	s26 =	simm.s32 $execute0_lowered;
	[smem:$0x3FD2] =	sst s25  }
0xa7: {  	s6 =	sshll.u32 s26, $0x1;
	_ =	strace $0x80000049;
	[dreg:$0x1] =	wrdreg $0xFFFFFFFF  }
0xa8: {  	s28 =	simm.s32 $_size_execute0_lowered;
	s4 =	sadd.s32 s4, s6;
	[dreg:$0x0] =	wrdreg $0x0  }
0xa9: {  	s6 =	sshll.u32 s28, $0x1;
	[dreg:$0x2] =	wrdreg s4  }
0xaa: {  	[dreg:$0x3] =	wrdreg s6  }
0xab: {  	[dreg:$0x4] =	wrdreg $0xC0  }
0xac: {  	_ =	task [dreg:s8], $0x5FFFF  }
0xad: {  	[dreg:$0x1] =	wrdreg $0xFFFFFFFF  }
0xae: {  	[dreg:$0x0] =	wrdreg $0x60  }
0xaf: {  	[dreg:$0x2] =	wrdreg s2  }
0xb0: {  	[dreg:$0x3] =	wrdreg s24  }
0xb1: {  	[dreg:$0x4] =	wrdreg s18  }
0xb2: {  	[dreg:$0x5] =	wrdreg $0x9  }
0xb3: {  	_ =	task.clear_ibuf [dreg:s8], $0x6FFFF;
	_ =	strace $0x90000049  }
0xb4: {  	s29 =	simm.s32 $0x9;
	_ =	strace $0x8000004B  }
0xb5: {  	_ =	swait.ge [sflag:s29], $0x1  }
0xb6: {  	[sflag:s29] =	ssyncadd.s32 $0xFFFFFFFF  }
0xb7: {  	_ =	strace $0x9000004B  }
0xb8: {  	_ =	sfence  }
0xb9: {  	s30 =	sld [smem:$0x0];
	_ =	sdelay $0x2  }
0xba: {  	s31 =	sshll.u32 s1, $0xD;
	s1 =	sshrl.u32 s1, $0x2  }
0xbb: {  	s3 =	sand.u32 $0x4000, s31;
	s1 =	sadd.s32 s1, s30  }
0xbc: {  	s0 =	sor.u32 s3, s0;
	s1 =	sshll.u32 s1, $0x11  }
0xbd: {  	s0 =	sor.u32 s1, s0  }
0xbe: {  	s0 =	sadd.s32 $0x8F2B, s0  }
0xbf: {  	[sflag:s0] =	ssyncadd.remote.s32 $0x1  }
0xc0: {  	_ =	sfence.sel $0xFFFF  }
0xc1: {  	[dreg:$0x0] =	wrdreg $0xFFFFFFFF;
	(pc) =	sbr.abs _section_cstart, $3  }
0xc2: {  	[dreg:$0x1] =	wrdreg $0xFFFFFFFF  }
0xc3: {  	_ =	task.clear_ibuf [dreg:s8], $0x2FFFF;
	_ =	strace $0x9FFFFFFF  }
0xc4: {  	(tm) =	ssettm $0x7FFFFFFF  }
0xc5: {  	_ =	shalt  }
tec
execute0_lowered:
.L_overlay_start_1:
0x0: {  	(tag) =	ssettag $0x1  }
0x1: {  	v0 =	vimm.s32 $0xFEDCBA9;
	v1 =	vimm.s32 $0x87654321  }
0x2: {  	v2 =	vimm.s32 $0x10FEDCBA;
	v3 =	vimm.s32 $0x98765432;
	v4 =	vimm.s32 $0x210FEDCB  }
0x3: {  	v5 =	vimm.s32 $0xA9876543;
	v8 =	vimm.s32 $0x3210FEDC;
	v9 =	vimm.s32 $0xBA987654  }
0x4: {  	v15 =	vimm.s32 $0x543210FE;
	v18 =	vimm.s32 $0x6543210F;
	v19 =	vimm.s32 $0xEDCBA987  }
0x5: {  	v20 =	vimm.s32 $0xFEDCBA98;
	vm13 =	vcmask $0x300;
	vm14 =	vcmask $0x704  }
0x6: {  	vm12 =	vcmask $0xB08;
	vm11 =	vcmask $0xF0C;
	vm10 =	vcmask $0x1310  }
0x7: {  	vm9 =	vcmask $0x1714;
	vm8 =	vcmask $0x1B18;
	vm5 =	vcmask $0x1F1C  }
0x8: {  	vm0 =	vcmask $0x2320;
	vm1 =	vcmask $0x2724;
	vm2 =	vcmask $0x2B28  }
0x9: {  	vm3 =	vcmask $0x2F2C;
	vm4 =	vcmask $0x3330;
	vm6 =	vcmask $0x3734  }
0xa: {  	vm7 =	vcmask $0x3B38;
	v25 =	vimm.s32 $0x280;
	v26 =	vimm.s32 $0x200  }
0xb: {  	v27 =	vimm.s32 $0x180;
	v28 =	vimm.s32 $0x100;
	v29 =	vimm.s32 $0x80  }
0xc: {  	v30 =	vimm.s32 $0x0;
	v0 =	vunpack.c.l.s4.s8 v0;
	v1 =	vunpack.c.l.s4.s8 v1  }
0xd: {  	v2 =	vunpack.c.l.s4.s8 v2;
	v3 =	vunpack.c.l.s4.s8 v3;
	v4 =	vunpack.c.l.s4.s8 v4  }
0xe: {  	v5 =	vunpack.c.l.s4.s8 v5;
	v8 =	vunpack.c.l.s4.s8 v8;
	v15 =	vunpack.c.l.s4.s8 v15  }
0xf: {  	v18 =	vunpack.c.l.s4.s8 v18;
	v19 =	vunpack.c.l.s4.s8 v19;
	v20 =	vunpack.c.l.s4.s8 v20  }
0x10: {  	v25 =	vsel vm13, $0x300, v25;
	v26 =	vsel vm13, $0x280, v26;
	v27 =	vsel vm13, $0x200, v27  }
0x11: {  	v28 =	vsel vm13, $0x180, v28;
	v29 =	vsel vm13, $0x100, v29;
	v30 =	vsel vm13, $0x80, v30  }
0x12: {  	v25 =	vsel vm14, $0x380, v25;
	v26 =	vsel vm14, $0x300, v26;
	v27 =	vsel vm14, $0x280, v27  }
0x13: {  	v28 =	vsel vm14, $0x200, v28;
	v29 =	vsel vm14, $0x180, v29;
	v30 =	vsel vm14, $0x100, v30  }
0x14: {  	v6 =	vunpack.c.0.s8.s32 v0;
	v7 =	vunpack.c.0.s8.s32 v1;
	v0 =	vlaneseq.u32  }
0x15: {  	v10 =	vunpack.c.0.s8.s32 v2;
	v11 =	vunpack.c.0.s8.s32 v3;
	v2 =	vunpack.c.l.s4.s8 v9  }
0x16: {  	v9 =	vunpack.c.0.s8.s32 v4;
	v12 =	vunpack.c.0.s8.s32 v5;
	v13 =	vunpack.c.0.s8.s32 v8  }
0x17: {  	v3 =	vimm.s32 $0xCBA98765;
	v15 =	vunpack.c.0.s8.s32 v15;
	v18 =	vunpack.c.0.s8.s32 v18  }
0x18: {  	v19 =	vunpack.c.0.s8.s32 v19;
	v20 =	vunpack.c.0.s8.s32 v20;
	v25 =	vsel vm12, $0x400, v25  }
0x19: {  	v26 =	vsel vm12, $0x380, v26;
	v27 =	vsel vm12, $0x300, v27;
	v28 =	vsel vm12, $0x280, v28  }
0x1a: {  	v29 =	vsel vm12, $0x200, v29;
	v30 =	vsel vm12, $0x180, v30;
	v3 =	vunpack.c.l.s4.s8 v3  }
0x1b: {  	v25 =	vsel vm11, $0x480, v25;
	v26 =	vsel vm11, $0x400, v26;
	v27 =	vsel vm11, $0x380, v27  }
0x1c: {  	v28 =	vsel vm11, $0x300, v28;
	v29 =	vsel vm11, $0x280, v29;
	v30 =	vsel vm11, $0x200, v30  }
0x1d: {  	v31 =	vmul.u32 $0x80, v0;
	v1 =	vcombine.low v7, v6;
	v14 =	vunpack.c.0.s8.s32 v2  }
0x1e: {  	v2 =	vimm.s32 $0x43210FED;
	v4 =	vcombine.low v11, v10;
	v5 =	vcombine.low v12, v9  }
0x1f: {  	v23 =	vcombine.low v19, v18;
	v24 =	vcombine.low v6, v7;
	v20 =	vand.u32 $0xF, v20  }
0x20: {  	v10 =	vcombine.low v10, v11;
	v11 =	vcombine.low v9, v12;
	v25 =	vsel vm10, $0x500, v25  }
0x21: {  	v26 =	vsel vm10, $0x480, v26;
	v27 =	vsel vm10, $0x400, v27;
	v28 =	vsel vm10, $0x380, v28  }
0x22: {  	v29 =	vsel vm10, $0x300, v29;
	v30 =	vsel vm10, $0x280, v30;
	v2 =	vunpack.c.l.s4.s8 v2  }
0x23: {  	v17 =	vunpack.c.0.s8.s32 v3;
	v25 =	vsel vm9, $0x580, v25;
	v26 =	vsel vm9, $0x500, v26  }
0x24: {  	v27 =	vsel vm9, $0x480, v27;
	v28 =	vsel vm9, $0x400, v28;
	v29 =	vsel vm9, $0x380, v29  }
0x25: {  	v30 =	vsel vm9, $0x300, v30;
	v1 =	vand.u32 $0xF, v1;
	v8 =	vcombine.low v14, v13  }
0x26: {  	v3 =	vand.u32 $0xF, v5;
	v7 =	vand.u32 $0xF, v23;
	v9 =	vand.u32 $0xF, v24  }
0x27: {  	v10 =	vand.u32 $0xF, v10;
	v11 =	vand.u32 $0xF, v11;
	v12 =	vcombine.low v13, v14  }
0x28: {  	v13 =	vimm.s32 $0x700;
	v23 =	vimm.s32 $0x380;
	v24 =	vimm.s32 $0x300  }
0x29: {  	v25 =	vsel vm8, $0x600, v25;
	v26 =	vsel vm8, $0x580, v26;
	v27 =	vsel vm8, $0x500, v27  }
0x2a: {  	v28 =	vsel vm8, $0x480, v28;
	v29 =	vsel vm8, $0x400, v29;
	v30 =	vsel vm8, $0x380, v30  }
0x2b: {  	v16 =	vunpack.c.0.s8.s32 v2;
	v2 =	vand.u32 $0xF, v4;
	v13 =	vsel vm13, $0x780, v13  }
0x2c: {  	v23 =	vsel vm13, $0x400, v23;
	v24 =	vsel vm13, $0x380, v24;
	v25 =	vsel vm5, $0x680, v25  }
0x2d: {  	v26 =	vsel vm5, $0x600, v26;
	v27 =	vsel vm5, $0x580, v27;
	v28 =	vsel vm5, $0x500, v28  }
0x2e: {  	v29 =	vsel vm5, $0x480, v29;
	v30 =	vsel vm5, $0x400, v30;
	v4 =	vand.u32 $0xF, v8  }
0x2f: {  	v8 =	vimm.s32 $0xDCBA9876;
	v12 =	vand.u32 $0xF, v12;
	v23 =	vsel vm14, $0x480, v23  }
0x30: {  	v24 =	vsel vm14, $0x400, v24;
	v25 =	vsel vm0, $0x700, v25;
	v26 =	vsel vm0, $0x680, v26  }
0x31: {  	v27 =	vsel vm0, $0x600, v27;
	v28 =	vsel vm0, $0x580, v28;
	v29 =	vsel vm0, $0x500, v29  }
0x32: {  	v30 =	vsel vm0, $0x480, v30;
	v5 =	vcombine.low v17, v16;
	v8 =	vunpack.c.l.s4.s8 v8  }
0x33: {  	v14 =	vcombine.low v16, v17;
	v16 =	vsel vm14, $0x0, v13;
	v23 =	vsel vm12, $0x500, v23  }
0x34: {  	v24 =	vsel vm12, $0x480, v24;
	v25 =	vsel vm1, $0x780, v25;
	v26 =	vsel vm1, $0x700, v26  }
0x35: {  	v27 =	vsel vm1, $0x680, v27;
	v28 =	vsel vm1, $0x600, v28;
	v29 =	vsel vm1, $0x580, v29  }
0x36: {  	v30 =	vsel vm1, $0x500, v30;
	v23 =	vsel vm11, $0x580, v23;
	v24 =	vsel vm11, $0x500, v24  }
0x37: {  	v25 =	vsel vm2, $0x0, v25;
	v26 =	vsel vm2, $0x780, v26;
	v27 =	vsel vm2, $0x700, v27  }
0x38: {  	v28 =	vsel vm2, $0x680, v28;
	v29 =	vsel vm2, $0x600, v29;
	v30 =	vsel vm2, $0x580, v30  }
0x39: {  	v21 =	vunpack.c.0.s8.s32 v8;
	v8 =	vimm.s32 $0x76543210;
	v5 =	vand.u32 $0xF, v5  }
0x3a: {  	v13 =	vand.u32 $0xF, v14;
	v14 =	vsel vm12, $0x80, v16;
	v16 =	vcombine.low v18, v19  }
0x3b: {  	v18 =	vimm.s32 $0x600;
	v19 =	vimm.s32 $0x580;
	v23 =	vsel vm10, $0x600, v23  }
0x3c: {  	v24 =	vsel vm10, $0x580, v24;
	v25 =	vsel vm3, $0x80, v25;
	v26 =	vsel vm3, $0x0, v26  }
0x3d: {  	v27 =	vsel vm3, $0x780, v27;
	v28 =	vsel vm3, $0x700, v28;
	v29 =	vsel vm3, $0x680, v29  }
0x3e: {  	v30 =	vsel vm3, $0x600, v30;
	v8 =	vunpack.c.l.s4.s8 v8;
	v14 =	vsel vm11, $0x100, v14  }
0x3f: {  	v18 =	vsel vm13, $0x680, v18;
	v19 =	vsel vm13, $0x600, v19;
	v23 =	vsel vm9, $0x680, v23  }
0x40: {  	v24 =	vsel vm9, $0x600, v24;
	v25 =	vsel vm4, $0x100, v25;
	v26 =	vsel vm4, $0x80, v26  }
0x41: {  	v27 =	vsel vm4, $0x0, v27;
	v28 =	vsel vm4, $0x780, v28;
	v29 =	vsel vm4, $0x700, v29  }
0x42: {  	v30 =	vsel vm4, $0x680, v30;
	v22 =	vcombine.low v21, v15;
	v15 =	vcombine.low v15, v21  }
0x43: {  	v17 =	vsel vm10, $0x180, v14;
	v18 =	vsel vm14, $0x700, v18;
	v21 =	vimm.s32 $0x480  }
0x44: {  	v19 =	vsel vm14, $0x680, v19;
	v23 =	vsel vm8, $0x700, v23;
	v24 =	vsel vm8, $0x680, v24  }
0x45: {  	v25 =	vsel vm6, $0x180, v25;
	v26 =	vsel vm6, $0x100, v26;
	v27 =	vsel vm6, $0x80, v27  }
0x46: {  	v28 =	vsel vm6, $0x0, v28;
	v29 =	vsel vm6, $0x780, v29;
	v30 =	vsel vm6, $0x700, v30  }
0x47: {  	v8 =	vunpack.c.0.s8.s32 v8;
	v17 =	vsel vm9, $0x200, v17;
	v18 =	vsel vm12, $0x780, v18  }
0x48: {  	v21 =	vsel vm13, $0x500, v21;
	v19 =	vsel vm12, $0x700, v19;
	v23 =	vsel vm5, $0x780, v23  }
0x49: {  	v24 =	vsel vm5, $0x700, v24;
	v25 =	vsel vm7, $0x200, v25;
	v26 =	vsel vm7, $0x180, v26  }
0x4a: {  	v27 =	vsel vm7, $0x100, v27;
	v28 =	vsel vm7, $0x80, v28;
	v29 =	vsel vm7, $0x0, v29  }
0x4b: {  	v30 =	vsel vm7, $0x780, v30;
	v6 =	vand.u32 $0xF, v22;
	v14 =	vand.u32 $0xF, v15  }
0x4c: {  	v15 =	vand.u32 $0xF, v16;
	v16 =	vsel vm8, $0x280, v17;
	v17 =	vimm.s32 $0x680  }
0x4d: {  	v18 =	vsel vm11, $0x0, v18;
	v21 =	vsel vm14, $0x580, v21;
	v19 =	vsel vm11, $0x780, v19  }
0x4e: {  	v22 =	vimm.s32 $0x400;
	v23 =	vsel vm0, $0x0, v23;
	v24 =	vsel vm0, $0x780, v24  }
0x4f: {  	v8 =	vcombine.low v20, v8;
	v16 =	vsel vm5, $0x300, v16;
	v17 =	vsel vm13, $0x700, v17  }
0x50: {  	v18 =	vsel vm10, $0x80, v18;
	v20 =	vimm.s32 $0x500;
	v21 =	vsel vm12, $0x600, v21  }
0x51: {  	v19 =	vsel vm10, $0x0, v19;
	v22 =	vsel vm13, $0x480, v22;
	v23 =	vsel vm1, $0x80, v23  }
0x52: {  	v24 =	vsel vm1, $0x0, v24;
	v16 =	vsel vm0, $0x380, v16;
	v17 =	vsel vm14, $0x780, v17  }
0x53: {  	v18 =	vsel vm9, $0x100, v18;
	v20 =	vsel vm13, $0x580, v20;
	v21 =	vsel vm11, $0x680, v21  }
0x54: {  	v19 =	vsel vm9, $0x80, v19;
	v22 =	vsel vm14, $0x500, v22;
	v23 =	vsel vm2, $0x100, v23  }
0x55: {  	v24 =	vsel vm2, $0x80, v24;
	v17 =	vsel vm12, $0x0, v17;
	v16 =	vsel vm1, $0x400, v16  }
0x56: {  	v18 =	vsel vm8, $0x180, v18;
	v20 =	vsel vm14, $0x600, v20;
	v21 =	vsel vm10, $0x700, v21  }
0x57: {  	v19 =	vsel vm8, $0x100, v19;
	v22 =	vsel vm12, $0x580, v22;
	v23 =	vsel vm3, $0x180, v23  }
0x58: {  	v24 =	vsel vm3, $0x100, v24;
	v17 =	vsel vm11, $0x80, v17;
	v16 =	vsel vm2, $0x480, v16  }
0x59: {  	v18 =	vsel vm5, $0x200, v18;
	v20 =	vsel vm12, $0x680, v20;
	v21 =	vsel vm9, $0x780, v21  }
0x5a: {  	v19 =	vsel vm5, $0x180, v19;
	v22 =	vsel vm11, $0x600, v22;
	v23 =	vsel vm4, $0x200, v23  }
0x5b: {  	v24 =	vsel vm4, $0x180, v24;
	v17 =	vsel vm10, $0x100, v17;
	v16 =	vsel vm3, $0x500, v16  }
0x5c: {  	v18 =	vsel vm0, $0x280, v18;
	v20 =	vsel vm11, $0x700, v20;
	v21 =	vsel vm8, $0x0, v21  }
0x5d: {  	v19 =	vsel vm0, $0x200, v19;
	v22 =	vsel vm10, $0x680, v22;
	v23 =	vsel vm6, $0x280, v23  }
0x5e: {  	v24 =	vsel vm6, $0x200, v24;
	v17 =	vsel vm9, $0x180, v17;
	v16 =	vsel vm4, $0x580, v16  }
0x5f: {  	v18 =	vsel vm1, $0x300, v18;
	v20 =	vsel vm10, $0x780, v20;
	v21 =	vsel vm5, $0x80, v21  }
0x60: {  	v19 =	vsel vm1, $0x280, v19;
	v22 =	vsel vm9, $0x700, v22;
	v23 =	vsel vm7, $0x300, v23  }
0x61: {  	v24 =	vsel vm7, $0x280, v24;
	v17 =	vsel vm8, $0x200, v17;
	v18 =	vsel vm2, $0x380, v18  }
0x62: {  	v16 =	vsel vm6, $0x600, v16;
	v20 =	vsel vm9, $0x0, v20;
	v21 =	vsel vm0, $0x100, v21  }
0x63: {  	v19 =	vsel vm2, $0x300, v19;
	v22 =	vsel vm8, $0x780, v22;
	v17 =	vsel vm5, $0x280, v17  }
0x64: {  	s6 =	rddreg [dreg:$0x0];
	v18 =	vsel vm3, $0x400, v18;
	v16 =	vsel vm7, $0x680, v16;
	v20 =	vsel vm8, $0x80, v20  }
0x65: {  	s5 =	rddreg [dreg:$0x1];
	v21 =	vsel vm1, $0x180, v21;
	v19 =	vsel vm3, $0x380, v19;
	v22 =	vsel vm5, $0x0, v22  }
0x66: {  	s1 =	rddreg [dreg:$0x2];
	v17 =	vsel vm0, $0x300, v17;
	v18 =	vsel vm4, $0x480, v18;
	v20 =	vsel vm5, $0x100, v20  }
0x67: {  	s0 =	rddreg [dreg:$0x3];
	s2 =	simm.s32 $0x0;
	s4 =	srdreg.scid;
	v21 =	vsel vm2, $0x200, v21;
	v19 =	vsel vm4, $0x400, v19;
	v22 =	vsel vm0, $0x80, v22  }
0x68: {  	s3 =	stileid.u32;
	s10 =	simm.s32 $0x5;
	s11 =	simm.s32 $0x80;
	v17 =	vsel vm1, $0x380, v17;
	v18 =	vsel vm6, $0x500, v18;
	v20 =	vsel vm0, $0x180, v20  }
0x69: {  	s12 =	simm.s32 $0x6400;
	s13 =	simm.s32 $0xA400;
	s14 =	simm.s32 $0x1;
	v21 =	vsel vm3, $0x280, v21;
	v19 =	vsel vm6, $0x480, v19;
	v22 =	vsel vm1, $0x100, v22  }
0x6a: {  	s15 =	simm.s32 $0xE400;
	s16 =	simm.s32 $0x2;
	s17 =	simm.s32 $0x4;
	v17 =	vsel vm2, $0x400, v17;
	v18 =	vsel vm7, $0x580, v18;
	v20 =	vsel vm1, $0x200, v20  }
0x6b: {  	s18 =	simm.s32 $0x10400;
	s19 =	simm.s32 $0x3;
	s20 =	simm.s32 $0x0;
	v21 =	vsel vm4, $0x300, v21;
	v19 =	vsel vm7, $0x500, v19;
	v22 =	vsel vm2, $0x180, v22  }
0x6c: {  	[smem:$0x7FF] =	sst s2;
	s4 =	sand.u32 $0x1, s4;
	s8 =	sshll.u32 s3, $0xB;
	v17 =	vsel vm3, $0x480, v17;
	v20 =	vsel vm2, $0x280, v20;
	v21 =	vsel vm6, $0x380, v21  }
0x6d: {  	s5 =	sadd.s32 $0x800, s5;
	s7 =	ssub.s32 $0x2, s4;
	s4 =	sshll.u32 s4, $0xA;
	v22 =	vsel vm3, $0x200, v22;
	v17 =	vsel vm4, $0x500, v17;
	v20 =	vsel vm3, $0x300, v20  }
0x6e: {  	_ =	strace $0x8000004A;
	s9 =	sshrl.u32 s7, $0x1;
	s4 =	sor.u32 s4, s8;
	v21 =	vsel vm7, $0x400, v21;
	v22 =	vsel vm4, $0x280, v22;
	v20 =	vsel vm4, $0x380, v20  }
0x6f: {  	s7 =	ssub.s32 s7, s9;
	s8 =	sshrl.u32 s4, $0x3;
	s9 =	simm.s32 $0x8000;
	v17 =	vsel vm6, $0x580, v17;
	v22 =	vsel vm6, $0x300, v22;
	v20 =	vsel vm6, $0x400, v20  }
0x70: {  	s6 =	sadd.s32 s6, s8;
	s7 =	smax.u32 s7, $0x1;
	s8 =	simm.s32 $0x400;
	v17 =	vsel vm7, $0x600, v17;
	v22 =	vsel vm7, $0x380, v22;
	v20 =	vsel vm7, $0x480, v20  }
.LBB2_1:
0x71: {  	[tilespmem:s2], [sflag:$0x5] =	stream.strided.gather [hbm4b:s6+s8], $0x6400, s9, s8, $0x38;
	[tilespmem:$0x12400] =	vst v63  }
0x72: {  	_ =	swait.ge [sflag:s10], $0x6400  }
0x73: {  	[sflag:s10] =	ssyncset.done $0x0  }
0x74: {  	s21 =	simm.s32 $0x0;
	[sflag:s10] =	ssyncadd.s32 $0xFFFF9C00  }
0x75: {  	[tilespmem:s12], [sflag:$0x1] =	stream.indirect.gather [hbm4b:s5+s11], $0x80, s2, s11, $0xb8;
	[tilespmem:$0x12400] =	vst v63  }
.LBB2_2:
0x76: {  	s22 =	sshllo.u32 s21, $0x1  }
0x77: {  	s23 =	sshll.u32 s22, $0x7  }
0x78: {  	s23 =	sand.u32 $0x3FFFFF80, s23  }
0x79: {  	[tilespmem:s13], [sflag:$0x2] =	stream.indirect.gather [hbm4b:s5+s11], $0x80, s23, s11, $0xb8;
	[tilespmem:$0x12400] =	vst v63  }
0x7a: {  	_ =	swait.ge [sflag:s14], $0x4000  }
0x7b: {  	p0 =	seq.s32 s21, $0x0;
	[sflag:s14] =	ssyncset.done $0x0  }
0x7c: {  	s23 =	simm.s32 @!p0 $0x3;
	[sflag:s14] =	ssyncadd.s32 $0xFFFFC000  }
0x7d: {  	_ =	swait.ge @!p0 [sflag:s23], $0x2000  }
0x7e: {  	[sflag:s23] =	ssyncset.done @!p0 $0x0  }
0x7f: {  	[sflag:s23] =	ssyncadd.s32 @!p0 $0xFFFFE000;
	s23 =	simm.s32 $0x0  }
.LBB2_3:
0x80: {  	s25 =	simm.s32 $0x0  }
0x81: {  	v32 =	vmov s25  }
0x82: {  	s24 =	sshll.u32 s23, $0x4;
	v48 =	vshll.u32 v32, $0x7  }
0x83: {  	v32 =	vor.u32 s24, v0;
	v33 =	vor.u32 v31, v48  }
0x84: {  	v34 =	vadd.s32 v32, v33;
	_ =	sdelay $0x2  }
0x85: {  	v49 =	vshll.u32 v32, $0x7  }
0x86: {  	v33 =	vor.u32 v0, v49  }
0x87: {  	v56 =	vor.u32 v30, v48;
	v36 =	vor.u32 s25, v33;
	v35 =	vld.idx.msk [tilespmem:v34+s12+$0x0], $0xffff  }
0x88: {  	v37 =	vadd.s32 v32, v56;
	_ =	sdelay $0x3  }
0x89: {  	v34 =	vor.u32 v1, v49;
	[tilespmem:v36+s15+$0x0] =	vst.idx.msk $0xffff, v35  }
0x8a: {  	v58 =	vor.u32 v29, v48;
	v57 =	vor.u32 s25, v34;
	v36 =	vld.idx.msk [tilespmem:v37+s12+$0x0], $0xffff  }
0x8b: {  	v38 =	vadd.s32 v32, v58;
	_ =	sdelay $0x3  }
0x8c: {  	v35 =	vor.u32 v2, v49;
	[tilespmem:v57+s15+$0x0] =	vst.idx.msk $0xffff, v36  }
0x8d: {  	v60 =	vor.u32 v28, v48;
	v59 =	vor.u32 s25, v35;
	v37 =	vld.idx.msk [tilespmem:v38+s12+$0x0], $0xffff  }
0x8e: {  	v39 =	vadd.s32 v32, v60;
	_ =	sdelay $0x3  }
0x8f: {  	v36 =	vor.u32 v3, v49;
	[tilespmem:v59+s15+$0x0] =	vst.idx.msk $0xffff, v37  }
0x90: {  	v62 =	vor.u32 v27, v48;
	v61 =	vor.u32 s25, v36;
	v38 =	vld.idx.msk [tilespmem:v39+s12+$0x0], $0xffff  }
0x91: {  	v40 =	vadd.s32 v32, v62;
	_ =	sdelay $0x3  }
0x92: {  	v37 =	vor.u32 v4, v49;
	[tilespmem:v61+s15+$0x0] =	vst.idx.msk $0xffff, v38  }
0x93: {  	v44 =	vor.u32 v26, v48;
	v63 =	vor.u32 s25, v37;
	v39 =	vld.idx.msk [tilespmem:v40+s12+$0x0], $0xffff  }
0x94: {  	v41 =	vadd.s32 v32, v44;
	_ =	sdelay $0x3  }
0x95: {  	v38 =	vor.u32 v5, v49;
	[tilespmem:v63+s15+$0x0] =	vst.idx.msk $0xffff, v39  }
0x96: {  	v46 =	vor.u32 v25, v48;
	v45 =	vor.u32 s25, v38;
	v40 =	vld.idx.msk [tilespmem:v41+s12+$0x0], $0xffff  }
0x97: {  	v42 =	vadd.s32 v32, v46;
	_ =	sdelay $0x3  }
0x98: {  	v39 =	vor.u32 v6, v49;
	[tilespmem:v45+s15+$0x0] =	vst.idx.msk $0xffff, v40  }
0x99: {  	v50 =	vor.u32 v24, v48;
	v47 =	vor.u32 s25, v39;
	v41 =	vld.idx.msk [tilespmem:v42+s12+$0x0], $0xffff  }
0x9a: {  	v43 =	vadd.s32 v32, v50;
	_ =	sdelay $0x3  }
0x9b: {  	v40 =	vor.u32 v7, v49;
	[tilespmem:v47+s15+$0x0] =	vst.idx.msk $0xffff, v41  }
0x9c: {  	v52 =	vor.u32 v23, v48;
	v51 =	vor.u32 s25, v40;
	v42 =	vld.idx.msk [tilespmem:v43+s12+$0x0], $0xffff  }
0x9d: {  	v44 =	vadd.s32 v32, v52;
	_ =	sdelay $0x3  }
0x9e: {  	v41 =	vor.u32 v8, v49;
	[tilespmem:v51+s15+$0x0] =	vst.idx.msk $0xffff, v42  }
0x9f: {  	v54 =	vor.u32 v22, v48;
	v53 =	vor.u32 s25, v41;
	v43 =	vld.idx.msk [tilespmem:v44+s12+$0x0], $0xffff  }
0xa0: {  	v45 =	vadd.s32 v32, v54;
	_ =	sdelay $0x3  }
0xa1: {  	v42 =	vor.u32 v9, v49;
	[tilespmem:v53+s15+$0x0] =	vst.idx.msk $0xffff, v43  }
0xa2: {  	v56 =	vor.u32 v21, v48;
	v55 =	vor.u32 s25, v42;
	v44 =	vld.idx.msk [tilespmem:v45+s12+$0x0], $0xffff  }
0xa3: {  	v46 =	vadd.s32 v32, v56;
	_ =	sdelay $0x3  }
0xa4: {  	v43 =	vor.u32 v10, v49;
	[tilespmem:v55+s15+$0x0] =	vst.idx.msk $0xffff, v44  }
0xa5: {  	v58 =	vor.u32 v20, v48;
	v57 =	vor.u32 s25, v43;
	v45 =	vld.idx.msk [tilespmem:v46+s12+$0x0], $0xffff  }
0xa6: {  	v47 =	vadd.s32 v32, v58;
	_ =	sdelay $0x3  }
0xa7: {  	v44 =	vor.u32 v11, v49;
	[tilespmem:v57+s15+$0x0] =	vst.idx.msk $0xffff, v45  }
0xa8: {  	v60 =	vor.u32 v19, v48;
	v59 =	vor.u32 s25, v44;
	v46 =	vld.idx.msk [tilespmem:v47+s12+$0x0], $0xffff  }
0xa9: {  	v50 =	vadd.s32 v32, v60;
	_ =	sdelay $0x3  }
0xaa: {  	v45 =	vor.u32 v12, v49;
	[tilespmem:v59+s15+$0x0] =	vst.idx.msk $0xffff, v46  }
0xab: {  	v62 =	vor.u32 v18, v48;
	v61 =	vor.u32 s25, v45;
	v47 =	vld.idx.msk [tilespmem:v50+s12+$0x0], $0xffff  }
0xac: {  	v51 =	vadd.s32 v32, v62;
	_ =	sdelay $0x3  }
0xad: {  	v46 =	vor.u32 v13, v49;
	[tilespmem:v61+s15+$0x0] =	vst.idx.msk $0xffff, v47  }
0xae: {  	v55 =	vor.u32 v17, v48;
	v63 =	vor.u32 s25, v46;
	v50 =	vld.idx.msk [tilespmem:v51+s12+$0x0], $0xffff  }
0xaf: {  	v52 =	vadd.s32 v32, v55;
	_ =	sdelay $0x3  }
0xb0: {  	v47 =	vor.u32 v14, v49;
	[tilespmem:v63+s15+$0x0] =	vst.idx.msk $0xffff, v50  }
0xb1: {  	v48 =	vor.u32 v16, v48;
	v56 =	vor.u32 s25, v47;
	v50 =	vld.idx.msk [tilespmem:v52+s12+$0x0], $0xffff  }
0xb2: {  	v57 =	vadd.s32 v32, v48;
	_ =	sdelay $0x1  }
0xb3: {  	s24 =	simm.s32 $0x10  }
0xb4: {  	v53 =	vmov s24  }
0xb5: {  	v48 =	vor.u32 v15, v49;
	v49 =	vshll.u32 v53, $0x7;
	[tilespmem:v56+s15+$0x0] =	vst.idx.msk $0xffff, v50  }
0xb6: {  	v58 =	vor.u32 s25, v48;
	v59 =	vor.u32 v31, v49;
	v50 =	vld.idx.msk [tilespmem:v57+s12+$0x0], $0xffff  }
0xb7: {  	v52 =	vadd.s32 v32, v59;
	_ =	sdelay $0x3  }
0xb8: {  	[tilespmem:v58+s15+$0x0] =	vst.idx.msk $0xffff, v50  }
0xb9: {  	v60 =	vor.u32 s24, v33;
	v61 =	vor.u32 v30, v49;
	v50 =	vld.idx.msk [tilespmem:v52+s12+$0x0], $0xffff  }
0xba: {  	v52 =	vadd.s32 v32, v61;
	_ =	sdelay $0x3  }
0xbb: {  	[tilespmem:v60+s15+$0x0] =	vst.idx.msk $0xffff, v50  }
0xbc: {  	v62 =	vor.u32 s24, v34;
	v63 =	vor.u32 v29, v49;
	v50 =	vld.idx.msk [tilespmem:v52+s12+$0x0], $0xffff  }
0xbd: {  	v52 =	vadd.s32 v32, v63;
	_ =	sdelay $0x3  }
0xbe: {  	[tilespmem:v62+s15+$0x0] =	vst.idx.msk $0xffff, v50  }
0xbf: {  	v56 =	vor.u32 s24, v35;
	v57 =	vor.u32 v28, v49;
	v50 =	vld.idx.msk [tilespmem:v52+s12+$0x0], $0xffff  }
0xc0: {  	v52 =	vadd.s32 v32, v57;
	_ =	sdelay $0x3  }
0xc1: {  	[tilespmem:v56+s15+$0x0] =	vst.idx.msk $0xffff, v50  }
0xc2: {  	v59 =	vor.u32 v27, v49;
	v58 =	vor.u32 s24, v36;
	v50 =	vld.idx.msk [tilespmem:v52+s12+$0x0], $0xffff  }
0xc3: {  	v52 =	vadd.s32 v32, v59;
	_ =	sdelay $0x3  }
0xc4: {  	[tilespmem:v58+s15+$0x0] =	vst.idx.msk $0xffff, v50  }
0xc5: {  	v61 =	vor.u32 v26, v49;
	v60 =	vor.u32 s24, v37;
	v50 =	vld.idx.msk [tilespmem:v52+s12+$0x0], $0xffff  }
0xc6: {  	v52 =	vadd.s32 v32, v61;
	_ =	sdelay $0x3  }
0xc7: {  	[tilespmem:v60+s15+$0x0] =	vst.idx.msk $0xffff, v50  }
0xc8: {  	v63 =	vor.u32 v25, v49;
	v62 =	vor.u32 s24, v38;
	v50 =	vld.idx.msk [tilespmem:v52+s12+$0x0], $0xffff  }
0xc9: {  	v52 =	vadd.s32 v32, v63;
	_ =	sdelay $0x3  }
0xca: {  	[tilespmem:v62+s15+$0x0] =	vst.idx.msk $0xffff, v50  }
0xcb: {  	v57 =	vor.u32 v24, v49;
	v56 =	vor.u32 s24, v39;
	v50 =	vld.idx.msk [tilespmem:v52+s12+$0x0], $0xffff  }
0xcc: {  	v52 =	vadd.s32 v32, v57;
	_ =	sdelay $0x3  }
0xcd: {  	[tilespmem:v56+s15+$0x0] =	vst.idx.msk $0xffff, v50  }
0xce: {  	v59 =	vor.u32 v23, v49;
	v58 =	vor.u32 s24, v40;
	v50 =	vld.idx.msk [tilespmem:v52+s12+$0x0], $0xffff  }
0xcf: {  	v52 =	vadd.s32 v32, v59;
	_ =	sdelay $0x3  }
0xd0: {  	[tilespmem:v58+s15+$0x0] =	vst.idx.msk $0xffff, v50  }
0xd1: {  	v61 =	vor.u32 v22, v49;
	v60 =	vor.u32 s24, v41;
	v50 =	vld.idx.msk [tilespmem:v52+s12+$0x0], $0xffff  }
0xd2: {  	v52 =	vadd.s32 v32, v61;
	_ =	sdelay $0x3  }
0xd3: {  	[tilespmem:v60+s15+$0x0] =	vst.idx.msk $0xffff, v50  }
0xd4: {  	v63 =	vor.u32 v21, v49;
	v62 =	vor.u32 s24, v42;
	v50 =	vld.idx.msk [tilespmem:v52+s12+$0x0], $0xffff  }
0xd5: {  	v52 =	vadd.s32 v32, v63;
	_ =	sdelay $0x3  }
0xd6: {  	[tilespmem:v62+s15+$0x0] =	vst.idx.msk $0xffff, v50  }
0xd7: {  	v57 =	vor.u32 v20, v49;
	v56 =	vor.u32 s24, v43;
	v50 =	vld.idx.msk [tilespmem:v52+s12+$0x0], $0xffff  }
0xd8: {  	v52 =	vadd.s32 v32, v57;
	_ =	sdelay $0x3  }
0xd9: {  	[tilespmem:v56+s15+$0x0] =	vst.idx.msk $0xffff, v50  }
0xda: {  	v59 =	vor.u32 v19, v49;
	v58 =	vor.u32 s24, v44;
	v50 =	vld.idx.msk [tilespmem:v52+s12+$0x0], $0xffff  }
0xdb: {  	v52 =	vadd.s32 v32, v59;
	_ =	sdelay $0x3  }
0xdc: {  	[tilespmem:v58+s15+$0x0] =	vst.idx.msk $0xffff, v50  }
0xdd: {  	v61 =	vor.u32 v18, v49;
	v60 =	vor.u32 s24, v45;
	v50 =	vld.idx.msk [tilespmem:v52+s12+$0x0], $0xffff  }
0xde: {  	v52 =	vadd.s32 v32, v61;
	_ =	sdelay $0x3  }
0xdf: {  	[tilespmem:v60+s15+$0x0] =	vst.idx.msk $0xffff, v50  }
0xe0: {  	v63 =	vor.u32 v17, v49;
	v62 =	vor.u32 s24, v46;
	v50 =	vld.idx.msk [tilespmem:v52+s12+$0x0], $0xffff  }
0xe1: {  	v52 =	vadd.s32 v32, v63;
	_ =	sdelay $0x3  }
0xe2: {  	[tilespmem:v62+s15+$0x0] =	vst.idx.msk $0xffff, v50  }
0xe3: {  	v51 =	vor.u32 s24, v47;
	v49 =	vor.u32 v16, v49;
	v50 =	vld.idx.msk [tilespmem:v52+s12+$0x0], $0xffff  }
0xe4: {  	v52 =	vadd.s32 v32, v49;
	_ =	sdelay $0x1  }
0xe5: {  	s26 =	simm.s32 $0x30;
	s25 =	simm.s32 $0x0  }
.LBB2_4:
0xe6: {  	s28 =	sadd.s32 $0xFFFFFFF0, s26;
	s25 =	sadd.s32 $0x2, s25  }
0xe7: {  	v49 =	vmov s28;
	p1 =	slt.u32 s25, $0x6;
	[tilespmem:v51+s15+$0x0] =	vst.idx.msk $0xffff, v50  }
0xe8: {  	v49 =	vshll.u32 v49, $0x7;
	v50 =	vld.idx.msk [tilespmem:v52+s12+$0x0], $0xffff  }
0xe9: {  	v52 =	vor.u32 s24, v48;
	s24 =	smov.u32 s26;
	v51 =	vor.u32 v31, v49  }
0xea: {  	v51 =	vadd.s32 v32, v51;
	_ =	sdelay $0x3  }
0xeb: {  	[tilespmem:v52+s15+$0x0] =	vst.idx.msk $0xffff, v50  }
0xec: {  	v50 =	vld.idx.msk [tilespmem:v51+s12+$0x0], $0xffff  }
0xed: {  	v52 =	vor.u32 v30, v49;
	v51 =	vor.u32 s28, v33  }
0xee: {  	v52 =	vadd.s32 v32, v52;
	_ =	sdelay $0x3  }
0xef: {  	[tilespmem:v51+s15+$0x0] =	vst.idx.msk $0xffff, v50  }
0xf0: {  	v50 =	vld.idx.msk [tilespmem:v52+s12+$0x0], $0xffff  }
0xf1: {  	v51 =	vor.u32 s28, v34;
	v52 =	vor.u32 v29, v49  }
0xf2: {  	v52 =	vadd.s32 v32, v52;
	_ =	sdelay $0x3  }
0xf3: {  	[tilespmem:v51+s15+$0x0] =	vst.idx.msk $0xffff, v50  }
0xf4: {  	v50 =	vld.idx.msk [tilespmem:v52+s12+$0x0], $0xffff  }
0xf5: {  	v51 =	vor.u32 s28, v35;
	v52 =	vor.u32 v28, v49  }
0xf6: {  	v52 =	vadd.s32 v32, v52;
	_ =	sdelay $0x3  }
0xf7: {  	[tilespmem:v51+s15+$0x0] =	vst.idx.msk $0xffff, v50  }
0xf8: {  	v50 =	vld.idx.msk [tilespmem:v52+s12+$0x0], $0xffff  }
0xf9: {  	v51 =	vor.u32 s28, v36;
	v52 =	vor.u32 v27, v49  }
0xfa: {  	v52 =	vadd.s32 v32, v52;
	_ =	sdelay $0x3  }
0xfb: {  	[tilespmem:v51+s15+$0x0] =	vst.idx.msk $0xffff, v50  }
0xfc: {  	v50 =	vld.idx.msk [tilespmem:v52+s12+$0x0], $0xffff  }
0xfd: {  	v51 =	vor.u32 s28, v37;
	v52 =	vor.u32 v26, v49  }
0xfe: {  	v52 =	vadd.s32 v32, v52;
	_ =	sdelay $0x3  }
0xff: {  	[tilespmem:v51+s15+$0x0] =	vst.idx.msk $0xffff, v50  }
0x100: {  	v50 =	vld.idx.msk [tilespmem:v52+s12+$0x0], $0xffff  }
0x101: {  	v51 =	vor.u32 s28, v38;
	v52 =	vor.u32 v25, v49  }
0x102: {  	v52 =	vadd.s32 v32, v52;
	_ =	sdelay $0x3  }
0x103: {  	[tilespmem:v51+s15+$0x0] =	vst.idx.msk $0xffff, v50  }
0x104: {  	v50 =	vld.idx.msk [tilespmem:v52+s12+$0x0], $0xffff  }
0x105: {  	v51 =	vor.u32 s28, v39;
	v52 =	vor.u32 v24, v49  }
0x106: {  	v52 =	vadd.s32 v32, v52;
	_ =	sdelay $0x3  }
0x107: {  	[tilespmem:v51+s15+$0x0] =	vst.idx.msk $0xffff, v50  }
0x108: {  	v50 =	vld.idx.msk [tilespmem:v52+s12+$0x0], $0xffff  }
0x109: {  	v51 =	vor.u32 s28, v40;
	v52 =	vor.u32 v23, v49  }
0x10a: {  	v52 =	vadd.s32 v32, v52;
	_ =	sdelay $0x3  }
0x10b: {  	[tilespmem:v51+s15+$0x0] =	vst.idx.msk $0xffff, v50  }
0x10c: {  	v50 =	vld.idx.msk [tilespmem:v52+s12+$0x0], $0xffff  }
0x10d: {  	v51 =	vor.u32 s28, v41;
	v52 =	vor.u32 v22, v49  }
0x10e: {  	v52 =	vadd.s32 v32, v52;
	_ =	sdelay $0x3  }
0x10f: {  	[tilespmem:v51+s15+$0x0] =	vst.idx.msk $0xffff, v50  }
0x110: {  	v50 =	vld.idx.msk [tilespmem:v52+s12+$0x0], $0xffff  }
0x111: {  	v51 =	vor.u32 s28, v42;
	v52 =	vor.u32 v21, v49  }
0x112: {  	v52 =	vadd.s32 v32, v52;
	_ =	sdelay $0x3  }
0x113: {  	[tilespmem:v51+s15+$0x0] =	vst.idx.msk $0xffff, v50  }
0x114: {  	v50 =	vld.idx.msk [tilespmem:v52+s12+$0x0], $0xffff  }
0x115: {  	v51 =	vor.u32 s28, v43;
	v52 =	vor.u32 v20, v49  }
0x116: {  	v52 =	vadd.s32 v32, v52;
	_ =	sdelay $0x3  }
0x117: {  	[tilespmem:v51+s15+$0x0] =	vst.idx.msk $0xffff, v50  }
0x118: {  	v50 =	vld.idx.msk [tilespmem:v52+s12+$0x0], $0xffff  }
0x119: {  	v51 =	vor.u32 s28, v44;
	v52 =	vor.u32 v19, v49  }
0x11a: {  	v52 =	vadd.s32 v32, v52;
	_ =	sdelay $0x3  }
0x11b: {  	[tilespmem:v51+s15+$0x0] =	vst.idx.msk $0xffff, v50  }
0x11c: {  	v50 =	vld.idx.msk [tilespmem:v52+s12+$0x0], $0xffff  }
0x11d: {  	v51 =	vor.u32 s28, v45;
	v52 =	vor.u32 v18, v49  }
0x11e: {  	v52 =	vadd.s32 v32, v52;
	_ =	sdelay $0x3  }
0x11f: {  	[tilespmem:v51+s15+$0x0] =	vst.idx.msk $0xffff, v50  }
0x120: {  	v50 =	vld.idx.msk [tilespmem:v52+s12+$0x0], $0xffff  }
0x121: {  	v51 =	vor.u32 s28, v46;
	v52 =	vor.u32 v17, v49  }
0x122: {  	v52 =	vadd.s32 v32, v52;
	_ =	sdelay $0x3  }
0x123: {  	[tilespmem:v51+s15+$0x0] =	vst.idx.msk $0xffff, v50  }
0x124: {  	v50 =	vld.idx.msk [tilespmem:v52+s12+$0x0], $0xffff  }
0x125: {  	v49 =	vor.u32 v16, v49;
	v51 =	vor.u32 s28, v47  }
0x126: {  	v49 =	vadd.s32 v32, v49;
	_ =	sdelay $0x3  }
0x127: {  	[tilespmem:v51+s15+$0x0] =	vst.idx.msk $0xffff, v50;
	v50 =	vmov s26  }
0x128: {  	v51 =	vld.idx.msk [tilespmem:v49+s12+$0x0], $0xffff;
	v49 =	vshll.u32 v50, $0x7  }
0x129: {  	v50 =	vor.u32 s28, v48;
	v52 =	vor.u32 v31, v49  }
0x12a: {  	v52 =	vadd.s32 v32, v52;
	_ =	sdelay $0x3  }
0x12b: {  	[tilespmem:v50+s15+$0x0] =	vst.idx.msk $0xffff, v51  }
0x12c: {  	v50 =	vld.idx.msk [tilespmem:v52+s12+$0x0], $0xffff  }
0x12d: {  	v51 =	vor.u32 s26, v33;
	v52 =	vor.u32 v30, v49  }
0x12e: {  	v52 =	vadd.s32 v32, v52;
	_ =	sdelay $0x3  }
0x12f: {  	[tilespmem:v51+s15+$0x0] =	vst.idx.msk $0xffff, v50  }
0x130: {  	v50 =	vld.idx.msk [tilespmem:v52+s12+$0x0], $0xffff  }
0x131: {  	v51 =	vor.u32 s26, v34;
	v52 =	vor.u32 v29, v49  }
0x132: {  	v52 =	vadd.s32 v32, v52;
	_ =	sdelay $0x3  }
0x133: {  	[tilespmem:v51+s15+$0x0] =	vst.idx.msk $0xffff, v50  }
0x134: {  	v50 =	vld.idx.msk [tilespmem:v52+s12+$0x0], $0xffff  }
0x135: {  	v51 =	vor.u32 s26, v35;
	v52 =	vor.u32 v28, v49  }
0x136: {  	v52 =	vadd.s32 v32, v52;
	_ =	sdelay $0x3  }
0x137: {  	[tilespmem:v51+s15+$0x0] =	vst.idx.msk $0xffff, v50  }
0x138: {  	v50 =	vld.idx.msk [tilespmem:v52+s12+$0x0], $0xffff  }
0x139: {  	v51 =	vor.u32 s26, v36;
	v52 =	vor.u32 v27, v49  }
0x13a: {  	v52 =	vadd.s32 v32, v52;
	_ =	sdelay $0x3  }
0x13b: {  	[tilespmem:v51+s15+$0x0] =	vst.idx.msk $0xffff, v50  }
0x13c: {  	v50 =	vld.idx.msk [tilespmem:v52+s12+$0x0], $0xffff  }
0x13d: {  	v51 =	vor.u32 s26, v37;
	v52 =	vor.u32 v26, v49  }
0x13e: {  	v52 =	vadd.s32 v32, v52;
	_ =	sdelay $0x3  }
0x13f: {  	[tilespmem:v51+s15+$0x0] =	vst.idx.msk $0xffff, v50  }
0x140: {  	v50 =	vld.idx.msk [tilespmem:v52+s12+$0x0], $0xffff  }
0x141: {  	v51 =	vor.u32 s26, v38;
	v52 =	vor.u32 v25, v49  }
0x142: {  	v52 =	vadd.s32 v32, v52;
	_ =	sdelay $0x3  }
0x143: {  	[tilespmem:v51+s15+$0x0] =	vst.idx.msk $0xffff, v50  }
0x144: {  	v50 =	vld.idx.msk [tilespmem:v52+s12+$0x0], $0xffff  }
0x145: {  	v51 =	vor.u32 s26, v39;
	v52 =	vor.u32 v24, v49  }
0x146: {  	v52 =	vadd.s32 v32, v52;
	_ =	sdelay $0x3  }
0x147: {  	[tilespmem:v51+s15+$0x0] =	vst.idx.msk $0xffff, v50  }
0x148: {  	v50 =	vld.idx.msk [tilespmem:v52+s12+$0x0], $0xffff  }
0x149: {  	v51 =	vor.u32 s26, v40;
	v52 =	vor.u32 v23, v49  }
0x14a: {  	v52 =	vadd.s32 v32, v52;
	_ =	sdelay $0x3  }
0x14b: {  	[tilespmem:v51+s15+$0x0] =	vst.idx.msk $0xffff, v50  }
0x14c: {  	v50 =	vld.idx.msk [tilespmem:v52+s12+$0x0], $0xffff  }
0x14d: {  	v51 =	vor.u32 s26, v41;
	v52 =	vor.u32 v22, v49  }
0x14e: {  	v52 =	vadd.s32 v32, v52;
	_ =	sdelay $0x3  }
0x14f: {  	[tilespmem:v51+s15+$0x0] =	vst.idx.msk $0xffff, v50  }
0x150: {  	v50 =	vld.idx.msk [tilespmem:v52+s12+$0x0], $0xffff  }
0x151: {  	v51 =	vor.u32 s26, v42;
	v52 =	vor.u32 v21, v49  }
0x152: {  	v52 =	vadd.s32 v32, v52;
	_ =	sdelay $0x3  }
0x153: {  	[tilespmem:v51+s15+$0x0] =	vst.idx.msk $0xffff, v50  }
0x154: {  	v50 =	vld.idx.msk [tilespmem:v52+s12+$0x0], $0xffff  }
0x155: {  	v51 =	vor.u32 s26, v43;
	v52 =	vor.u32 v20, v49  }
0x156: {  	v52 =	vadd.s32 v32, v52;
	_ =	sdelay $0x3  }
0x157: {  	[tilespmem:v51+s15+$0x0] =	vst.idx.msk $0xffff, v50  }
0x158: {  	v50 =	vld.idx.msk [tilespmem:v52+s12+$0x0], $0xffff  }
0x159: {  	v51 =	vor.u32 s26, v44;
	v52 =	vor.u32 v19, v49  }
0x15a: {  	v52 =	vadd.s32 v32, v52;
	_ =	sdelay $0x3  }
0x15b: {  	[tilespmem:v51+s15+$0x0] =	vst.idx.msk $0xffff, v50  }
0x15c: {  	v50 =	vld.idx.msk [tilespmem:v52+s12+$0x0], $0xffff  }
0x15d: {  	v51 =	vor.u32 s26, v45;
	v52 =	vor.u32 v18, v49  }
0x15e: {  	v52 =	vadd.s32 v32, v52;
	_ =	sdelay $0x3  }
0x15f: {  	[tilespmem:v51+s15+$0x0] =	vst.idx.msk $0xffff, v50  }
0x160: {  	v50 =	vld.idx.msk [tilespmem:v52+s12+$0x0], $0xffff  }
0x161: {  	v51 =	vor.u32 s26, v46;
	v52 =	vor.u32 v17, v49  }
0x162: {  	v52 =	vadd.s32 v32, v52;
	_ =	sdelay $0x3  }
0x163: {  	[tilespmem:v51+s15+$0x0] =	vst.idx.msk $0xffff, v50  }
.Ltmp0:
0x164: {  	v50 =	vld.idx.msk [tilespmem:v52+s12+$0x0], $0xffff;
	(pc) =	sbr.rel @p1 .LBB2_4-.Ltmp0, $3  }
0x165: {  	v49 =	vor.u32 v16, v49;
	v51 =	vor.u32 s26, v47  }
0x166: {  	v52 =	vadd.s32 v32, v49;
	_ =	sdelay $0x1  }
0x167: {  	s26 =	sadd.s32 $0x20, s26  }
0x168: {  	_ =	sdelay $0x3  }
0x169: {  	[tilespmem:v51+s15+$0x0] =	vst.idx.msk $0xffff, v50;
	s23 =	sadd.s32 $0x1, s23  }
0x16a: {  	v33 =	vor.u32 s24, v48;
	v32 =	vld.idx.msk [tilespmem:v52+s12+$0x0], $0xffff;
	p1 =	sne.s32 s23, $0x4  }
.Ltmp1:
0x16b: {  	_ = 	snop;
	(pc) =	sbr.rel @p1 .LBB2_3-.Ltmp1, $2  }
0x16c: {  	_ =	sdelay $0x2  }
0x16d: {  	[tilespmem:v33+s15+$0x0] =	vst.idx.msk $0xffff, v32  }
0x16e: {  	p1 =	sne.s32 s21, $0x63  }
.Ltmp2:
0x16f: {  	s23 =	sshll.u32 s21, $0x13;
	(pc) =	sbr.rel @p1 .LBB2_8-.Ltmp2, $4  }
0x170: {  	s23 =	sor.u32 s4, s23  }
0x171: {  	s23 =	sshrl.u32 s23, $0x3  }
0x172: {  	s23 =	sadd.s32 s1, s23  }
0x173: {  	[hbm4b:s23+s8] =	stream.strided.scatter [tilespmem:s15], [sflag:$0x3], $0x2000, s9, s8, $0x38;
	[tilespmem:$0x12400] =	vst v63  }
.Ltmp3:
0x174: {  	(pc) =	sbr.rel .LBB2_9-.Ltmp3, $4  }
0x175: {  	_ = 	snop  }
0x176: {  	_ =	swait.ge [sflag:s16], $0x4000  }
0x177: {  	[sflag:s16] =	ssyncset.done $0x0  }
0x178: {  	[sflag:s16] =	ssyncadd.s32 $0xFFFFC000  }
.LBB2_8:
0x179: {  	s23 =	sshll.u32 s21, $0x8  }
0x17a: {  	s23 =	sand.u32 $0x3FFFFF00, s23  }
.Ltmp4:
0x17b: {  	s23 =	sadd.s32 $0x100, s23;
	(pc) =	sbr.rel @p0 .LBB2_10-.Ltmp4, $4  }
0x17c: {  	[tilespmem:s12], [sflag:$0x1] =	stream.indirect.gather [hbm4b:s5+s11], $0x80, s23, s11, $0xb8;
	[tilespmem:$0x12400] =	vst v63  }
0x17d: {  	_ =	swait.ge [sflag:s16], $0x4000  }
0x17e: {  	[sflag:s16] =	ssyncset.done $0x0  }
0x17f: {  	[sflag:s16] =	ssyncadd.s32 $0xFFFFC000  }
.LBB2_9:
0x180: {  	_ =	swait.ge [sflag:s17], $0x2000  }
0x181: {  	[sflag:s17] =	ssyncset.done $0x0  }
0x182: {  	[sflag:s17] =	ssyncadd.s32 $0xFFFFE000  }
.LBB2_10:
0x183: {  	s23 =	simm.s32 $0x0  }
.LBB2_11:
0x184: {  	s25 =	simm.s32 $0x0  }
0x185: {  	v32 =	vmov s25  }
0x186: {  	s24 =	sshll.u32 s23, $0x4;
	v48 =	vshll.u32 v32, $0x7  }
0x187: {  	v32 =	vor.u32 s24, v0;
	v33 =	vor.u32 v31, v48  }
0x188: {  	v34 =	vadd.s32 v32, v33;
	_ =	sdelay $0x2  }
0x189: {  	v49 =	vshll.u32 v32, $0x7  }
0x18a: {  	v33 =	vor.u32 v0, v49  }
0x18b: {  	v56 =	vor.u32 v30, v48;
	v36 =	vor.u32 s25, v33;
	v35 =	vld.idx.msk [tilespmem:v34+s13+$0x0], $0xffff  }
0x18c: {  	v37 =	vadd.s32 v32, v56;
	_ =	sdelay $0x3  }
0x18d: {  	v34 =	vor.u32 v1, v49;
	[tilespmem:v36+s18+$0x0] =	vst.idx.msk $0xffff, v35  }
0x18e: {  	v58 =	vor.u32 v29, v48;
	v57 =	vor.u32 s25, v34;
	v36 =	vld.idx.msk [tilespmem:v37+s13+$0x0], $0xffff  }
0x18f: {  	v38 =	vadd.s32 v32, v58;
	_ =	sdelay $0x3  }
0x190: {  	v35 =	vor.u32 v2, v49;
	[tilespmem:v57+s18+$0x0] =	vst.idx.msk $0xffff, v36  }
0x191: {  	v60 =	vor.u32 v28, v48;
	v59 =	vor.u32 s25, v35;
	v37 =	vld.idx.msk [tilespmem:v38+s13+$0x0], $0xffff  }
0x192: {  	v39 =	vadd.s32 v32, v60;
	_ =	sdelay $0x3  }
0x193: {  	v36 =	vor.u32 v3, v49;
	[tilespmem:v59+s18+$0x0] =	vst.idx.msk $0xffff, v37  }
0x194: {  	v62 =	vor.u32 v27, v48;
	v61 =	vor.u32 s25, v36;
	v38 =	vld.idx.msk [tilespmem:v39+s13+$0x0], $0xffff  }
0x195: {  	v40 =	vadd.s32 v32, v62;
	_ =	sdelay $0x3  }
0x196: {  	v37 =	vor.u32 v4, v49;
	[tilespmem:v61+s18+$0x0] =	vst.idx.msk $0xffff, v38  }
0x197: {  	v44 =	vor.u32 v26, v48;
	v63 =	vor.u32 s25, v37;
	v39 =	vld.idx.msk [tilespmem:v40+s13+$0x0], $0xffff  }
0x198: {  	v41 =	vadd.s32 v32, v44;
	_ =	sdelay $0x3  }
0x199: {  	v38 =	vor.u32 v5, v49;
	[tilespmem:v63+s18+$0x0] =	vst.idx.msk $0xffff, v39  }
0x19a: {  	v46 =	vor.u32 v25, v48;
	v45 =	vor.u32 s25, v38;
	v40 =	vld.idx.msk [tilespmem:v41+s13+$0x0], $0xffff  }
0x19b: {  	v42 =	vadd.s32 v32, v46;
	_ =	sdelay $0x3  }
0x19c: {  	v39 =	vor.u32 v6, v49;
	[tilespmem:v45+s18+$0x0] =	vst.idx.msk $0xffff, v40  }
0x19d: {  	v50 =	vor.u32 v24, v48;
	v47 =	vor.u32 s25, v39;
	v41 =	vld.idx.msk [tilespmem:v42+s13+$0x0], $0xffff  }
0x19e: {  	v43 =	vadd.s32 v32, v50;
	_ =	sdelay $0x3  }
0x19f: {  	v40 =	vor.u32 v7, v49;
	[tilespmem:v47+s18+$0x0] =	vst.idx.msk $0xffff, v41  }
0x1a0: {  	v52 =	vor.u32 v23, v48;
	v51 =	vor.u32 s25, v40;
	v42 =	vld.idx.msk [tilespmem:v43+s13+$0x0], $0xffff  }
0x1a1: {  	v44 =	vadd.s32 v32, v52;
	_ =	sdelay $0x3  }
0x1a2: {  	v41 =	vor.u32 v8, v49;
	[tilespmem:v51+s18+$0x0] =	vst.idx.msk $0xffff, v42  }
0x1a3: {  	v54 =	vor.u32 v22, v48;
	v53 =	vor.u32 s25, v41;
	v43 =	vld.idx.msk [tilespmem:v44+s13+$0x0], $0xffff  }
0x1a4: {  	v45 =	vadd.s32 v32, v54;
	_ =	sdelay $0x3  }
0x1a5: {  	v42 =	vor.u32 v9, v49;
	[tilespmem:v53+s18+$0x0] =	vst.idx.msk $0xffff, v43  }
0x1a6: {  	v56 =	vor.u32 v21, v48;
	v55 =	vor.u32 s25, v42;
	v44 =	vld.idx.msk [tilespmem:v45+s13+$0x0], $0xffff  }
0x1a7: {  	v46 =	vadd.s32 v32, v56;
	_ =	sdelay $0x3  }
0x1a8: {  	v43 =	vor.u32 v10, v49;
	[tilespmem:v55+s18+$0x0] =	vst.idx.msk $0xffff, v44  }
0x1a9: {  	v58 =	vor.u32 v20, v48;
	v57 =	vor.u32 s25, v43;
	v45 =	vld.idx.msk [tilespmem:v46+s13+$0x0], $0xffff  }
0x1aa: {  	v47 =	vadd.s32 v32, v58;
	_ =	sdelay $0x3  }
0x1ab: {  	v44 =	vor.u32 v11, v49;
	[tilespmem:v57+s18+$0x0] =	vst.idx.msk $0xffff, v45  }
0x1ac: {  	v60 =	vor.u32 v19, v48;
	v59 =	vor.u32 s25, v44;
	v46 =	vld.idx.msk [tilespmem:v47+s13+$0x0], $0xffff  }
0x1ad: {  	v50 =	vadd.s32 v32, v60;
	_ =	sdelay $0x3  }
0x1ae: {  	v45 =	vor.u32 v12, v49;
	[tilespmem:v59+s18+$0x0] =	vst.idx.msk $0xffff, v46  }
0x1af: {  	v62 =	vor.u32 v18, v48;
	v61 =	vor.u32 s25, v45;
	v47 =	vld.idx.msk [tilespmem:v50+s13+$0x0], $0xffff  }
0x1b0: {  	v51 =	vadd.s32 v32, v62;
	_ =	sdelay $0x3  }
0x1b1: {  	v46 =	vor.u32 v13, v49;
	[tilespmem:v61+s18+$0x0] =	vst.idx.msk $0xffff, v47  }
0x1b2: {  	v55 =	vor.u32 v17, v48;
	v63 =	vor.u32 s25, v46;
	v50 =	vld.idx.msk [tilespmem:v51+s13+$0x0], $0xffff  }
0x1b3: {  	v52 =	vadd.s32 v32, v55;
	_ =	sdelay $0x3  }
0x1b4: {  	v47 =	vor.u32 v14, v49;
	[tilespmem:v63+s18+$0x0] =	vst.idx.msk $0xffff, v50  }
0x1b5: {  	v48 =	vor.u32 v16, v48;
	v56 =	vor.u32 s25, v47;
	v50 =	vld.idx.msk [tilespmem:v52+s13+$0x0], $0xffff  }
0x1b6: {  	v57 =	vadd.s32 v32, v48;
	_ =	sdelay $0x1  }
0x1b7: {  	s24 =	simm.s32 $0x10  }
0x1b8: {  	v53 =	vmov s24  }
0x1b9: {  	v48 =	vor.u32 v15, v49;
	v49 =	vshll.u32 v53, $0x7;
	[tilespmem:v56+s18+$0x0] =	vst.idx.msk $0xffff, v50  }
0x1ba: {  	v58 =	vor.u32 s25, v48;
	v59 =	vor.u32 v31, v49;
	v50 =	vld.idx.msk [tilespmem:v57+s13+$0x0], $0xffff  }
0x1bb: {  	v52 =	vadd.s32 v32, v59;
	_ =	sdelay $0x3  }
0x1bc: {  	[tilespmem:v58+s18+$0x0] =	vst.idx.msk $0xffff, v50  }
0x1bd: {  	v60 =	vor.u32 s24, v33;
	v61 =	vor.u32 v30, v49;
	v50 =	vld.idx.msk [tilespmem:v52+s13+$0x0], $0xffff  }
0x1be: {  	v52 =	vadd.s32 v32, v61;
	_ =	sdelay $0x3  }
0x1bf: {  	[tilespmem:v60+s18+$0x0] =	vst.idx.msk $0xffff, v50  }
0x1c0: {  	v62 =	vor.u32 s24, v34;
	v63 =	vor.u32 v29, v49;
	v50 =	vld.idx.msk [tilespmem:v52+s13+$0x0], $0xffff  }
0x1c1: {  	v52 =	vadd.s32 v32, v63;
	_ =	sdelay $0x3  }
0x1c2: {  	[tilespmem:v62+s18+$0x0] =	vst.idx.msk $0xffff, v50  }
0x1c3: {  	v56 =	vor.u32 s24, v35;
	v57 =	vor.u32 v28, v49;
	v50 =	vld.idx.msk [tilespmem:v52+s13+$0x0], $0xffff  }
0x1c4: {  	v52 =	vadd.s32 v32, v57;
	_ =	sdelay $0x3  }
0x1c5: {  	[tilespmem:v56+s18+$0x0] =	vst.idx.msk $0xffff, v50  }
0x1c6: {  	v59 =	vor.u32 v27, v49;
	v58 =	vor.u32 s24, v36;
	v50 =	vld.idx.msk [tilespmem:v52+s13+$0x0], $0xffff  }
0x1c7: {  	v52 =	vadd.s32 v32, v59;
	_ =	sdelay $0x3  }
0x1c8: {  	[tilespmem:v58+s18+$0x0] =	vst.idx.msk $0xffff, v50  }
0x1c9: {  	v61 =	vor.u32 v26, v49;
	v60 =	vor.u32 s24, v37;
	v50 =	vld.idx.msk [tilespmem:v52+s13+$0x0], $0xffff  }
0x1ca: {  	v52 =	vadd.s32 v32, v61;
	_ =	sdelay $0x3  }
0x1cb: {  	[tilespmem:v60+s18+$0x0] =	vst.idx.msk $0xffff, v50  }
0x1cc: {  	v63 =	vor.u32 v25, v49;
	v62 =	vor.u32 s24, v38;
	v50 =	vld.idx.msk [tilespmem:v52+s13+$0x0], $0xffff  }
0x1cd: {  	v52 =	vadd.s32 v32, v63;
	_ =	sdelay $0x3  }
0x1ce: {  	[tilespmem:v62+s18+$0x0] =	vst.idx.msk $0xffff, v50  }
0x1cf: {  	v57 =	vor.u32 v24, v49;
	v56 =	vor.u32 s24, v39;
	v50 =	vld.idx.msk [tilespmem:v52+s13+$0x0], $0xffff  }
0x1d0: {  	v52 =	vadd.s32 v32, v57;
	_ =	sdelay $0x3  }
0x1d1: {  	[tilespmem:v56+s18+$0x0] =	vst.idx.msk $0xffff, v50  }
0x1d2: {  	v59 =	vor.u32 v23, v49;
	v58 =	vor.u32 s24, v40;
	v50 =	vld.idx.msk [tilespmem:v52+s13+$0x0], $0xffff  }
0x1d3: {  	v52 =	vadd.s32 v32, v59;
	_ =	sdelay $0x3  }
0x1d4: {  	[tilespmem:v58+s18+$0x0] =	vst.idx.msk $0xffff, v50  }
0x1d5: {  	v61 =	vor.u32 v22, v49;
	v60 =	vor.u32 s24, v41;
	v50 =	vld.idx.msk [tilespmem:v52+s13+$0x0], $0xffff  }
0x1d6: {  	v52 =	vadd.s32 v32, v61;
	_ =	sdelay $0x3  }
0x1d7: {  	[tilespmem:v60+s18+$0x0] =	vst.idx.msk $0xffff, v50  }
0x1d8: {  	v63 =	vor.u32 v21, v49;
	v62 =	vor.u32 s24, v42;
	v50 =	vld.idx.msk [tilespmem:v52+s13+$0x0], $0xffff  }
0x1d9: {  	v52 =	vadd.s32 v32, v63;
	_ =	sdelay $0x3  }
0x1da: {  	[tilespmem:v62+s18+$0x0] =	vst.idx.msk $0xffff, v50  }
0x1db: {  	v57 =	vor.u32 v20, v49;
	v56 =	vor.u32 s24, v43;
	v50 =	vld.idx.msk [tilespmem:v52+s13+$0x0], $0xffff  }
0x1dc: {  	v52 =	vadd.s32 v32, v57;
	_ =	sdelay $0x3  }
0x1dd: {  	[tilespmem:v56+s18+$0x0] =	vst.idx.msk $0xffff, v50  }
0x1de: {  	v59 =	vor.u32 v19, v49;
	v58 =	vor.u32 s24, v44;
	v50 =	vld.idx.msk [tilespmem:v52+s13+$0x0], $0xffff  }
0x1df: {  	v52 =	vadd.s32 v32, v59;
	_ =	sdelay $0x3  }
0x1e0: {  	[tilespmem:v58+s18+$0x0] =	vst.idx.msk $0xffff, v50  }
0x1e1: {  	v61 =	vor.u32 v18, v49;
	v60 =	vor.u32 s24, v45;
	v50 =	vld.idx.msk [tilespmem:v52+s13+$0x0], $0xffff  }
0x1e2: {  	v52 =	vadd.s32 v32, v61;
	_ =	sdelay $0x3  }
0x1e3: {  	[tilespmem:v60+s18+$0x0] =	vst.idx.msk $0xffff, v50  }
0x1e4: {  	v63 =	vor.u32 v17, v49;
	v62 =	vor.u32 s24, v46;
	v50 =	vld.idx.msk [tilespmem:v52+s13+$0x0], $0xffff  }
0x1e5: {  	v52 =	vadd.s32 v32, v63;
	_ =	sdelay $0x3  }
0x1e6: {  	[tilespmem:v62+s18+$0x0] =	vst.idx.msk $0xffff, v50  }
0x1e7: {  	v51 =	vor.u32 s24, v47;
	v49 =	vor.u32 v16, v49;
	v50 =	vld.idx.msk [tilespmem:v52+s13+$0x0], $0xffff  }
0x1e8: {  	v52 =	vadd.s32 v32, v49;
	_ =	sdelay $0x1  }
0x1e9: {  	s26 =	simm.s32 $0x30;
	s25 =	simm.s32 $0x0  }
.LBB2_12:
0x1ea: {  	s28 =	sadd.s32 $0xFFFFFFF0, s26;
	s25 =	sadd.s32 $0x2, s25  }
0x1eb: {  	v49 =	vmov s28;
	p0 =	slt.u32 s25, $0x6;
	[tilespmem:v51+s18+$0x0] =	vst.idx.msk $0xffff, v50  }
0x1ec: {  	v49 =	vshll.u32 v49, $0x7;
	v50 =	vld.idx.msk [tilespmem:v52+s13+$0x0], $0xffff  }
0x1ed: {  	v52 =	vor.u32 s24, v48;
	s24 =	smov.u32 s26;
	v51 =	vor.u32 v31, v49  }
0x1ee: {  	v51 =	vadd.s32 v32, v51;
	_ =	sdelay $0x3  }
0x1ef: {  	[tilespmem:v52+s18+$0x0] =	vst.idx.msk $0xffff, v50  }
0x1f0: {  	v50 =	vld.idx.msk [tilespmem:v51+s13+$0x0], $0xffff  }
0x1f1: {  	v52 =	vor.u32 v30, v49;
	v51 =	vor.u32 s28, v33  }
0x1f2: {  	v52 =	vadd.s32 v32, v52;
	_ =	sdelay $0x3  }
0x1f3: {  	[tilespmem:v51+s18+$0x0] =	vst.idx.msk $0xffff, v50  }
0x1f4: {  	v50 =	vld.idx.msk [tilespmem:v52+s13+$0x0], $0xffff  }
0x1f5: {  	v51 =	vor.u32 s28, v34;
	v52 =	vor.u32 v29, v49  }
0x1f6: {  	v52 =	vadd.s32 v32, v52;
	_ =	sdelay $0x3  }
0x1f7: {  	[tilespmem:v51+s18+$0x0] =	vst.idx.msk $0xffff, v50  }
0x1f8: {  	v50 =	vld.idx.msk [tilespmem:v52+s13+$0x0], $0xffff  }
0x1f9: {  	v51 =	vor.u32 s28, v35;
	v52 =	vor.u32 v28, v49  }
0x1fa: {  	v52 =	vadd.s32 v32, v52;
	_ =	sdelay $0x3  }
0x1fb: {  	[tilespmem:v51+s18+$0x0] =	vst.idx.msk $0xffff, v50  }
0x1fc: {  	v50 =	vld.idx.msk [tilespmem:v52+s13+$0x0], $0xffff  }
0x1fd: {  	v51 =	vor.u32 s28, v36;
	v52 =	vor.u32 v27, v49  }
0x1fe: {  	v52 =	vadd.s32 v32, v52;
	_ =	sdelay $0x3  }
0x1ff: {  	[tilespmem:v51+s18+$0x0] =	vst.idx.msk $0xffff, v50  }
0x200: {  	v50 =	vld.idx.msk [tilespmem:v52+s13+$0x0], $0xffff  }
0x201: {  	v51 =	vor.u32 s28, v37;
	v52 =	vor.u32 v26, v49  }
0x202: {  	v52 =	vadd.s32 v32, v52;
	_ =	sdelay $0x3  }
0x203: {  	[tilespmem:v51+s18+$0x0] =	vst.idx.msk $0xffff, v50  }
0x204: {  	v50 =	vld.idx.msk [tilespmem:v52+s13+$0x0], $0xffff  }
0x205: {  	v51 =	vor.u32 s28, v38;
	v52 =	vor.u32 v25, v49  }
0x206: {  	v52 =	vadd.s32 v32, v52;
	_ =	sdelay $0x3  }
0x207: {  	[tilespmem:v51+s18+$0x0] =	vst.idx.msk $0xffff, v50  }
0x208: {  	v50 =	vld.idx.msk [tilespmem:v52+s13+$0x0], $0xffff  }
0x209: {  	v51 =	vor.u32 s28, v39;
	v52 =	vor.u32 v24, v49  }
0x20a: {  	v52 =	vadd.s32 v32, v52;
	_ =	sdelay $0x3  }
0x20b: {  	[tilespmem:v51+s18+$0x0] =	vst.idx.msk $0xffff, v50  }
0x20c: {  	v50 =	vld.idx.msk [tilespmem:v52+s13+$0x0], $0xffff  }
0x20d: {  	v51 =	vor.u32 s28, v40;
	v52 =	vor.u32 v23, v49  }
0x20e: {  	v52 =	vadd.s32 v32, v52;
	_ =	sdelay $0x3  }
0x20f: {  	[tilespmem:v51+s18+$0x0] =	vst.idx.msk $0xffff, v50  }
0x210: {  	v50 =	vld.idx.msk [tilespmem:v52+s13+$0x0], $0xffff  }
0x211: {  	v51 =	vor.u32 s28, v41;
	v52 =	vor.u32 v22, v49  }
0x212: {  	v52 =	vadd.s32 v32, v52;
	_ =	sdelay $0x3  }
0x213: {  	[tilespmem:v51+s18+$0x0] =	vst.idx.msk $0xffff, v50  }
0x214: {  	v50 =	vld.idx.msk [tilespmem:v52+s13+$0x0], $0xffff  }
0x215: {  	v51 =	vor.u32 s28, v42;
	v52 =	vor.u32 v21, v49  }
0x216: {  	v52 =	vadd.s32 v32, v52;
	_ =	sdelay $0x3  }
0x217: {  	[tilespmem:v51+s18+$0x0] =	vst.idx.msk $0xffff, v50  }
0x218: {  	v50 =	vld.idx.msk [tilespmem:v52+s13+$0x0], $0xffff  }
0x219: {  	v51 =	vor.u32 s28, v43;
	v52 =	vor.u32 v20, v49  }
0x21a: {  	v52 =	vadd.s32 v32, v52;
	_ =	sdelay $0x3  }
0x21b: {  	[tilespmem:v51+s18+$0x0] =	vst.idx.msk $0xffff, v50  }
0x21c: {  	v50 =	vld.idx.msk [tilespmem:v52+s13+$0x0], $0xffff  }
0x21d: {  	v51 =	vor.u32 s28, v44;
	v52 =	vor.u32 v19, v49  }
0x21e: {  	v52 =	vadd.s32 v32, v52;
	_ =	sdelay $0x3  }
0x21f: {  	[tilespmem:v51+s18+$0x0] =	vst.idx.msk $0xffff, v50  }
0x220: {  	v50 =	vld.idx.msk [tilespmem:v52+s13+$0x0], $0xffff  }
0x221: {  	v51 =	vor.u32 s28, v45;
	v52 =	vor.u32 v18, v49  }
0x222: {  	v52 =	vadd.s32 v32, v52;
	_ =	sdelay $0x3  }
0x223: {  	[tilespmem:v51+s18+$0x0] =	vst.idx.msk $0xffff, v50  }
0x224: {  	v50 =	vld.idx.msk [tilespmem:v52+s13+$0x0], $0xffff  }
0x225: {  	v51 =	vor.u32 s28, v46;
	v52 =	vor.u32 v17, v49  }
0x226: {  	v52 =	vadd.s32 v32, v52;
	_ =	sdelay $0x3  }
0x227: {  	[tilespmem:v51+s18+$0x0] =	vst.idx.msk $0xffff, v50  }
0x228: {  	v50 =	vld.idx.msk [tilespmem:v52+s13+$0x0], $0xffff  }
0x229: {  	v49 =	vor.u32 v16, v49;
	v51 =	vor.u32 s28, v47  }
0x22a: {  	v49 =	vadd.s32 v32, v49;
	_ =	sdelay $0x3  }
0x22b: {  	[tilespmem:v51+s18+$0x0] =	vst.idx.msk $0xffff, v50;
	v50 =	vmov s26  }
0x22c: {  	v51 =	vld.idx.msk [tilespmem:v49+s13+$0x0], $0xffff;
	v49 =	vshll.u32 v50, $0x7  }
0x22d: {  	v50 =	vor.u32 s28, v48;
	v52 =	vor.u32 v31, v49  }
0x22e: {  	v52 =	vadd.s32 v32, v52;
	_ =	sdelay $0x3  }
0x22f: {  	[tilespmem:v50+s18+$0x0] =	vst.idx.msk $0xffff, v51  }
0x230: {  	v50 =	vld.idx.msk [tilespmem:v52+s13+$0x0], $0xffff  }
0x231: {  	v51 =	vor.u32 s26, v33;
	v52 =	vor.u32 v30, v49  }
0x232: {  	v52 =	vadd.s32 v32, v52;
	_ =	sdelay $0x3  }
0x233: {  	[tilespmem:v51+s18+$0x0] =	vst.idx.msk $0xffff, v50  }
0x234: {  	v50 =	vld.idx.msk [tilespmem:v52+s13+$0x0], $0xffff  }
0x235: {  	v51 =	vor.u32 s26, v34;
	v52 =	vor.u32 v29, v49  }
0x236: {  	v52 =	vadd.s32 v32, v52;
	_ =	sdelay $0x3  }
0x237: {  	[tilespmem:v51+s18+$0x0] =	vst.idx.msk $0xffff, v50  }
0x238: {  	v50 =	vld.idx.msk [tilespmem:v52+s13+$0x0], $0xffff  }
0x239: {  	v51 =	vor.u32 s26, v35;
	v52 =	vor.u32 v28, v49  }
0x23a: {  	v52 =	vadd.s32 v32, v52;
	_ =	sdelay $0x3  }
0x23b: {  	[tilespmem:v51+s18+$0x0] =	vst.idx.msk $0xffff, v50  }
0x23c: {  	v50 =	vld.idx.msk [tilespmem:v52+s13+$0x0], $0xffff  }
0x23d: {  	v51 =	vor.u32 s26, v36;
	v52 =	vor.u32 v27, v49  }
0x23e: {  	v52 =	vadd.s32 v32, v52;
	_ =	sdelay $0x3  }
0x23f: {  	[tilespmem:v51+s18+$0x0] =	vst.idx.msk $0xffff, v50  }
0x240: {  	v50 =	vld.idx.msk [tilespmem:v52+s13+$0x0], $0xffff  }
0x241: {  	v51 =	vor.u32 s26, v37;
	v52 =	vor.u32 v26, v49  }
0x242: {  	v52 =	vadd.s32 v32, v52;
	_ =	sdelay $0x3  }
0x243: {  	[tilespmem:v51+s18+$0x0] =	vst.idx.msk $0xffff, v50  }
0x244: {  	v50 =	vld.idx.msk [tilespmem:v52+s13+$0x0], $0xffff  }
0x245: {  	v51 =	vor.u32 s26, v38;
	v52 =	vor.u32 v25, v49  }
0x246: {  	v52 =	vadd.s32 v32, v52;
	_ =	sdelay $0x3  }
0x247: {  	[tilespmem:v51+s18+$0x0] =	vst.idx.msk $0xffff, v50  }
0x248: {  	v50 =	vld.idx.msk [tilespmem:v52+s13+$0x0], $0xffff  }
0x249: {  	v51 =	vor.u32 s26, v39;
	v52 =	vor.u32 v24, v49  }
0x24a: {  	v52 =	vadd.s32 v32, v52;
	_ =	sdelay $0x3  }
0x24b: {  	[tilespmem:v51+s18+$0x0] =	vst.idx.msk $0xffff, v50  }
0x24c: {  	v50 =	vld.idx.msk [tilespmem:v52+s13+$0x0], $0xffff  }
0x24d: {  	v51 =	vor.u32 s26, v40;
	v52 =	vor.u32 v23, v49  }
0x24e: {  	v52 =	vadd.s32 v32, v52;
	_ =	sdelay $0x3  }
0x24f: {  	[tilespmem:v51+s18+$0x0] =	vst.idx.msk $0xffff, v50  }
0x250: {  	v50 =	vld.idx.msk [tilespmem:v52+s13+$0x0], $0xffff  }
0x251: {  	v51 =	vor.u32 s26, v41;
	v52 =	vor.u32 v22, v49  }
0x252: {  	v52 =	vadd.s32 v32, v52;
	_ =	sdelay $0x3  }
0x253: {  	[tilespmem:v51+s18+$0x0] =	vst.idx.msk $0xffff, v50  }
0x254: {  	v50 =	vld.idx.msk [tilespmem:v52+s13+$0x0], $0xffff  }
0x255: {  	v51 =	vor.u32 s26, v42;
	v52 =	vor.u32 v21, v49  }
0x256: {  	v52 =	vadd.s32 v32, v52;
	_ =	sdelay $0x3  }
0x257: {  	[tilespmem:v51+s18+$0x0] =	vst.idx.msk $0xffff, v50  }
0x258: {  	v50 =	vld.idx.msk [tilespmem:v52+s13+$0x0], $0xffff  }
0x259: {  	v51 =	vor.u32 s26, v43;
	v52 =	vor.u32 v20, v49  }
0x25a: {  	v52 =	vadd.s32 v32, v52;
	_ =	sdelay $0x3  }
0x25b: {  	[tilespmem:v51+s18+$0x0] =	vst.idx.msk $0xffff, v50  }
0x25c: {  	v50 =	vld.idx.msk [tilespmem:v52+s13+$0x0], $0xffff  }
0x25d: {  	v51 =	vor.u32 s26, v44;
	v52 =	vor.u32 v19, v49  }
0x25e: {  	v52 =	vadd.s32 v32, v52;
	_ =	sdelay $0x3  }
0x25f: {  	[tilespmem:v51+s18+$0x0] =	vst.idx.msk $0xffff, v50  }
0x260: {  	v50 =	vld.idx.msk [tilespmem:v52+s13+$0x0], $0xffff  }
0x261: {  	v51 =	vor.u32 s26, v45;
	v52 =	vor.u32 v18, v49  }
0x262: {  	v52 =	vadd.s32 v32, v52;
	_ =	sdelay $0x3  }
0x263: {  	[tilespmem:v51+s18+$0x0] =	vst.idx.msk $0xffff, v50  }
0x264: {  	v50 =	vld.idx.msk [tilespmem:v52+s13+$0x0], $0xffff  }
0x265: {  	v51 =	vor.u32 s26, v46;
	v52 =	vor.u32 v17, v49  }
0x266: {  	v52 =	vadd.s32 v32, v52;
	_ =	sdelay $0x3  }
0x267: {  	[tilespmem:v51+s18+$0x0] =	vst.idx.msk $0xffff, v50  }
.Ltmp5:
0x268: {  	v50 =	vld.idx.msk [tilespmem:v52+s13+$0x0], $0xffff;
	(pc) =	sbr.rel @p0 .LBB2_12-.Ltmp5, $3  }
0x269: {  	v49 =	vor.u32 v16, v49;
	v51 =	vor.u32 s26, v47  }
0x26a: {  	v52 =	vadd.s32 v32, v49;
	_ =	sdelay $0x1  }
0x26b: {  	s26 =	sadd.s32 $0x20, s26  }
0x26c: {  	_ =	sdelay $0x3  }
0x26d: {  	[tilespmem:v51+s18+$0x0] =	vst.idx.msk $0xffff, v50;
	s23 =	sadd.s32 $0x1, s23  }
0x26e: {  	v33 =	vor.u32 s24, v48;
	v32 =	vld.idx.msk [tilespmem:v52+s13+$0x0], $0xffff;
	p0 =	sne.s32 s23, $0x4  }
.Ltmp6:
0x26f: {  	_ = 	snop;
	(pc) =	sbr.rel @p0 .LBB2_11-.Ltmp6, $2  }
0x270: {  	_ =	sdelay $0x2  }
0x271: {  	[tilespmem:v33+s18+$0x0] =	vst.idx.msk $0xffff, v32  }
0x272: {  	s21 =	sadd.s32 $0x1, s21  }
0x273: {  	p0 =	sne.s32 s21, $0x64  }
.Ltmp7:
0x274: {  	s22 =	sshll.u32 s22, $0x12;
	(pc) =	sbr.rel @p0 .LBB2_2-.Ltmp7, $4  }
0x275: {  	s22 =	sor.u32 s4, s22  }
0x276: {  	s22 =	sshrl.u32 s22, $0x3  }
0x277: {  	s22 =	sadd.s32 s1, s22  }
0x278: {  	[hbm4b:s22+s8] =	stream.strided.scatter [tilespmem:s18], [sflag:$0x4], $0x2000, s9, s8, $0x38;
	[tilespmem:$0x12400] =	vst v63  }
0x279: {  	s20 =	sadd.s32 $0x1, s20  }
0x27a: {  	_ =	swait.ge [sflag:s19], $0x2000;
	p0 =	sne.s32 s20, s7  }
.Ltmp8:
0x27b: {  	[sflag:s19] =	ssyncset.done $0x0;
	(pc) =	sbr.rel @p0 .LBB2_1-.Ltmp8, $4  }
0x27c: {  	[sflag:s19] =	ssyncadd.s32 $0xFFFFE000  }
0x27d: {  	_ =	swait.ge [sflag:s17], $0x2000  }
0x27e: {  	[sflag:s17] =	ssyncset.done $0x0  }
0x27f: {  	[sflag:s17] =	ssyncadd.s32 $0xFFFFE000  }
0x280: {  	_ =	sfence.sel $0x180000  }
0x281: {  	[bflag:$0x0] =	sbarrier.arrive $0xFFFF  }
0x282: {  	p0 =	sne.s32 s3, $0x0;
	_ =	strace $0x9000004A  }
0x283: {  	s0 =	sadd.s32 @!p0 $0x100000, s0;
	[bflag:$0x2] =	sbarrier.arrive $0xFFFF  }
0x284: {  	[sflag:s0] =	ssyncadd.tile.s32 @!p0 $0x1;
	_ =	shalt  }
.Lfunc_end2:
_tile_overlayer_lowered:
.L_overlay_start_2:
0x285: {  	(tag) =	ssettag $0x2  }
0x286: {  	s0 =	rddreg [dreg:$0x0];
	s2 =	stileid.u32  }
0x287: {  	s1 =	rddreg [dreg:$0x1];
	p0 =	sne.s32 s2, $0x0  }
0x288: {  	s3 =	rddreg [dreg:$0x2];
	[bflag:$0x3] =	sbarrier.arrive $0xFFFF;
	s2 =	simm.s32 @!p0 $0x1C05  }
0x289: {  	[timem:s3], [sflag:s2] =	dma.local @!p0 [hbm:s0], s1  }
0x28a: {  	s0 =	simm.s32 @!p0 $0x5  }
0x28b: {  	_ =	swait.ge @!p0 [sflag:s0], s1  }
0x28c: {  	s1 =	ssub.s32 @!p0 $0x0, s1;
	[sflag:s0] =	ssyncset.done @!p0 $0x0  }
0x28d: {  	[sflag:s0] =	ssyncadd.s32 @!p0 s1  }
0x28e: {  	[bflag:$0x3] =	sbarrier.arrive $0xFFFF  }
0x28f: {  	_ =	shalt  }

</sc_bundles>
